<compile_context>
chip_gen: v7x
topology: tpu7x:2x2x1
jax: 0.10.2.dev20260603
libtpu: 0.0.44.dev20260713+nightly
codegen_flags: <defaults>
</compile_context>

<pallas_src>
import functools

import jax
import jax.numpy as jnp
import numpy as np
from jax import lax
from jax.experimental import pallas as pl
from jax.experimental.pallas import tpu as pltpu
from jax.experimental.pallas import tpu_sc as plsc

N = 10000
E = 320000
IN = 128
H = 4
C = 32
ED = 4
G = 16
D = H * C
EF = E + N

NC = 2
NS = 16
NW = NC * NS
CH = 128
N_PAD = 10240
SLAB = N_PAD // NS

W1 = 10496
E_PAD = W1 * NW
W2 = 10752
EF_PAD = W2 * NW
NCH1 = W1 // CH
NCH2 = W2 // CH


def _sc_mesh():
    return plsc.VectorSubcoreMesh(core_axis_name="c", subcore_axis_name="s",
                                  num_cores=NC, num_subcores=NS)


_SH = np.zeros((D, 16), np.float32)
_TS = np.zeros((16, D), np.float32)
for _c in range(D):
    _SH[_c, _c // C] = 1.0
    _TS[_c // C, _c] = 1.0
_CMASK = np.zeros((1, 16), np.float32)
_CMASK[0, :H] = 1.0


def _k0_body(x_ref, wl_ref, bl_ref, wr_ref, br_ref, xl_ref, xr_ref):
    xb = x_ref[...]
    xl_ref[...] = jnp.dot(xb, wl_ref[...], preferred_element_type=jnp.float32) + bl_ref[...]
    xr_ref[...] = jnp.dot(xb, wr_ref[...], preferred_element_type=jnp.float32) + br_ref[...]


def _dense_proj(x, Wl, bl, Wr, br):
    bk = 1000
    return pl.pallas_call(
        _k0_body,
        grid=(N // bk,),
        in_specs=[
            pl.BlockSpec((bk, IN), lambda i: (i, 0)),
            pl.BlockSpec((IN, D), lambda i: (0, 0)),
            pl.BlockSpec((1, D), lambda i: (0, 0)),
            pl.BlockSpec((IN, D), lambda i: (0, 0)),
            pl.BlockSpec((1, D), lambda i: (0, 0)),
        ],
        out_specs=[
            pl.BlockSpec((bk, D), lambda i: (i, 0)),
            pl.BlockSpec((bk, D), lambda i: (i, 0)),
        ],
        out_shape=[
            jax.ShapeDtypeStruct((N, D), jnp.float32),
            jax.ShapeDtypeStruct((N, D), jnp.float32),
        ],
    )(x, Wl, bl.reshape(1, D), Wr, br.reshape(1, D))


def _make_scatter_body(w, with_dep):
    nch = w // CH

    def body(*refs):
        if with_dep:
            (rows_hbm, dst_hbm, zn_hbm, _dep, out_hbm,
             idx_v, b0, b1, ls0, ls1, ss0, ss1, acc) = refs
        else:
            (rows_hbm, dst_hbm, zn_hbm, out_hbm,
             idx_v, b0, b1, ls0, ls1, ss0, ss1, acc) = refs
        c = lax.axis_index("c")
        s = lax.axis_index("s")
        wid = s * NC + c
        bufs = (b0, b1)
        lsems = (ls0, ls1)
        ssems = (ss0, ss1)
        pltpu.sync_copy(zn_hbm, b0)
        for r in range(SLAB // CH):
            pltpu.sync_copy(b0, acc.at[pl.ds(s * SLAB + r * CH, CH)])
        plsc.subcore_barrier()
        pltpu.sync_copy(dst_hbm.at[wid], idx_v)
        base = wid * w
        for p in range(2):
            pltpu.async_copy(rows_hbm.at[pl.ds(base + p * CH, CH)],
                             bufs[p], lsems[p])

        def step(j2, carry):
            for p in range(2):
                j = 2 * j2 + p
                pltpu.make_async_copy(rows_hbm.at[pl.ds(base, CH)],
                                      bufs[p], lsems[p]).wait()
                pltpu.async_copy(bufs[p], acc.at[idx_v.at[j]],
                                 ssems[p], add=True)
                pltpu.make_async_copy(bufs[p], acc.at[pl.ds(0, CH)],
                                      ssems[p]).wait()

                @pl.when(j + 2 < nch)
                def _():
                    pltpu.async_copy(rows_hbm.at[pl.ds(base + (j + 2) * CH, CH)],
                                     bufs[p], lsems[p])
            return carry

        lax.fori_loop(0, nch // 2, step, 0)
        plsc.subcore_barrier()
        for r in range(SLAB // CH):
            pltpu.sync_copy(acc.at[pl.ds(s * SLAB + r * CH, CH)], b0)
            pltpu.sync_copy(b0, out_hbm.at[c, pl.ds(s * SLAB + r * CH, CH)])

    return body


def _make_scatter_kernel(w, with_dep):
    return pl.kernel(
        _make_scatter_body(w, with_dep),
        out_type=jax.ShapeDtypeStruct((NC, N_PAD, D), jnp.float32),
        mesh=_sc_mesh(),
        scratch_types=[
            pltpu.VMEM((w // CH, CH), jnp.int32),
            pltpu.VMEM((CH, D), jnp.float32),
            pltpu.VMEM((CH, D), jnp.float32),
            pltpu.SemaphoreType.DMA,
            pltpu.SemaphoreType.DMA,
            pltpu.SemaphoreType.DMA,
            pltpu.SemaphoreType.DMA,
            pltpu.VMEM_SHARED((N_PAD, D), jnp.float32),
        ],
    )


def _k2_gather(xl_hbm, xr_hbm, src_hbm, dst_hbm, xlg_hbm, xrg_hbm,
               si_v, di_v, a0, a1, a2, b0, b1, b2,
               ga0, ga1, ga2, gb0, gb1, gb2, wa0, wa1, wa2, wb0, wb1, wb2):
    c = lax.axis_index("c")
    s = lax.axis_index("s")
    wid = s * NC + c
    abufs = (a0, a1, a2)
    bbufs = (b0, b1, b2)
    gsa = (ga0, ga1, ga2)
    gsb = (gb0, gb1, gb2)
    wsa = (wa0, wa1, wa2)
    wsb = (wb0, wb1, wb2)
    base = wid * W2
    pltpu.sync_copy(src_hbm.at[wid], si_v)
    pltpu.sync_copy(dst_hbm.at[wid], di_v)
    for p in range(2):
        pltpu.async_copy(xl_hbm.at[si_v.at[p]], abufs[p], gsa[p])
        pltpu.async_copy(xr_hbm.at[di_v.at[p]], bbufs[p], gsb[p])

    def step(j3, carry):
        for p in range(3):
            j = 3 * j3 + p
            pn = (p + 2) % 3
            off = base + j * CH
            pltpu.make_async_copy(xl_hbm.at[si_v.at[0]], abufs[p], gsa[p]).wait()
            pltpu.make_async_copy(xr_hbm.at[di_v.at[0]], bbufs[p], gsb[p]).wait()
            pltpu.async_copy(abufs[p], xlg_hbm.at[pl.ds(off, CH)], wsa[p])
            pltpu.async_copy(bbufs[p], xrg_hbm.at[pl.ds(off, CH)], wsb[p])

            @pl.when(j + 2 < NCH2)
            def _():
                @pl.when(j >= 1)
                def _():
                    pltpu.make_async_copy(abufs[pn], xlg_hbm.at[pl.ds(base, CH)],
                                          wsa[pn]).wait()
                    pltpu.make_async_copy(bbufs[pn], xrg_hbm.at[pl.ds(base, CH)],
                                          wsb[pn]).wait()
                pltpu.async_copy(xl_hbm.at[si_v.at[j + 2]], abufs[pn], gsa[pn])
                pltpu.async_copy(xr_hbm.at[di_v.at[j + 2]], bbufs[pn], gsb[pn])
        return carry

    lax.fori_loop(0, NCH2 // 3, step, 0)
    for p in range(3):
        pltpu.make_async_copy(abufs[p], xlg_hbm.at[pl.ds(base, CH)], wsa[p]).wait()
        pltpu.make_async_copy(bbufs[p], xrg_hbm.at[pl.ds(base, CH)], wsb[p]).wait()


@functools.lru_cache(maxsize=None)
def _sc_kernels():
    k1 = _make_scatter_kernel(W1, with_dep=False)
    k2 = pl.kernel(
        _k2_gather,
        out_type=(
            jax.ShapeDtypeStruct((EF_PAD, D), jnp.float32),
            jax.ShapeDtypeStruct((EF_PAD, D), jnp.float32),
        ),
        mesh=_sc_mesh(),
        scratch_types=(
            [pltpu.VMEM((NCH2, CH), jnp.int32)] * 2
            + [pltpu.VMEM((CH, D), jnp.float32)] * 6
            + [pltpu.SemaphoreType.DMA] * 12
        ),
    )
    k4a = _make_scatter_kernel(W2, with_dep=False)
    k4b = _make_scatter_kernel(W2, with_dep=True)
    return k1, k2, k4a, k4b


def _k3_body(xlg_ref, xrg_ref, ea8_ref, we8_ref, att_ref, sh_ref, ts_ref, cm_ref,
             contrib_ref, t128_ref):
    i = pl.program_id(0)
    xlg = xlg_ref[...]
    z = xlg + xrg_ref[...] + jnp.dot(ea8_ref[...], we8_ref[...],
                                     preferred_element_type=jnp.float32)
    m = jnp.maximum(z, 0.2 * z)
    p = m * att_ref[...]
    alpha16 = jnp.dot(p, sh_ref[...], preferred_element_type=jnp.float32)
    rows = i * 1024 + lax.broadcasted_iota(jnp.int32, (1024, 1), 0)
    valid = (rows < EF).astype(jnp.float32)
    t16 = jnp.exp(alpha16) * cm_ref[...] * valid
    t128 = jnp.dot(t16, ts_ref[...], preferred_element_type=jnp.float32)
    contrib_ref[...] = xlg * t128
    t128_ref[...] = t128


def _edge_math(xlg, xrg, eaf8, We8, att128, sh, ts, cmask):
    bk = 1024
    return pl.pallas_call(
        _k3_body,
        grid=(EF_PAD // bk,),
        in_specs=[
            pl.BlockSpec((bk, D), lambda i: (i, 0)),
            pl.BlockSpec((bk, D), lambda i: (i, 0)),
            pl.BlockSpec((bk, 8), lambda i: (i, 0)),
            pl.BlockSpec((8, D), lambda i: (0, 0)),
            pl.BlockSpec((1, D), lambda i: (0, 0)),
            pl.BlockSpec((D, 16), lambda i: (0, 0)),
            pl.BlockSpec((16, D), lambda i: (0, 0)),
            pl.BlockSpec((1, 16), lambda i: (0, 0)),
        ],
        out_specs=[
            pl.BlockSpec((bk, D), lambda i: (i, 0)),
            pl.BlockSpec((bk, D), lambda i: (i, 0)),
        ],
        out_shape=[
            jax.ShapeDtypeStruct((EF_PAD, D), jnp.float32),
            jax.ShapeDtypeStruct((EF_PAD, D), jnp.float32),
        ],
    )(xlg, xrg, eaf8, We8, att128, sh, ts, cmask)


def _k5_body(pa0_ref, pa1_ref, pb0_ref, pb1_ref, batch_ref, bias_ref,
             gs_ref, gc_ref):
    i = pl.program_id(0)
    num = pa0_ref[...] + pa1_ref[...]
    den = pb0_ref[...] + pb1_ref[...]
    node = jnp.maximum(num / (den + 1e-16) + bias_ref[...], 0.0)
    b = batch_ref[0]
    oh = (lax.broadcasted_iota(jnp.int32, (G, 400), 0) == b).astype(jnp.float32)
    gsb = jnp.dot(oh, node, preferred_element_type=jnp.float32)
    gcb = jnp.broadcast_to(jnp.sum(oh, axis=1, keepdims=True), (G, D))

    @pl.when(i == 0)
    def _():
        gs_ref[...] = jnp.zeros_like(gs_ref)
        gc_ref[...] = jnp.zeros_like(gc_ref)

    gs_ref[...] += gsb
    gc_ref[...] += gcb


def _pool(pa, pb, batch, bias):
    bk = 400
    return pl.pallas_call(
        _k5_body,
        grid=(N // bk,),
        in_specs=[
            pl.BlockSpec((bk, D), lambda i: (i, 0)),
            pl.BlockSpec((bk, D), lambda i: (i, 0)),
            pl.BlockSpec((bk, D), lambda i: (i, 0)),
            pl.BlockSpec((bk, D), lambda i: (i, 0)),
            pl.BlockSpec((1, 1, bk), lambda i: (i, 0, 0)),
            pl.BlockSpec((1, D), lambda i: (0, 0)),
        ],
        out_specs=[
            pl.BlockSpec((G, D), lambda i: (0, 0)),
            pl.BlockSpec((G, D), lambda i: (0, 0)),
        ],
        out_shape=[
            jax.ShapeDtypeStruct((G, D), jnp.float32),
            jax.ShapeDtypeStruct((G, D), jnp.float32),
        ],
    )(pa[0], pa[1], pb[0], pb[1], batch.reshape(N // bk, 1, bk),
      bias.reshape(1, D))


def kernel(x, edge_index, edge_attr, batch, Wl, bl, Wr, br, We, att, bias):
    f32 = jnp.float32
    src = edge_index[0]
    dst = edge_index[1]

    xl, xr = _dense_proj(x, Wl, bl, Wr, br)
    k1, k2, k4a, k4b = _sc_kernels()
    zn128 = jnp.zeros((CH, D), f32)

    ea128 = jnp.concatenate(
        [edge_attr, jnp.ones((E, 1), f32), jnp.zeros((E, D - ED - 1), f32)], axis=1)
    ea128 = jnp.pad(ea128, ((0, E_PAD - E), (0, 0)))
    spread1 = (jnp.arange(E_PAD - E, dtype=jnp.int32) * 37) % N
    dst_p = jnp.concatenate([dst, spread1]).reshape(NW, NCH1, CH)
    part = k1(ea128, dst_p, zn128)
    s = part[0, :N] + part[1, :N]
    loop_attr = s[:, :ED] / jnp.clip(s[:, ED:ED + 1], 1.0, None)

    loop = jnp.arange(N, dtype=src.dtype)
    spread2 = (jnp.arange(EF_PAD - EF, dtype=jnp.int32) * 37) % N
    srcf = jnp.concatenate([src, loop, spread2]).reshape(NW, NCH2, CH)
    dstf = jnp.concatenate([dst, loop, spread2]).reshape(NW, NCH2, CH)
    xlg, xrg = k2(xl, xr, srcf, dstf)

    eaf8 = jnp.pad(jnp.concatenate([edge_attr, loop_attr], axis=0),
                   ((0, EF_PAD - EF), (0, 4)))
    We8 = jnp.pad(We, ((0, 4), (0, 0)))
    att128 = att.reshape(1, D)
    contrib, t128 = _edge_math(xlg, xrg, eaf8, We8, att128,
                               jnp.asarray(_SH), jnp.asarray(_TS),
                               jnp.asarray(_CMASK))

    pa = k4a(contrib, dstf, zn128)
    pb = k4b(t128, dstf, zn128, pa)

    gs, gc = _pool(pa, pb, batch, bias)
    return gs / jnp.clip(gc, 1.0, None)

# --- scband reference (transcript-rebuilt; emitter-appended) ---
"""Pipeline reference for scband-tumor-graph-net-34557306864289 (READ-ONLY COPY).

The authoritative reference and input builder live on the scoring server;
editing this copy changes nothing except your own understanding.
"""

import jax, jax.numpy as jnp
import numpy as np

N = 10000
E = 320000
IN = 128
H = 4
C = 32
ED = 4
G = 16


def _glorot(key, shape):
    fan_in, fan_out = shape[0], shape[1]
    a = np.sqrt(6.0 / (fan_in + fan_out))
    return jax.random.uniform(key, shape, minval=-a, maxval=a, dtype=jnp.float32)


def setup_inputs(seed: int = 0) -> dict:
    key = jax.random.key(seed)
    ks = jax.random.split(key, 12)
    x = jax.random.normal(ks[0], (N, IN), dtype=jnp.float32)
    edge_index = jax.random.randint(ks[1], (2, E), 0, N, dtype=jnp.int32)
    edge_attr = jax.random.normal(ks[2], (E, ED), dtype=jnp.float32)
    batch = jnp.sort(jax.random.randint(ks[3], (N,), 0, G, dtype=jnp.int32))
    Wl = _glorot(ks[4], (IN, H * C))
    bl = jnp.zeros((H * C,), dtype=jnp.float32)
    Wr = _glorot(ks[5], (IN, H * C))
    br = jnp.zeros((H * C,), dtype=jnp.float32)
    We = _glorot(ks[6], (ED, H * C))
    att = _glorot(ks[7], (H, C))
    bias = jnp.zeros((H * C,), dtype=jnp.float32)
    return {"x": x, "edge_index": edge_index, "edge_attr": edge_attr, "batch": batch,
            "Wl": Wl, "bl": bl, "Wr": Wr, "br": br, "We": We, "att": att, "bias": bias}


def reference(x, edge_index, edge_attr, batch, Wl, bl, Wr, br, We, att, bias):
    src = edge_index[0]
    dst = edge_index[1]
    # add_self_loops with fill_value='mean' (PyG GATv2Conv default behavior)
    sums = jax.ops.segment_sum(edge_attr, dst, num_segments=N)
    cnts = jax.ops.segment_sum(jnp.ones((E,), dtype=jnp.float32), dst, num_segments=N)
    loop_attr = sums / jnp.clip(cnts, 1.0, None)[:, None]
    loop = jnp.arange(N, dtype=src.dtype)
    src_f = jnp.concatenate([src, loop])
    dst_f = jnp.concatenate([dst, loop])
    ea = jnp.concatenate([edge_attr, loop_attr], axis=0)
    # GATv2: x_l = W_l x (source), x_r = W_r x (target)
    xl = (x @ Wl + bl).reshape(N, H, C)
    xr = (x @ Wr + br).reshape(N, H, C)
    ef = (ea @ We).reshape(-1, H, C)
    m = xl[src_f] + xr[dst_f] + ef
    m = jax.nn.leaky_relu(m, negative_slope=0.2)
    alpha = jnp.sum(m * att[None, :, :], axis=-1)  # [E+N, H]
    # segment softmax over destination nodes (all segments nonempty due to self loops)
    amax = jax.ops.segment_max(alpha, dst_f, num_segments=N)
    alpha = jnp.exp(alpha - amax[dst_f])
    denom = jax.ops.segment_sum(alpha, dst_f, num_segments=N)
    alpha = alpha / (denom[dst_f] + 1e-16)
    out = jax.ops.segment_sum(xl[src_f] * alpha[:, :, None], dst_f, num_segments=N)
    out = out.reshape(N, H * C) + bias
    out = jax.nn.relu(out)
    # global_mean_pool
    gs = jax.ops.segment_sum(out, batch, num_segments=G)
    gc = jax.ops.segment_sum(jnp.ones((N,), dtype=jnp.float32), batch, num_segments=G)
    return gs / jnp.clip(gc, 1.0, None)[:, None]

if __name__ == "__main__":
    import jax
    _d = setup_inputs()
    print(jax.jit(kernel)(*tuple(_d.values())))

</pallas_src>

<mosaic_0001>
#map = affine_map<(d0, d1) -> (0, 0)>
#map1 = affine_map<(d0, d1) -> (0, 0, 0)>
module attributes {stable_mosaic.version = 14 : i64} {
  func.func @body(%arg0: i32, %arg1: i32, %arg2: memref<335872x128xf32, #tpu.memory_space<hbm>>, %arg3: memref<32x82x128xi32, #tpu.memory_space<hbm>>, %arg4: memref<128x128xf32, #tpu.memory_space<hbm>>, %arg5: memref<2x10240x128xf32, #tpu.memory_space<hbm>>, %arg6: memref<82x128xi32, #tpu.memory_space<vmem>>, %arg7: memref<128x128xf32, #tpu.memory_space<vmem>>, %arg8: memref<128x128xf32, #tpu.memory_space<vmem>>, %arg9: memref<!tpu.dma_semaphore, #tpu.memory_space<semaphore_mem>>, %arg10: memref<!tpu.dma_semaphore, #tpu.memory_space<semaphore_mem>>, %arg11: memref<!tpu.dma_semaphore, #tpu.memory_space<semaphore_mem>>, %arg12: memref<!tpu.dma_semaphore, #tpu.memory_space<semaphore_mem>>, %arg13: memref<10240x128xf32, #tpu.memory_space<vmem_shared>>) attributes {dimension_semantics = [#tpu.dimension_semantics<core_parallel>, #tpu.dimension_semantics<subcore_parallel>], iteration_bounds = array<i64: 2, 16>, scalar_prefetch = 0 : i64, scratch_operands = 8 : i64, tpu.core_type = #tpu.core_type<sc_vector_subcore>, window_params = [{transform_indices = #map}, {transform_indices = #map1}, {transform_indices = #map}, {transform_indices = #map1}]} {
    %mul3A = arith.constant 2 : i32
    %mul3A_0 = arith.muli %arg1, %mul3A : i32
    %add3A = arith.addi %mul3A_0, %arg0 : i32
    "tpu.region"() ({
      %run_scoped3A = tpu.sem_alloc : memref<!tpu.dma_semaphore, #tpu.memory_space<semaphore_mem>>
      tpu.enqueue_dma source(%arg4 : memref<128x128xf32, #tpu.memory_space<hbm>>) target(%arg7 : memref<128x128xf32, #tpu.memory_space<vmem>>) target_semaphore(%run_scoped3A : memref<!tpu.dma_semaphore, #tpu.memory_space<semaphore_mem>>)
      tpu.wait_dma2 semaphore(%run_scoped3A : memref<!tpu.dma_semaphore, #tpu.memory_space<semaphore_mem>>) src(%arg4 : memref<128x128xf32, #tpu.memory_space<hbm>>) dst(%arg7 : memref<128x128xf32, #tpu.memory_space<vmem>>)
      tpu.yield
    }) : () -> ()
    %mul3A_1 = arith.constant 640 : i32
    %mul3A_2 = arith.muli %arg1, %mul3A_1 : i32
    %add3A_3 = arith.constant 0 : i32
    %add3A_4 = arith.addi %mul3A_2, %add3A_3 : i32
    "tpu.region"() ({
      %run_scoped3A = tpu.sem_alloc : memref<!tpu.dma_semaphore, #tpu.memory_space<semaphore_mem>>
      %dma_start3A_80 = arith.constant 0 : i32
      %dma_start3A_81 = tpu.memref_slice %arg13[%add3A_4, %dma_start3A_80] : memref<10240x128xf32, #tpu.memory_space<vmem_shared>> -> memref<128x128xf32, #tpu.memory_space<vmem_shared>>
      %dma_start3A_82 = arith.constant 0 : i32
      %dma_start3A_83 = tpu.memref_slice %arg13[%add3A_4, %dma_start3A_82] : memref<10240x128xf32, #tpu.memory_space<vmem_shared>> -> memref<128x128xf32, #tpu.memory_space<vmem_shared>>
      tpu.enqueue_dma source(%arg7 : memref<128x128xf32, #tpu.memory_space<vmem>>) target(%dma_start3A_83 : memref<128x128xf32, #tpu.memory_space<vmem_shared>>) target_semaphore(%run_scoped3A : memref<!tpu.dma_semaphore, #tpu.memory_space<semaphore_mem>>)
      %dma_wait3A = arith.constant 0 : i32
      %dma_wait3A_84 = tpu.memref_slice %arg13[%add3A_4, %dma_wait3A] : memref<10240x128xf32, #tpu.memory_space<vmem_shared>> -> memref<128x128xf32, #tpu.memory_space<vmem_shared>>
      %dma_wait3A_85 = arith.constant 0 : i32
      %dma_wait3A_86 = tpu.memref_slice %arg13[%add3A_4, %dma_wait3A_85] : memref<10240x128xf32, #tpu.memory_space<vmem_shared>> -> memref<128x128xf32, #tpu.memory_space<vmem_shared>>
      tpu.wait_dma2 semaphore(%run_scoped3A : memref<!tpu.dma_semaphore, #tpu.memory_space<semaphore_mem>>) src(%arg7 : memref<128x128xf32, #tpu.memory_space<vmem>>) dst(%dma_wait3A_86 : memref<128x128xf32, #tpu.memory_space<vmem_shared>>)
      tpu.yield
    }) : () -> ()
    %mul3A_5 = arith.constant 640 : i32
    %mul3A_6 = arith.muli %arg1, %mul3A_5 : i32
    %add3A_7 = arith.constant 128 : i32
    %add3A_8 = arith.addi %mul3A_6, %add3A_7 : i32
    "tpu.region"() ({
      %run_scoped3A = tpu.sem_alloc : memref<!tpu.dma_semaphore, #tpu.memory_space<semaphore_mem>>
      %dma_start3A_80 = arith.constant 0 : i32
      %dma_start3A_81 = tpu.memref_slice %arg13[%add3A_8, %dma_start3A_80] : memref<10240x128xf32, #tpu.memory_space<vmem_shared>> -> memref<128x128xf32, #tpu.memory_space<vmem_shared>>
      %dma_start3A_82 = arith.constant 0 : i32
      %dma_start3A_83 = tpu.memref_slice %arg13[%add3A_8, %dma_start3A_82] : memref<10240x128xf32, #tpu.memory_space<vmem_shared>> -> memref<128x128xf32, #tpu.memory_space<vmem_shared>>
      tpu.enqueue_dma source(%arg7 : memref<128x128xf32, #tpu.memory_space<vmem>>) target(%dma_start3A_83 : memref<128x128xf32, #tpu.memory_space<vmem_shared>>) target_semaphore(%run_scoped3A : memref<!tpu.dma_semaphore, #tpu.memory_space<semaphore_mem>>)
      %dma_wait3A = arith.constant 0 : i32
      %dma_wait3A_84 = tpu.memref_slice %arg13[%add3A_8, %dma_wait3A] : memref<10240x128xf32, #tpu.memory_space<vmem_shared>> -> memref<128x128xf32, #tpu.memory_space<vmem_shared>>
      %dma_wait3A_85 = arith.constant 0 : i32
      %dma_wait3A_86 = tpu.memref_slice %arg13[%add3A_8, %dma_wait3A_85] : memref<10240x128xf32, #tpu.memory_space<vmem_shared>> -> memref<128x128xf32, #tpu.memory_space<vmem_shared>>
      tpu.wait_dma2 semaphore(%run_scoped3A : memref<!tpu.dma_semaphore, #tpu.memory_space<semaphore_mem>>) src(%arg7 : memref<128x128xf32, #tpu.memory_space<vmem>>) dst(%dma_wait3A_86 : memref<128x128xf32, #tpu.memory_space<vmem_shared>>)
      tpu.yield
    }) : () -> ()
    %mul3A_9 = arith.constant 640 : i32
    %mul3A_10 = arith.muli %arg1, %mul3A_9 : i32
    %add3A_11 = arith.constant 256 : i32
    %add3A_12 = arith.addi %mul3A_10, %add3A_11 : i32
    "tpu.region"() ({
      %run_scoped3A = tpu.sem_alloc : memref<!tpu.dma_semaphore, #tpu.memory_space<semaphore_mem>>
      %dma_start3A_80 = arith.constant 0 : i32
      %dma_start3A_81 = tpu.memref_slice %arg13[%add3A_12, %dma_start3A_80] : memref<10240x128xf32, #tpu.memory_space<vmem_shared>> -> memref<128x128xf32, #tpu.memory_space<vmem_shared>>
      %dma_start3A_82 = arith.constant 0 : i32
      %dma_start3A_83 = tpu.memref_slice %arg13[%add3A_12, %dma_start3A_82] : memref<10240x128xf32, #tpu.memory_space<vmem_shared>> -> memref<128x128xf32, #tpu.memory_space<vmem_shared>>
      tpu.enqueue_dma source(%arg7 : memref<128x128xf32, #tpu.memory_space<vmem>>) target(%dma_start3A_83 : memref<128x128xf32, #tpu.memory_space<vmem_shared>>) target_semaphore(%run_scoped3A : memref<!tpu.dma_semaphore, #tpu.memory_space<semaphore_mem>>)
      %dma_wait3A = arith.constant 0 : i32
      %dma_wait3A_84 = tpu.memref_slice %arg13[%add3A_12, %dma_wait3A] : memref<10240x128xf32, #tpu.memory_space<vmem_shared>> -> memref<128x128xf32, #tpu.memory_space<vmem_shared>>
      %dma_wait3A_85 = arith.constant 0 : i32
      %dma_wait3A_86 = tpu.memref_slice %arg13[%add3A_12, %dma_wait3A_85] : memref<10240x128xf32, #tpu.memory_space<vmem_shared>> -> memref<128x128xf32, #tpu.memory_space<vmem_shared>>
      tpu.wait_dma2 semaphore(%run_scoped3A : memref<!tpu.dma_semaphore, #tpu.memory_space<semaphore_mem>>) src(%arg7 : memref<128x128xf32, #tpu.memory_space<vmem>>) dst(%dma_wait3A_86 : memref<128x128xf32, #tpu.memory_space<vmem_shared>>)
      tpu.yield
    }) : () -> ()
    %mul3A_13 = arith.constant 640 : i32
    %mul3A_14 = arith.muli %arg1, %mul3A_13 : i32
    %add3A_15 = arith.constant 384 : i32
    %add3A_16 = arith.addi %mul3A_14, %add3A_15 : i32
    "tpu.region"() ({
      %run_scoped3A = tpu.sem_alloc : memref<!tpu.dma_semaphore, #tpu.memory_space<semaphore_mem>>
      %dma_start3A_80 = arith.constant 0 : i32
      %dma_start3A_81 = tpu.memref_slice %arg13[%add3A_16, %dma_start3A_80] : memref<10240x128xf32, #tpu.memory_space<vmem_shared>> -> memref<128x128xf32, #tpu.memory_space<vmem_shared>>
      %dma_start3A_82 = arith.constant 0 : i32
      %dma_start3A_83 = tpu.memref_slice %arg13[%add3A_16, %dma_start3A_82] : memref<10240x128xf32, #tpu.memory_space<vmem_shared>> -> memref<128x128xf32, #tpu.memory_space<vmem_shared>>
      tpu.enqueue_dma source(%arg7 : memref<128x128xf32, #tpu.memory_space<vmem>>) target(%dma_start3A_83 : memref<128x128xf32, #tpu.memory_space<vmem_shared>>) target_semaphore(%run_scoped3A : memref<!tpu.dma_semaphore, #tpu.memory_space<semaphore_mem>>)
      %dma_wait3A = arith.constant 0 : i32
      %dma_wait3A_84 = tpu.memref_slice %arg13[%add3A_16, %dma_wait3A] : memref<10240x128xf32, #tpu.memory_space<vmem_shared>> -> memref<128x128xf32, #tpu.memory_space<vmem_shared>>
      %dma_wait3A_85 = arith.constant 0 : i32
      %dma_wait3A_86 = tpu.memref_slice %arg13[%add3A_16, %dma_wait3A_85] : memref<10240x128xf32, #tpu.memory_space<vmem_shared>> -> memref<128x128xf32, #tpu.memory_space<vmem_shared>>
      tpu.wait_dma2 semaphore(%run_scoped3A : memref<!tpu.dma_semaphore, #tpu.memory_space<semaphore_mem>>) src(%arg7 : memref<128x128xf32, #tpu.memory_space<vmem>>) dst(%dma_wait3A_86 : memref<128x128xf32, #tpu.memory_space<vmem_shared>>)
      tpu.yield
    }) : () -> ()
    %mul3A_17 = arith.constant 640 : i32
    %mul3A_18 = arith.muli %arg1, %mul3A_17 : i32
    %add3A_19 = arith.constant 512 : i32
    %add3A_20 = arith.addi %mul3A_18, %add3A_19 : i32
    "tpu.region"() ({
      %run_scoped3A = tpu.sem_alloc : memref<!tpu.dma_semaphore, #tpu.memory_space<semaphore_mem>>
      %dma_start3A_80 = arith.constant 0 : i32
      %dma_start3A_81 = tpu.memref_slice %arg13[%add3A_20, %dma_start3A_80] : memref<10240x128xf32, #tpu.memory_space<vmem_shared>> -> memref<128x128xf32, #tpu.memory_space<vmem_shared>>
      %dma_start3A_82 = arith.constant 0 : i32
      %dma_start3A_83 = tpu.memref_slice %arg13[%add3A_20, %dma_start3A_82] : memref<10240x128xf32, #tpu.memory_space<vmem_shared>> -> memref<128x128xf32, #tpu.memory_space<vmem_shared>>
      tpu.enqueue_dma source(%arg7 : memref<128x128xf32, #tpu.memory_space<vmem>>) target(%dma_start3A_83 : memref<128x128xf32, #tpu.memory_space<vmem_shared>>) target_semaphore(%run_scoped3A : memref<!tpu.dma_semaphore, #tpu.memory_space<semaphore_mem>>)
      %dma_wait3A = arith.constant 0 : i32
      %dma_wait3A_84 = tpu.memref_slice %arg13[%add3A_20, %dma_wait3A] : memref<10240x128xf32, #tpu.memory_space<vmem_shared>> -> memref<128x128xf32, #tpu.memory_space<vmem_shared>>
      %dma_wait3A_85 = arith.constant 0 : i32
      %dma_wait3A_86 = tpu.memref_slice %arg13[%add3A_20, %dma_wait3A_85] : memref<10240x128xf32, #tpu.memory_space<vmem_shared>> -> memref<128x128xf32, #tpu.memory_space<vmem_shared>>
      tpu.wait_dma2 semaphore(%run_scoped3A : memref<!tpu.dma_semaphore, #tpu.memory_space<semaphore_mem>>) src(%arg7 : memref<128x128xf32, #tpu.memory_space<vmem>>) dst(%dma_wait3A_86 : memref<128x128xf32, #tpu.memory_space<vmem_shared>>)
      tpu.yield
    }) : () -> ()
    %barrier3A = arith.constant 0 : index
    tpu.barrier barrier_id(%barrier3A)
    "tpu.region"() ({
      %run_scoped3A = tpu.sem_alloc : memref<!tpu.dma_semaphore, #tpu.memory_space<semaphore_mem>>
      %dma_start3A_80 = arith.constant 0 : i32
      %dma_start3A_81 = arith.constant 0 : i32
      %dma_start3A_82 = tpu.memref_slice %arg3[%add3A, %dma_start3A_80, %dma_start3A_81] : memref<32x82x128xi32, #tpu.memory_space<hbm>> -> memref<1x82x128xi32, #tpu.memory_space<hbm>>
      %dma_start3A_83 = tpu.memref_squeeze %dma_start3A_82 : memref<1x82x128xi32, #tpu.memory_space<hbm>> -> memref<82x128xi32, #tpu.memory_space<hbm>>
      %dma_start3A_84 = arith.constant 0 : i32
      %dma_start3A_85 = arith.constant 0 : i32
      %dma_start3A_86 = tpu.memref_slice %arg3[%add3A, %dma_start3A_84, %dma_start3A_85] : memref<32x82x128xi32, #tpu.memory_space<hbm>> -> memref<1x82x128xi32, #tpu.memory_space<hbm>>
      %dma_start3A_87 = tpu.memref_squeeze %dma_start3A_86 : memref<1x82x128xi32, #tpu.memory_space<hbm>> -> memref<82x128xi32, #tpu.memory_space<hbm>>
      tpu.enqueue_dma source(%dma_start3A_87 : memref<82x128xi32, #tpu.memory_space<hbm>>) target(%arg6 : memref<82x128xi32, #tpu.memory_space<vmem>>) target_semaphore(%run_scoped3A : memref<!tpu.dma_semaphore, #tpu.memory_space<semaphore_mem>>)
      %dma_wait3A = arith.constant 0 : i32
      %dma_wait3A_88 = arith.constant 0 : i32
      %dma_wait3A_89 = tpu.memref_slice %arg3[%add3A, %dma_wait3A, %dma_wait3A_88] : memref<32x82x128xi32, #tpu.memory_space<hbm>> -> memref<1x82x128xi32, #tpu.memory_space<hbm>>
      %dma_wait3A_90 = tpu.memref_squeeze %dma_wait3A_89 : memref<1x82x128xi32, #tpu.memory_space<hbm>> -> memref<82x128xi32, #tpu.memory_space<hbm>>
      %dma_wait3A_91 = arith.constant 0 : i32
      %dma_wait3A_92 = arith.constant 0 : i32
      %dma_wait3A_93 = tpu.memref_slice %arg3[%add3A, %dma_wait3A_91, %dma_wait3A_92] : memref<32x82x128xi32, #tpu.memory_space<hbm>> -> memref<1x82x128xi32, #tpu.memory_space<hbm>>
      %dma_wait3A_94 = tpu.memref_squeeze %dma_wait3A_93 : memref<1x82x128xi32, #tpu.memory_space<hbm>> -> memref<82x128xi32, #tpu.memory_space<hbm>>
      tpu.wait_dma2 semaphore(%run_scoped3A : memref<!tpu.dma_semaphore, #tpu.memory_space<semaphore_mem>>) src(%dma_wait3A_94 : memref<82x128xi32, #tpu.memory_space<hbm>>) dst(%arg6 : memref<82x128xi32, #tpu.memory_space<vmem>>)
      tpu.yield
    }) : () -> ()
    %mul3A_21 = arith.constant 10496 : i32
    %mul3A_22 = arith.muli %add3A, %mul3A_21 : i32
    %add3A_23 = arith.constant 0 : i32
    %add3A_24 = arith.addi %mul3A_22, %add3A_23 : i32
    %dma_start3A = arith.constant 0 : i32
    %dma_start3A_25 = tpu.memref_slice %arg2[%add3A_24, %dma_start3A] : memref<335872x128xf32, #tpu.memory_space<hbm>> -> memref<128x128xf32, #tpu.memory_space<hbm>>
    %dma_start3A_26 = arith.constant 0 : i32
    %dma_start3A_27 = tpu.memref_slice %arg2[%add3A_24, %dma_start3A_26] : memref<335872x128xf32, #tpu.memory_space<hbm>> -> memref<128x128xf32, #tpu.memory_space<hbm>>
    tpu.enqueue_dma source(%dma_start3A_27 : memref<128x128xf32, #tpu.memory_space<hbm>>) target(%arg7 : memref<128x128xf32, #tpu.memory_space<vmem>>) target_semaphore(%arg9 : memref<!tpu.dma_semaphore, #tpu.memory_space<semaphore_mem>>)
    %add3A_28 = arith.constant 128 : i32
    %add3A_29 = arith.addi %mul3A_22, %add3A_28 : i32
    %dma_start3A_30 = arith.constant 0 : i32
    %dma_start3A_31 = tpu.memref_slice %arg2[%add3A_29, %dma_start3A_30] : memref<335872x128xf32, #tpu.memory_space<hbm>> -> memref<128x128xf32, #tpu.memory_space<hbm>>
    %dma_start3A_32 = arith.constant 0 : i32
    %dma_start3A_33 = tpu.memref_slice %arg2[%add3A_29, %dma_start3A_32] : memref<335872x128xf32, #tpu.memory_space<hbm>> -> memref<128x128xf32, #tpu.memory_space<hbm>>
    tpu.enqueue_dma source(%dma_start3A_33 : memref<128x128xf32, #tpu.memory_space<hbm>>) target(%arg8 : memref<128x128xf32, #tpu.memory_space<vmem>>) target_semaphore(%arg10 : memref<!tpu.dma_semaphore, #tpu.memory_space<semaphore_mem>>)
    %scan3A = arith.constant 0 : i32
    %scan3A_34 = arith.constant 0 : i32
    %scan3A_35 = arith.constant 41 : i32
    %scan3A_36 = arith.addi %scan3A_34, %scan3A_35 : i32
    %scan3A_37 = arith.constant 1 : i32
    scf.for %scan3A_80 = %scan3A_34 to %scan3A_36 step %scan3A_37  : i32 {
      %mul3A_81 = arith.constant 2 : i32
      %mul3A_82 = arith.muli %mul3A_81, %scan3A_80 : i32
      %add3A_83 = arith.constant 0 : i32
      %add3A_84 = arith.addi %mul3A_82, %add3A_83 : i32
      %dma_wait3A = arith.constant 0 : i32
      %dma_wait3A_85 = tpu.memref_slice %arg2[%mul3A_22, %dma_wait3A] : memref<335872x128xf32, #tpu.memory_space<hbm>> -> memref<128x128xf32, #tpu.memory_space<hbm>>
      %dma_wait3A_86 = arith.constant 0 : i32
      %dma_wait3A_87 = tpu.memref_slice %arg2[%mul3A_22, %dma_wait3A_86] : memref<335872x128xf32, #tpu.memory_space<hbm>> -> memref<128x128xf32, #tpu.memory_space<hbm>>
      tpu.wait_dma2 semaphore(%arg9 : memref<!tpu.dma_semaphore, #tpu.memory_space<semaphore_mem>>) src(%dma_wait3A_87 : memref<128x128xf32, #tpu.memory_space<hbm>>) dst(%arg7 : memref<128x128xf32, #tpu.memory_space<vmem>>)
      %dma_start3A_88 = arith.constant 0 : i32
      %dma_start3A_89 = tpu.memref_slice %arg6[%add3A_84, %dma_start3A_88] : memref<82x128xi32, #tpu.memory_space<vmem>> -> memref<1x128xi32, #tpu.memory_space<vmem>>
      %dma_start3A_90 = tpu.memref_squeeze %dma_start3A_89 : memref<1x128xi32, #tpu.memory_space<vmem>> -> memref<128xi32, #tpu.memory_space<vmem>>
      %dma_start3A_91 = arith.constant 0 : i32
      %dma_start3A_92 = arith.constant 0 : i32
      %dma_start3A_93 = tpu.memref_slice %arg13[%dma_start3A_91, %dma_start3A_92] : memref<10240x128xf32, #tpu.memory_space<vmem_shared>> -> memref<10240x128xf32, #tpu.memory_space<vmem_shared>>
      tpu.enqueue_indirect_dma source(%arg7 : memref<128x128xf32, #tpu.memory_space<vmem>>) target(%dma_start3A_93 : memref<10240x128xf32, #tpu.memory_space<vmem_shared>>) offsets(%dma_start3A_90 : memref<128xi32, #tpu.memory_space<vmem>>) semaphore(%arg11 : memref<!tpu.dma_semaphore, #tpu.memory_space<semaphore_mem>>) {add = true}
      %dma_wait3A_94 = arith.constant 0 : i32
      %dma_wait3A_95 = arith.constant 0 : i32
      %dma_wait3A_96 = tpu.memref_slice %arg13[%dma_wait3A_94, %dma_wait3A_95] : memref<10240x128xf32, #tpu.memory_space<vmem_shared>> -> memref<128x128xf32, #tpu.memory_space<vmem_shared>>
      %dma_wait3A_97 = arith.constant 0 : i32
      %dma_wait3A_98 = arith.constant 0 : i32
      %dma_wait3A_99 = tpu.memref_slice %arg13[%dma_wait3A_97, %dma_wait3A_98] : memref<10240x128xf32, #tpu.memory_space<vmem_shared>> -> memref<128x128xf32, #tpu.memory_space<vmem_shared>>
      tpu.wait_dma2 semaphore(%arg11 : memref<!tpu.dma_semaphore, #tpu.memory_space<semaphore_mem>>) src(%arg7 : memref<128x128xf32, #tpu.memory_space<vmem>>) dst(%dma_wait3A_99 : memref<128x128xf32, #tpu.memory_space<vmem_shared>>)
      %add3A_100 = arith.constant 2 : i32
      %add3A_101 = arith.addi %add3A_84, %add3A_100 : i32
      %lt3A = arith.constant 82 : i32
      %lt3A_102 = arith.cmpi slt, %add3A_101, %lt3A : i32
      %convert_element_type3A = arith.extui %lt3A_102 : i1 to i32
      %cond3A = arith.constant 0 : i32
      %cond3A_103 = arith.cmpi ne, %convert_element_type3A, %cond3A : i32
      scf.if %cond3A_103 {
        %add3A_131 = arith.constant 2 : i32
        %add3A_132 = arith.addi %add3A_84, %add3A_131 : i32
        %mul3A_133 = arith.constant 128 : i32
        %mul3A_134 = arith.muli %add3A_132, %mul3A_133 : i32
        %add3A_135 = arith.addi %mul3A_22, %mul3A_134 : i32
        %dma_start3A_136 = arith.constant 0 : i32
        %dma_start3A_137 = tpu.memref_slice %arg2[%add3A_135, %dma_start3A_136] : memref<335872x128xf32, #tpu.memory_space<hbm>> -> memref<128x128xf32, #tpu.memory_space<hbm>>
        %dma_start3A_138 = arith.constant 0 : i32
        %dma_start3A_139 = tpu.memref_slice %arg2[%add3A_135, %dma_start3A_138] : memref<335872x128xf32, #tpu.memory_space<hbm>> -> memref<128x128xf32, #tpu.memory_space<hbm>>
        tpu.enqueue_dma source(%dma_start3A_139 : memref<128x128xf32, #tpu.memory_space<hbm>>) target(%arg7 : memref<128x128xf32, #tpu.memory_space<vmem>>) target_semaphore(%arg9 : memref<!tpu.dma_semaphore, #tpu.memory_space<semaphore_mem>>)
      } else {
      }
      %mul3A_104 = arith.constant 2 : i32
      %mul3A_105 = arith.muli %mul3A_104, %scan3A_80 : i32
      %add3A_106 = arith.constant 1 : i32
      %add3A_107 = arith.addi %mul3A_105, %add3A_106 : i32
      %dma_wait3A_108 = arith.constant 0 : i32
      %dma_wait3A_109 = tpu.memref_slice %arg2[%mul3A_22, %dma_wait3A_108] : memref<335872x128xf32, #tpu.memory_space<hbm>> -> memref<128x128xf32, #tpu.memory_space<hbm>>
      %dma_wait3A_110 = arith.constant 0 : i32
      %dma_wait3A_111 = tpu.memref_slice %arg2[%mul3A_22, %dma_wait3A_110] : memref<335872x128xf32, #tpu.memory_space<hbm>> -> memref<128x128xf32, #tpu.memory_space<hbm>>
      tpu.wait_dma2 semaphore(%arg10 : memref<!tpu.dma_semaphore, #tpu.memory_space<semaphore_mem>>) src(%dma_wait3A_111 : memref<128x128xf32, #tpu.memory_space<hbm>>) dst(%arg8 : memref<128x128xf32, #tpu.memory_space<vmem>>)
      %dma_start3A_112 = arith.constant 0 : i32
      %dma_start3A_113 = tpu.memref_slice %arg6[%add3A_107, %dma_start3A_112] : memref<82x128xi32, #tpu.memory_space<vmem>> -> memref<1x128xi32, #tpu.memory_space<vmem>>
      %dma_start3A_114 = tpu.memref_squeeze %dma_start3A_113 : memref<1x128xi32, #tpu.memory_space<vmem>> -> memref<128xi32, #tpu.memory_space<vmem>>
      %dma_start3A_115 = arith.constant 0 : i32
      %dma_start3A_116 = arith.constant 0 : i32
      %dma_start3A_117 = tpu.memref_slice %arg13[%dma_start3A_115, %dma_start3A_116] : memref<10240x128xf32, #tpu.memory_space<vmem_shared>> -> memref<10240x128xf32, #tpu.memory_space<vmem_shared>>
      tpu.enqueue_indirect_dma source(%arg8 : memref<128x128xf32, #tpu.memory_space<vmem>>) target(%dma_start3A_117 : memref<10240x128xf32, #tpu.memory_space<vmem_shared>>) offsets(%dma_start3A_114 : memref<128xi32, #tpu.memory_space<vmem>>) semaphore(%arg12 : memref<!tpu.dma_semaphore, #tpu.memory_space<semaphore_mem>>) {add = true}
      %dma_wait3A_118 = arith.constant 0 : i32
      %dma_wait3A_119 = arith.constant 0 : i32
      %dma_wait3A_120 = tpu.memref_slice %arg13[%dma_wait3A_118, %dma_wait3A_119] : memref<10240x128xf32, #tpu.memory_space<vmem_shared>> -> memref<128x128xf32, #tpu.memory_space<vmem_shared>>
      %dma_wait3A_121 = arith.constant 0 : i32
      %dma_wait3A_122 = arith.constant 0 : i32
      %dma_wait3A_123 = tpu.memref_slice %arg13[%dma_wait3A_121, %dma_wait3A_122] : memref<10240x128xf32, #tpu.memory_space<vmem_shared>> -> memref<128x128xf32, #tpu.memory_space<vmem_shared>>
      tpu.wait_dma2 semaphore(%arg12 : memref<!tpu.dma_semaphore, #tpu.memory_space<semaphore_mem>>) src(%arg8 : memref<128x128xf32, #tpu.memory_space<vmem>>) dst(%dma_wait3A_123 : memref<128x128xf32, #tpu.memory_space<vmem_shared>>)
      %add3A_124 = arith.constant 2 : i32
      %add3A_125 = arith.addi %add3A_107, %add3A_124 : i32
      %lt3A_126 = arith.constant 82 : i32
      %lt3A_127 = arith.cmpi slt, %add3A_125, %lt3A_126 : i32
      %convert_element_type3A_128 = arith.extui %lt3A_127 : i1 to i32
      %cond3A_129 = arith.constant 0 : i32
      %cond3A_130 = arith.cmpi ne, %convert_element_type3A_128, %cond3A_129 : i32
      scf.if %cond3A_130 {
        %add3A_131 = arith.constant 2 : i32
        %add3A_132 = arith.addi %add3A_107, %add3A_131 : i32
        %mul3A_133 = arith.constant 128 : i32
        %mul3A_134 = arith.muli %add3A_132, %mul3A_133 : i32
        %add3A_135 = arith.addi %mul3A_22, %mul3A_134 : i32
        %dma_start3A_136 = arith.constant 0 : i32
        %dma_start3A_137 = tpu.memref_slice %arg2[%add3A_135, %dma_start3A_136] : memref<335872x128xf32, #tpu.memory_space<hbm>> -> memref<128x128xf32, #tpu.memory_space<hbm>>
        %dma_start3A_138 = arith.constant 0 : i32
        %dma_start3A_139 = tpu.memref_slice %arg2[%add3A_135, %dma_start3A_138] : memref<335872x128xf32, #tpu.memory_space<hbm>> -> memref<128x128xf32, #tpu.memory_space<hbm>>
        tpu.enqueue_dma source(%dma_start3A_139 : memref<128x128xf32, #tpu.memory_space<hbm>>) target(%arg8 : memref<128x128xf32, #tpu.memory_space<vmem>>) target_semaphore(%arg10 : memref<!tpu.dma_semaphore, #tpu.memory_space<semaphore_mem>>)
      } else {
      }
    }
    %scan3A_38 = arith.constant 41 : i32
    %barrier3A_39 = arith.constant 0 : index
    tpu.barrier barrier_id(%barrier3A_39)
    %mul3A_40 = arith.constant 640 : i32
    %mul3A_41 = arith.muli %arg1, %mul3A_40 : i32
    %add3A_42 = arith.constant 0 : i32
    %add3A_43 = arith.addi %mul3A_41, %add3A_42 : i32
    "tpu.region"() ({
      %run_scoped3A = tpu.sem_alloc : memref<!tpu.dma_semaphore, #tpu.memory_space<semaphore_mem>>
      %dma_start3A_80 = arith.constant 0 : i32
      %dma_start3A_81 = tpu.memref_slice %arg13[%add3A_43, %dma_start3A_80] : memref<10240x128xf32, #tpu.memory_space<vmem_shared>> -> memref<128x128xf32, #tpu.memory_space<vmem_shared>>
      %dma_start3A_82 = arith.constant 0 : i32
      %dma_start3A_83 = tpu.memref_slice %arg13[%add3A_43, %dma_start3A_82] : memref<10240x128xf32, #tpu.memory_space<vmem_shared>> -> memref<128x128xf32, #tpu.memory_space<vmem_shared>>
      tpu.enqueue_dma source(%dma_start3A_83 : memref<128x128xf32, #tpu.memory_space<vmem_shared>>) target(%arg7 : memref<128x128xf32, #tpu.memory_space<vmem>>) target_semaphore(%run_scoped3A : memref<!tpu.dma_semaphore, #tpu.memory_space<semaphore_mem>>)
      %dma_wait3A = arith.constant 0 : i32
      %dma_wait3A_84 = tpu.memref_slice %arg13[%add3A_43, %dma_wait3A] : memref<10240x128xf32, #tpu.memory_space<vmem_shared>> -> memref<128x128xf32, #tpu.memory_space<vmem_shared>>
      %dma_wait3A_85 = arith.constant 0 : i32
      %dma_wait3A_86 = tpu.memref_slice %arg13[%add3A_43, %dma_wait3A_85] : memref<10240x128xf32, #tpu.memory_space<vmem_shared>> -> memref<128x128xf32, #tpu.memory_space<vmem_shared>>
      tpu.wait_dma2 semaphore(%run_scoped3A : memref<!tpu.dma_semaphore, #tpu.memory_space<semaphore_mem>>) src(%dma_wait3A_86 : memref<128x128xf32, #tpu.memory_space<vmem_shared>>) dst(%arg7 : memref<128x128xf32, #tpu.memory_space<vmem>>)
      tpu.yield
    }) : () -> ()
    %mul3A_44 = arith.constant 640 : i32
    %mul3A_45 = arith.muli %arg1, %mul3A_44 : i32
    %add3A_46 = arith.constant 0 : i32
    %add3A_47 = arith.addi %mul3A_45, %add3A_46 : i32
    "tpu.region"() ({
      %run_scoped3A = tpu.sem_alloc : memref<!tpu.dma_semaphore, #tpu.memory_space<semaphore_mem>>
      %dma_start3A_80 = arith.constant 0 : i32
      %dma_start3A_81 = tpu.memref_slice %arg5[%arg0, %add3A_47, %dma_start3A_80] : memref<2x10240x128xf32, #tpu.memory_space<hbm>> -> memref<1x128x128xf32, #tpu.memory_space<hbm>>
      %dma_start3A_82 = tpu.memref_squeeze %dma_start3A_81 : memref<1x128x128xf32, #tpu.memory_space<hbm>> -> memref<128x128xf32, #tpu.memory_space<hbm>>
      %dma_start3A_83 = arith.constant 0 : i32
      %dma_start3A_84 = tpu.memref_slice %arg5[%arg0, %add3A_47, %dma_start3A_83] : memref<2x10240x128xf32, #tpu.memory_space<hbm>> -> memref<1x128x128xf32, #tpu.memory_space<hbm>>
      %dma_start3A_85 = tpu.memref_squeeze %dma_start3A_84 : memref<1x128x128xf32, #tpu.memory_space<hbm>> -> memref<128x128xf32, #tpu.memory_space<hbm>>
      tpu.enqueue_dma source(%arg7 : memref<128x128xf32, #tpu.memory_space<vmem>>) target(%dma_start3A_85 : memref<128x128xf32, #tpu.memory_space<hbm>>) target_semaphore(%run_scoped3A : memref<!tpu.dma_semaphore, #tpu.memory_space<semaphore_mem>>)
      %dma_wait3A = arith.constant 0 : i32
      %dma_wait3A_86 = tpu.memref_slice %arg5[%arg0, %add3A_47, %dma_wait3A] : memref<2x10240x128xf32, #tpu.memory_space<hbm>> -> memref<1x128x128xf32, #tpu.memory_space<hbm>>
      %dma_wait3A_87 = tpu.memref_squeeze %dma_wait3A_86 : memref<1x128x128xf32, #tpu.memory_space<hbm>> -> memref<128x128xf32, #tpu.memory_space<hbm>>
      %dma_wait3A_88 = arith.constant 0 : i32
      %dma_wait3A_89 = tpu.memref_slice %arg5[%arg0, %add3A_47, %dma_wait3A_88] : memref<2x10240x128xf32, #tpu.memory_space<hbm>> -> memref<1x128x128xf32, #tpu.memory_space<hbm>>
      %dma_wait3A_90 = tpu.memref_squeeze %dma_wait3A_89 : memref<1x128x128xf32, #tpu.memory_space<hbm>> -> memref<128x128xf32, #tpu.memory_space<hbm>>
      tpu.wait_dma2 semaphore(%run_scoped3A : memref<!tpu.dma_semaphore, #tpu.memory_space<semaphore_mem>>) src(%arg7 : memref<128x128xf32, #tpu.memory_space<vmem>>) dst(%dma_wait3A_90 : memref<128x128xf32, #tpu.memory_space<hbm>>)
      tpu.yield
    }) : () -> ()
    %mul3A_48 = arith.constant 640 : i32
    %mul3A_49 = arith.muli %arg1, %mul3A_48 : i32
    %add3A_50 = arith.constant 128 : i32
    %add3A_51 = arith.addi %mul3A_49, %add3A_50 : i32
    "tpu.region"() ({
      %run_scoped3A = tpu.sem_alloc : memref<!tpu.dma_semaphore, #tpu.memory_space<semaphore_mem>>
      %dma_start3A_80 = arith.constant 0 : i32
      %dma_start3A_81 = tpu.memref_slice %arg13[%add3A_51, %dma_start3A_80] : memref<10240x128xf32, #tpu.memory_space<vmem_shared>> -> memref<128x128xf32, #tpu.memory_space<vmem_shared>>
      %dma_start3A_82 = arith.constant 0 : i32
      %dma_start3A_83 = tpu.memref_slice %arg13[%add3A_51, %dma_start3A_82] : memref<10240x128xf32, #tpu.memory_space<vmem_shared>> -> memref<128x128xf32, #tpu.memory_space<vmem_shared>>
      tpu.enqueue_dma source(%dma_start3A_83 : memref<128x128xf32, #tpu.memory_space<vmem_shared>>) target(%arg7 : memref<128x128xf32, #tpu.memory_space<vmem>>) target_semaphore(%run_scoped3A : memref<!tpu.dma_semaphore, #tpu.memory_space<semaphore_mem>>)
      %dma_wait3A = arith.constant 0 : i32
      %dma_wait3A_84 = tpu.memref_slice %arg13[%add3A_51, %dma_wait3A] : memref<10240x128xf32, #tpu.memory_space<vmem_shared>> -> memref<128x128xf32, #tpu.memory_space<vmem_shared>>
      %dma_wait3A_85 = arith.constant 0 : i32
      %dma_wait3A_86 = tpu.memref_slice %arg13[%add3A_51, %dma_wait3A_85] : memref<10240x128xf32, #tpu.memory_space<vmem_shared>> -> memref<128x128xf32, #tpu.memory_space<vmem_shared>>
      tpu.wait_dma2 semaphore(%run_scoped3A : memref<!tpu.dma_semaphore, #tpu.memory_space<semaphore_mem>>) src(%dma_wait3A_86 : memref<128x128xf32, #tpu.memory_space<vmem_shared>>) dst(%arg7 : memref<128x128xf32, #tpu.memory_space<vmem>>)
      tpu.yield
    }) : () -> ()
    %mul3A_52 = arith.constant 640 : i32
    %mul3A_53 = arith.muli %arg1, %mul3A_52 : i32
    %add3A_54 = arith.constant 128 : i32
    %add3A_55 = arith.addi %mul3A_53, %add3A_54 : i32
    "tpu.region"() ({
      %run_scoped3A = tpu.sem_alloc : memref<!tpu.dma_semaphore, #tpu.memory_space<semaphore_mem>>
      %dma_start3A_80 = arith.constant 0 : i32
      %dma_start3A_81 = tpu.memref_slice %arg5[%arg0, %add3A_55, %dma_start3A_80] : memref<2x10240x128xf32, #tpu.memory_space<hbm>> -> memref<1x128x128xf32, #tpu.memory_space<hbm>>
      %dma_start3A_82 = tpu.memref_squeeze %dma_start3A_81 : memref<1x128x128xf32, #tpu.memory_space<hbm>> -> memref<128x128xf32, #tpu.memory_space<hbm>>
      %dma_start3A_83 = arith.constant 0 : i32
      %dma_start3A_84 = tpu.memref_slice %arg5[%arg0, %add3A_55, %dma_start3A_83] : memref<2x10240x128xf32, #tpu.memory_space<hbm>> -> memref<1x128x128xf32, #tpu.memory_space<hbm>>
      %dma_start3A_85 = tpu.memref_squeeze %dma_start3A_84 : memref<1x128x128xf32, #tpu.memory_space<hbm>> -> memref<128x128xf32, #tpu.memory_space<hbm>>
      tpu.enqueue_dma source(%arg7 : memref<128x128xf32, #tpu.memory_space<vmem>>) target(%dma_start3A_85 : memref<128x128xf32, #tpu.memory_space<hbm>>) target_semaphore(%run_scoped3A : memref<!tpu.dma_semaphore, #tpu.memory_space<semaphore_mem>>)
      %dma_wait3A = arith.constant 0 : i32
      %dma_wait3A_86 = tpu.memref_slice %arg5[%arg0, %add3A_55, %dma_wait3A] : memref<2x10240x128xf32, #tpu.memory_space<hbm>> -> memref<1x128x128xf32, #tpu.memory_space<hbm>>
      %dma_wait3A_87 = tpu.memref_squeeze %dma_wait3A_86 : memref<1x128x128xf32, #tpu.memory_space<hbm>> -> memref<128x128xf32, #tpu.memory_space<hbm>>
      %dma_wait3A_88 = arith.constant 0 : i32
      %dma_wait3A_89 = tpu.memref_slice %arg5[%arg0, %add3A_55, %dma_wait3A_88] : memref<2x10240x128xf32, #tpu.memory_space<hbm>> -> memref<1x128x128xf32, #tpu.memory_space<hbm>>
      %dma_wait3A_90 = tpu.memref_squeeze %dma_wait3A_89 : memref<1x128x128xf32, #tpu.memory_space<hbm>> -> memref<128x128xf32, #tpu.memory_space<hbm>>
      tpu.wait_dma2 semaphore(%run_scoped3A : memref<!tpu.dma_semaphore, #tpu.memory_space<semaphore_mem>>) src(%arg7 : memref<128x128xf32, #tpu.memory_space<vmem>>) dst(%dma_wait3A_90 : memref<128x128xf32, #tpu.memory_space<hbm>>)
      tpu.yield
    }) : () -> ()
    %mul3A_56 = arith.constant 640 : i32
    %mul3A_57 = arith.muli %arg1, %mul3A_56 : i32
    %add3A_58 = arith.constant 256 : i32
    %add3A_59 = arith.addi %mul3A_57, %add3A_58 : i32
    "tpu.region"() ({
      %run_scoped3A = tpu.sem_alloc : memref<!tpu.dma_semaphore, #tpu.memory_space<semaphore_mem>>
      %dma_start3A_80 = arith.constant 0 : i32
      %dma_start3A_81 = tpu.memref_slice %arg13[%add3A_59, %dma_start3A_80] : memref<10240x128xf32, #tpu.memory_space<vmem_shared>> -> memref<128x128xf32, #tpu.memory_space<vmem_shared>>
      %dma_start3A_82 = arith.constant 0 : i32
      %dma_start3A_83 = tpu.memref_slice %arg13[%add3A_59, %dma_start3A_82] : memref<10240x128xf32, #tpu.memory_space<vmem_shared>> -> memref<128x128xf32, #tpu.memory_space<vmem_shared>>
      tpu.enqueue_dma source(%dma_start3A_83 : memref<128x128xf32, #tpu.memory_space<vmem_shared>>) target(%arg7 : memref<128x128xf32, #tpu.memory_space<vmem>>) target_semaphore(%run_scoped3A : memref<!tpu.dma_semaphore, #tpu.memory_space<semaphore_mem>>)
      %dma_wait3A = arith.constant 0 : i32
      %dma_wait3A_84 = tpu.memref_slice %arg13[%add3A_59, %dma_wait3A] : memref<10240x128xf32, #tpu.memory_space<vmem_shared>> -> memref<128x128xf32, #tpu.memory_space<vmem_shared>>
      %dma_wait3A_85 = arith.constant 0 : i32
      %dma_wait3A_86 = tpu.memref_slice %arg13[%add3A_59, %dma_wait3A_85] : memref<10240x128xf32, #tpu.memory_space<vmem_shared>> -> memref<128x128xf32, #tpu.memory_space<vmem_shared>>
      tpu.wait_dma2 semaphore(%run_scoped3A : memref<!tpu.dma_semaphore, #tpu.memory_space<semaphore_mem>>) src(%dma_wait3A_86 : memref<128x128xf32, #tpu.memory_space<vmem_shared>>) dst(%arg7 : memref<128x128xf32, #tpu.memory_space<vmem>>)
      tpu.yield
    }) : () -> ()
    %mul3A_60 = arith.constant 640 : i32
    %mul3A_61 = arith.muli %arg1, %mul3A_60 : i32
    %add3A_62 = arith.constant 256 : i32
    %add3A_63 = arith.addi %mul3A_61, %add3A_62 : i32
    "tpu.region"() ({
      %run_scoped3A = tpu.sem_alloc : memref<!tpu.dma_semaphore, #tpu.memory_space<semaphore_mem>>
      %dma_start3A_80 = arith.constant 0 : i32
      %dma_start3A_81 = tpu.memref_slice %arg5[%arg0, %add3A_63, %dma_start3A_80] : memref<2x10240x128xf32, #tpu.memory_space<hbm>> -> memref<1x128x128xf32, #tpu.memory_space<hbm>>
      %dma_start3A_82 = tpu.memref_squeeze %dma_start3A_81 : memref<1x128x128xf32, #tpu.memory_space<hbm>> -> memref<128x128xf32, #tpu.memory_space<hbm>>
      %dma_start3A_83 = arith.constant 0 : i32
      %dma_start3A_84 = tpu.memref_slice %arg5[%arg0, %add3A_63, %dma_start3A_83] : memref<2x10240x128xf32, #tpu.memory_space<hbm>> -> memref<1x128x128xf32, #tpu.memory_space<hbm>>
      %dma_start3A_85 = tpu.memref_squeeze %dma_start3A_84 : memref<1x128x128xf32, #tpu.memory_space<hbm>> -> memref<128x128xf32, #tpu.memory_space<hbm>>
      tpu.enqueue_dma source(%arg7 : memref<128x128xf32, #tpu.memory_space<vmem>>) target(%dma_start3A_85 : memref<128x128xf32, #tpu.memory_space<hbm>>) target_semaphore(%run_scoped3A : memref<!tpu.dma_semaphore, #tpu.memory_space<semaphore_mem>>)
      %dma_wait3A = arith.constant 0 : i32
      %dma_wait3A_86 = tpu.memref_slice %arg5[%arg0, %add3A_63, %dma_wait3A] : memref<2x10240x128xf32, #tpu.memory_space<hbm>> -> memref<1x128x128xf32, #tpu.memory_space<hbm>>
      %dma_wait3A_87 = tpu.memref_squeeze %dma_wait3A_86 : memref<1x128x128xf32, #tpu.memory_space<hbm>> -> memref<128x128xf32, #tpu.memory_space<hbm>>
      %dma_wait3A_88 = arith.constant 0 : i32
      %dma_wait3A_89 = tpu.memref_slice %arg5[%arg0, %add3A_63, %dma_wait3A_88] : memref<2x10240x128xf32, #tpu.memory_space<hbm>> -> memref<1x128x128xf32, #tpu.memory_space<hbm>>
      %dma_wait3A_90 = tpu.memref_squeeze %dma_wait3A_89 : memref<1x128x128xf32, #tpu.memory_space<hbm>> -> memref<128x128xf32, #tpu.memory_space<hbm>>
      tpu.wait_dma2 semaphore(%run_scoped3A : memref<!tpu.dma_semaphore, #tpu.memory_space<semaphore_mem>>) src(%arg7 : memref<128x128xf32, #tpu.memory_space<vmem>>) dst(%dma_wait3A_90 : memref<128x128xf32, #tpu.memory_space<hbm>>)
      tpu.yield
    }) : () -> ()
    %mul3A_64 = arith.constant 640 : i32
    %mul3A_65 = arith.muli %arg1, %mul3A_64 : i32
    %add3A_66 = arith.constant 384 : i32
    %add3A_67 = arith.addi %mul3A_65, %add3A_66 : i32
    "tpu.region"() ({
      %run_scoped3A = tpu.sem_alloc : memref<!tpu.dma_semaphore, #tpu.memory_space<semaphore_mem>>
      %dma_start3A_80 = arith.constant 0 : i32
      %dma_start3A_81 = tpu.memref_slice %arg13[%add3A_67, %dma_start3A_80] : memref<10240x128xf32, #tpu.memory_space<vmem_shared>> -> memref<128x128xf32, #tpu.memory_space<vmem_shared>>
      %dma_start3A_82 = arith.constant 0 : i32
      %dma_start3A_83 = tpu.memref_slice %arg13[%add3A_67, %dma_start3A_82] : memref<10240x128xf32, #tpu.memory_space<vmem_shared>> -> memref<128x128xf32, #tpu.memory_space<vmem_shared>>
      tpu.enqueue_dma source(%dma_start3A_83 : memref<128x128xf32, #tpu.memory_space<vmem_shared>>) target(%arg7 : memref<128x128xf32, #tpu.memory_space<vmem>>) target_semaphore(%run_scoped3A : memref<!tpu.dma_semaphore, #tpu.memory_space<semaphore_mem>>)
      %dma_wait3A = arith.constant 0 : i32
      %dma_wait3A_84 = tpu.memref_slice %arg13[%add3A_67, %dma_wait3A] : memref<10240x128xf32, #tpu.memory_space<vmem_shared>> -> memref<128x128xf32, #tpu.memory_space<vmem_shared>>
      %dma_wait3A_85 = arith.constant 0 : i32
      %dma_wait3A_86 = tpu.memref_slice %arg13[%add3A_67, %dma_wait3A_85] : memref<10240x128xf32, #tpu.memory_space<vmem_shared>> -> memref<128x128xf32, #tpu.memory_space<vmem_shared>>
      tpu.wait_dma2 semaphore(%run_scoped3A : memref<!tpu.dma_semaphore, #tpu.memory_space<semaphore_mem>>) src(%dma_wait3A_86 : memref<128x128xf32, #tpu.memory_space<vmem_shared>>) dst(%arg7 : memref<128x128xf32, #tpu.memory_space<vmem>>)
      tpu.yield
    }) : () -> ()
    %mul3A_68 = arith.constant 640 : i32
    %mul3A_69 = arith.muli %arg1, %mul3A_68 : i32
    %add3A_70 = arith.constant 384 : i32
    %add3A_71 = arith.addi %mul3A_69, %add3A_70 : i32
    "tpu.region"() ({
      %run_scoped3A = tpu.sem_alloc : memref<!tpu.dma_semaphore, #tpu.memory_space<semaphore_mem>>
      %dma_start3A_80 = arith.constant 0 : i32
      %dma_start3A_81 = tpu.memref_slice %arg5[%arg0, %add3A_71, %dma_start3A_80] : memref<2x10240x128xf32, #tpu.memory_space<hbm>> -> memref<1x128x128xf32, #tpu.memory_space<hbm>>
      %dma_start3A_82 = tpu.memref_squeeze %dma_start3A_81 : memref<1x128x128xf32, #tpu.memory_space<hbm>> -> memref<128x128xf32, #tpu.memory_space<hbm>>
      %dma_start3A_83 = arith.constant 0 : i32
      %dma_start3A_84 = tpu.memref_slice %arg5[%arg0, %add3A_71, %dma_start3A_83] : memref<2x10240x128xf32, #tpu.memory_space<hbm>> -> memref<1x128x128xf32, #tpu.memory_space<hbm>>
      %dma_start3A_85 = tpu.memref_squeeze %dma_start3A_84 : memref<1x128x128xf32, #tpu.memory_space<hbm>> -> memref<128x128xf32, #tpu.memory_space<hbm>>
      tpu.enqueue_dma source(%arg7 : memref<128x128xf32, #tpu.memory_space<vmem>>) target(%dma_start3A_85 : memref<128x128xf32, #tpu.memory_space<hbm>>) target_semaphore(%run_scoped3A : memref<!tpu.dma_semaphore, #tpu.memory_space<semaphore_mem>>)
      %dma_wait3A = arith.constant 0 : i32
      %dma_wait3A_86 = tpu.memref_slice %arg5[%arg0, %add3A_71, %dma_wait3A] : memref<2x10240x128xf32, #tpu.memory_space<hbm>> -> memref<1x128x128xf32, #tpu.memory_space<hbm>>
      %dma_wait3A_87 = tpu.memref_squeeze %dma_wait3A_86 : memref<1x128x128xf32, #tpu.memory_space<hbm>> -> memref<128x128xf32, #tpu.memory_space<hbm>>
      %dma_wait3A_88 = arith.constant 0 : i32
      %dma_wait3A_89 = tpu.memref_slice %arg5[%arg0, %add3A_71, %dma_wait3A_88] : memref<2x10240x128xf32, #tpu.memory_space<hbm>> -> memref<1x128x128xf32, #tpu.memory_space<hbm>>
      %dma_wait3A_90 = tpu.memref_squeeze %dma_wait3A_89 : memref<1x128x128xf32, #tpu.memory_space<hbm>> -> memref<128x128xf32, #tpu.memory_space<hbm>>
      tpu.wait_dma2 semaphore(%run_scoped3A : memref<!tpu.dma_semaphore, #tpu.memory_space<semaphore_mem>>) src(%arg7 : memref<128x128xf32, #tpu.memory_space<vmem>>) dst(%dma_wait3A_90 : memref<128x128xf32, #tpu.memory_space<hbm>>)
      tpu.yield
    }) : () -> ()
    %mul3A_72 = arith.constant 640 : i32
    %mul3A_73 = arith.muli %arg1, %mul3A_72 : i32
    %add3A_74 = arith.constant 512 : i32
    %add3A_75 = arith.addi %mul3A_73, %add3A_74 : i32
    "tpu.region"() ({
      %run_scoped3A = tpu.sem_alloc : memref<!tpu.dma_semaphore, #tpu.memory_space<semaphore_mem>>
      %dma_start3A_80 = arith.constant 0 : i32
      %dma_start3A_81 = tpu.memref_slice %arg13[%add3A_75, %dma_start3A_80] : memref<10240x128xf32, #tpu.memory_space<vmem_shared>> -> memref<128x128xf32, #tpu.memory_space<vmem_shared>>
      %dma_start3A_82 = arith.constant 0 : i32
      %dma_start3A_83 = tpu.memref_slice %arg13[%add3A_75, %dma_start3A_82] : memref<10240x128xf32, #tpu.memory_space<vmem_shared>> -> memref<128x128xf32, #tpu.memory_space<vmem_shared>>
      tpu.enqueue_dma source(%dma_start3A_83 : memref<128x128xf32, #tpu.memory_space<vmem_shared>>) target(%arg7 : memref<128x128xf32, #tpu.memory_space<vmem>>) target_semaphore(%run_scoped3A : memref<!tpu.dma_semaphore, #tpu.memory_space<semaphore_mem>>)
      %dma_wait3A = arith.constant 0 : i32
      %dma_wait3A_84 = tpu.memref_slice %arg13[%add3A_75, %dma_wait3A] : memref<10240x128xf32, #tpu.memory_space<vmem_shared>> -> memref<128x128xf32, #tpu.memory_space<vmem_shared>>
      %dma_wait3A_85 = arith.constant 0 : i32
      %dma_wait3A_86 = tpu.memref_slice %arg13[%add3A_75, %dma_wait3A_85] : memref<10240x128xf32, #tpu.memory_space<vmem_shared>> -> memref<128x128xf32, #tpu.memory_space<vmem_shared>>
      tpu.wait_dma2 semaphore(%run_scoped3A : memref<!tpu.dma_semaphore, #tpu.memory_space<semaphore_mem>>) src(%dma_wait3A_86 : memref<128x128xf32, #tpu.memory_space<vmem_shared>>) dst(%arg7 : memref<128x128xf32, #tpu.memory_space<vmem>>)
      tpu.yield
    }) : () -> ()
    %mul3A_76 = arith.constant 640 : i32
    %mul3A_77 = arith.muli %arg1, %mul3A_76 : i32
    %add3A_78 = arith.constant 512 : i32
    %add3A_79 = arith.addi %mul3A_77, %add3A_78 : i32
    "tpu.region"() ({
      %run_scoped3A = tpu.sem_alloc : memref<!tpu.dma_semaphore, #tpu.memory_space<semaphore_mem>>
      %dma_start3A_80 = arith.constant 0 : i32
      %dma_start3A_81 = tpu.memref_slice %arg5[%arg0, %add3A_79, %dma_start3A_80] : memref<2x10240x128xf32, #tpu.memory_space<hbm>> -> memref<1x128x128xf32, #tpu.memory_space<hbm>>
      %dma_start3A_82 = tpu.memref_squeeze %dma_start3A_81 : memref<1x128x128xf32, #tpu.memory_space<hbm>> -> memref<128x128xf32, #tpu.memory_space<hbm>>
      %dma_start3A_83 = arith.constant 0 : i32
      %dma_start3A_84 = tpu.memref_slice %arg5[%arg0, %add3A_79, %dma_start3A_83] : memref<2x10240x128xf32, #tpu.memory_space<hbm>> -> memref<1x128x128xf32, #tpu.memory_space<hbm>>
      %dma_start3A_85 = tpu.memref_squeeze %dma_start3A_84 : memref<1x128x128xf32, #tpu.memory_space<hbm>> -> memref<128x128xf32, #tpu.memory_space<hbm>>
      tpu.enqueue_dma source(%arg7 : memref<128x128xf32, #tpu.memory_space<vmem>>) target(%dma_start3A_85 : memref<128x128xf32, #tpu.memory_space<hbm>>) target_semaphore(%run_scoped3A : memref<!tpu.dma_semaphore, #tpu.memory_space<semaphore_mem>>)
      %dma_wait3A = arith.constant 0 : i32
      %dma_wait3A_86 = tpu.memref_slice %arg5[%arg0, %add3A_79, %dma_wait3A] : memref<2x10240x128xf32, #tpu.memory_space<hbm>> -> memref<1x128x128xf32, #tpu.memory_space<hbm>>
      %dma_wait3A_87 = tpu.memref_squeeze %dma_wait3A_86 : memref<1x128x128xf32, #tpu.memory_space<hbm>> -> memref<128x128xf32, #tpu.memory_space<hbm>>
      %dma_wait3A_88 = arith.constant 0 : i32
      %dma_wait3A_89 = tpu.memref_slice %arg5[%arg0, %add3A_79, %dma_wait3A_88] : memref<2x10240x128xf32, #tpu.memory_space<hbm>> -> memref<1x128x128xf32, #tpu.memory_space<hbm>>
      %dma_wait3A_90 = tpu.memref_squeeze %dma_wait3A_89 : memref<1x128x128xf32, #tpu.memory_space<hbm>> -> memref<128x128xf32, #tpu.memory_space<hbm>>
      tpu.wait_dma2 semaphore(%run_scoped3A : memref<!tpu.dma_semaphore, #tpu.memory_space<semaphore_mem>>) src(%arg7 : memref<128x128xf32, #tpu.memory_space<vmem>>) dst(%dma_wait3A_90 : memref<128x128xf32, #tpu.memory_space<hbm>>)
      tpu.yield
    }) : () -> ()
    return
  }
}

#map = affine_map<(d0, d1) -> (0, 0)>
#map1 = affine_map<(d0, d1) -> (0, 0, 0)>
module attributes {stable_mosaic.version = 14 : i64} {
  func.func @body(%arg0: i32, %arg1: i32, %arg2: memref<344064x128xf32, #tpu.memory_space<hbm>>, %arg3: memref<32x84x128xi32, #tpu.memory_space<hbm>>, %arg4: memref<128x128xf32, #tpu.memory_space<hbm>>, %arg5: memref<2x10240x128xf32, #tpu.memory_space<hbm>>, %arg6: memref<2x10240x128xf32, #tpu.memory_space<hbm>>, %arg7: memref<84x128xi32, #tpu.memory_space<vmem>>, %arg8: memref<128x128xf32, #tpu.memory_space<vmem>>, %arg9: memref<128x128xf32, #tpu.memory_space<vmem>>, %arg10: memref<!tpu.dma_semaphore, #tpu.memory_space<semaphore_mem>>, %arg11: memref<!tpu.dma_semaphore, #tpu.memory_space<semaphore_mem>>, %arg12: memref<!tpu.dma_semaphore, #tpu.memory_space<semaphore_mem>>, %arg13: memref<!tpu.dma_semaphore, #tpu.memory_space<semaphore_mem>>, %arg14: memref<10240x128xf32, #tpu.memory_space<vmem_shared>>) attributes {dimension_semantics = [#tpu.dimension_semantics<core_parallel>, #tpu.dimension_semantics<subcore_parallel>], iteration_bounds = array<i64: 2, 16>, scalar_prefetch = 0 : i64, scratch_operands = 8 : i64, tpu.core_type = #tpu.core_type<sc_vector_subcore>, window_params = [{transform_indices = #map}, {transform_indices = #map1}, {transform_indices = #map}, {transform_indices = #map1}, {transform_indices = #map1}]} {
    %mul3A = arith.constant 2 : i32
    %mul3A_0 = arith.muli %arg1, %mul3A : i32
    %add3A = arith.addi %mul3A_0, %arg0 : i32
    "tpu.region"() ({
      %run_scoped3A = tpu.sem_alloc : memref<!tpu.dma_semaphore, #tpu.memory_space<semaphore_mem>>
      tpu.enqueue_dma source(%arg4 : memref<128x128xf32, #tpu.memory_space<hbm>>) target(%arg8 : memref<128x128xf32, #tpu.memory_space<vmem>>) target_semaphore(%run_scoped3A : memref<!tpu.dma_semaphore, #tpu.memory_space<semaphore_mem>>)
      tpu.wait_dma2 semaphore(%run_scoped3A : memref<!tpu.dma_semaphore, #tpu.memory_space<semaphore_mem>>) src(%arg4 : memref<128x128xf32, #tpu.memory_space<hbm>>) dst(%arg8 : memref<128x128xf32, #tpu.memory_space<vmem>>)
      tpu.yield
    }) : () -> ()
    %mul3A_1 = arith.constant 640 : i32
    %mul3A_2 = arith.muli %arg1, %mul3A_1 : i32
    %add3A_3 = arith.constant 0 : i32
    %add3A_4 = arith.addi %mul3A_2, %add3A_3 : i32
    "tpu.region"() ({
      %run_scoped3A = tpu.sem_alloc : memref<!tpu.dma_semaphore, #tpu.memory_space<semaphore_mem>>
      %dma_start3A_80 = arith.constant 0 : i32
      %dma_start3A_81 = tpu.memref_slice %arg14[%add3A_4, %dma_start3A_80] : memref<10240x128xf32, #tpu.memory_space<vmem_shared>> -> memref<128x128xf32, #tpu.memory_space<vmem_shared>>
      %dma_start3A_82 = arith.constant 0 : i32
      %dma_start3A_83 = tpu.memref_slice %arg14[%add3A_4, %dma_start3A_82] : memref<10240x128xf32, #tpu.memory_space<vmem_shared>> -> memref<128x128xf32, #tpu.memory_space<vmem_shared>>
      tpu.enqueue_dma source(%arg8 : memref<128x128xf32, #tpu.memory_space<vmem>>) target(%dma_start3A_83 : memref<128x128xf32, #tpu.memory_space<vmem_shared>>) target_semaphore(%run_scoped3A : memref<!tpu.dma_semaphore, #tpu.memory_space<semaphore_mem>>)
      %dma_wait3A = arith.constant 0 : i32
      %dma_wait3A_84 = tpu.memref_slice %arg14[%add3A_4, %dma_wait3A] : memref<10240x128xf32, #tpu.memory_space<vmem_shared>> -> memref<128x128xf32, #tpu.memory_space<vmem_shared>>
      %dma_wait3A_85 = arith.constant 0 : i32
      %dma_wait3A_86 = tpu.memref_slice %arg14[%add3A_4, %dma_wait3A_85] : memref<10240x128xf32, #tpu.memory_space<vmem_shared>> -> memref<128x128xf32, #tpu.memory_space<vmem_shared>>
      tpu.wait_dma2 semaphore(%run_scoped3A : memref<!tpu.dma_semaphore, #tpu.memory_space<semaphore_mem>>) src(%arg8 : memref<128x128xf32, #tpu.memory_space<vmem>>) dst(%dma_wait3A_86 : memref<128x128xf32, #tpu.memory_space<vmem_shared>>)
      tpu.yield
    }) : () -> ()
    %mul3A_5 = arith.constant 640 : i32
    %mul3A_6 = arith.muli %arg1, %mul3A_5 : i32
    %add3A_7 = arith.constant 128 : i32
    %add3A_8 = arith.addi %mul3A_6, %add3A_7 : i32
    "tpu.region"() ({
      %run_scoped3A = tpu.sem_alloc : memref<!tpu.dma_semaphore, #tpu.memory_space<semaphore_mem>>
      %dma_start3A_80 = arith.constant 0 : i32
      %dma_start3A_81 = tpu.memref_slice %arg14[%add3A_8, %dma_start3A_80] : memref<10240x128xf32, #tpu.memory_space<vmem_shared>> -> memref<128x128xf32, #tpu.memory_space<vmem_shared>>
      %dma_start3A_82 = arith.constant 0 : i32
      %dma_start3A_83 = tpu.memref_slice %arg14[%add3A_8, %dma_start3A_82] : memref<10240x128xf32, #tpu.memory_space<vmem_shared>> -> memref<128x128xf32, #tpu.memory_space<vmem_shared>>
      tpu.enqueue_dma source(%arg8 : memref<128x128xf32, #tpu.memory_space<vmem>>) target(%dma_start3A_83 : memref<128x128xf32, #tpu.memory_space<vmem_shared>>) target_semaphore(%run_scoped3A : memref<!tpu.dma_semaphore, #tpu.memory_space<semaphore_mem>>)
      %dma_wait3A = arith.constant 0 : i32
      %dma_wait3A_84 = tpu.memref_slice %arg14[%add3A_8, %dma_wait3A] : memref<10240x128xf32, #tpu.memory_space<vmem_shared>> -> memref<128x128xf32, #tpu.memory_space<vmem_shared>>
      %dma_wait3A_85 = arith.constant 0 : i32
      %dma_wait3A_86 = tpu.memref_slice %arg14[%add3A_8, %dma_wait3A_85] : memref<10240x128xf32, #tpu.memory_space<vmem_shared>> -> memref<128x128xf32, #tpu.memory_space<vmem_shared>>
      tpu.wait_dma2 semaphore(%run_scoped3A : memref<!tpu.dma_semaphore, #tpu.memory_space<semaphore_mem>>) src(%arg8 : memref<128x128xf32, #tpu.memory_space<vmem>>) dst(%dma_wait3A_86 : memref<128x128xf32, #tpu.memory_space<vmem_shared>>)
      tpu.yield
    }) : () -> ()
    %mul3A_9 = arith.constant 640 : i32
    %mul3A_10 = arith.muli %arg1, %mul3A_9 : i32
    %add3A_11 = arith.constant 256 : i32
    %add3A_12 = arith.addi %mul3A_10, %add3A_11 : i32
    "tpu.region"() ({
      %run_scoped3A = tpu.sem_alloc : memref<!tpu.dma_semaphore, #tpu.memory_space<semaphore_mem>>
      %dma_start3A_80 = arith.constant 0 : i32
      %dma_start3A_81 = tpu.memref_slice %arg14[%add3A_12, %dma_start3A_80] : memref<10240x128xf32, #tpu.memory_space<vmem_shared>> -> memref<128x128xf32, #tpu.memory_space<vmem_shared>>
      %dma_start3A_82 = arith.constant 0 : i32
      %dma_start3A_83 = tpu.memref_slice %arg14[%add3A_12, %dma_start3A_82] : memref<10240x128xf32, #tpu.memory_space<vmem_shared>> -> memref<128x128xf32, #tpu.memory_space<vmem_shared>>
      tpu.enqueue_dma source(%arg8 : memref<128x128xf32, #tpu.memory_space<vmem>>) target(%dma_start3A_83 : memref<128x128xf32, #tpu.memory_space<vmem_shared>>) target_semaphore(%run_scoped3A : memref<!tpu.dma_semaphore, #tpu.memory_space<semaphore_mem>>)
      %dma_wait3A = arith.constant 0 : i32
      %dma_wait3A_84 = tpu.memref_slice %arg14[%add3A_12, %dma_wait3A] : memref<10240x128xf32, #tpu.memory_space<vmem_shared>> -> memref<128x128xf32, #tpu.memory_space<vmem_shared>>
      %dma_wait3A_85 = arith.constant 0 : i32
      %dma_wait3A_86 = tpu.memref_slice %arg14[%add3A_12, %dma_wait3A_85] : memref<10240x128xf32, #tpu.memory_space<vmem_shared>> -> memref<128x128xf32, #tpu.memory_space<vmem_shared>>
      tpu.wait_dma2 semaphore(%run_scoped3A : memref<!tpu.dma_semaphore, #tpu.memory_space<semaphore_mem>>) src(%arg8 : memref<128x128xf32, #tpu.memory_space<vmem>>) dst(%dma_wait3A_86 : memref<128x128xf32, #tpu.memory_space<vmem_shared>>)
      tpu.yield
    }) : () -> ()
    %mul3A_13 = arith.constant 640 : i32
    %mul3A_14 = arith.muli %arg1, %mul3A_13 : i32
    %add3A_15 = arith.constant 384 : i32
    %add3A_16 = arith.addi %mul3A_14, %add3A_15 : i32
    "tpu.region"() ({
      %run_scoped3A = tpu.sem_alloc : memref<!tpu.dma_semaphore, #tpu.memory_space<semaphore_mem>>
      %dma_start3A_80 = arith.constant 0 : i32
      %dma_start3A_81 = tpu.memref_slice %arg14[%add3A_16, %dma_start3A_80] : memref<10240x128xf32, #tpu.memory_space<vmem_shared>> -> memref<128x128xf32, #tpu.memory_space<vmem_shared>>
      %dma_start3A_82 = arith.constant 0 : i32
      %dma_start3A_83 = tpu.memref_slice %arg14[%add3A_16, %dma_start3A_82] : memref<10240x128xf32, #tpu.memory_space<vmem_shared>> -> memref<128x128xf32, #tpu.memory_space<vmem_shared>>
      tpu.enqueue_dma source(%arg8 : memref<128x128xf32, #tpu.memory_space<vmem>>) target(%dma_start3A_83 : memref<128x128xf32, #tpu.memory_space<vmem_shared>>) target_semaphore(%run_scoped3A : memref<!tpu.dma_semaphore, #tpu.memory_space<semaphore_mem>>)
      %dma_wait3A = arith.constant 0 : i32
      %dma_wait3A_84 = tpu.memref_slice %arg14[%add3A_16, %dma_wait3A] : memref<10240x128xf32, #tpu.memory_space<vmem_shared>> -> memref<128x128xf32, #tpu.memory_space<vmem_shared>>
      %dma_wait3A_85 = arith.constant 0 : i32
      %dma_wait3A_86 = tpu.memref_slice %arg14[%add3A_16, %dma_wait3A_85] : memref<10240x128xf32, #tpu.memory_space<vmem_shared>> -> memref<128x128xf32, #tpu.memory_space<vmem_shared>>
      tpu.wait_dma2 semaphore(%run_scoped3A : memref<!tpu.dma_semaphore, #tpu.memory_space<semaphore_mem>>) src(%arg8 : memref<128x128xf32, #tpu.memory_space<vmem>>) dst(%dma_wait3A_86 : memref<128x128xf32, #tpu.memory_space<vmem_shared>>)
      tpu.yield
    }) : () -> ()
    %mul3A_17 = arith.constant 640 : i32
    %mul3A_18 = arith.muli %arg1, %mul3A_17 : i32
    %add3A_19 = arith.constant 512 : i32
    %add3A_20 = arith.addi %mul3A_18, %add3A_19 : i32
    "tpu.region"() ({
      %run_scoped3A = tpu.sem_alloc : memref<!tpu.dma_semaphore, #tpu.memory_space<semaphore_mem>>
      %dma_start3A_80 = arith.constant 0 : i32
      %dma_start3A_81 = tpu.memref_slice %arg14[%add3A_20, %dma_start3A_80] : memref<10240x128xf32, #tpu.memory_space<vmem_shared>> -> memref<128x128xf32, #tpu.memory_space<vmem_shared>>
      %dma_start3A_82 = arith.constant 0 : i32
      %dma_start3A_83 = tpu.memref_slice %arg14[%add3A_20, %dma_start3A_82] : memref<10240x128xf32, #tpu.memory_space<vmem_shared>> -> memref<128x128xf32, #tpu.memory_space<vmem_shared>>
      tpu.enqueue_dma source(%arg8 : memref<128x128xf32, #tpu.memory_space<vmem>>) target(%dma_start3A_83 : memref<128x128xf32, #tpu.memory_space<vmem_shared>>) target_semaphore(%run_scoped3A : memref<!tpu.dma_semaphore, #tpu.memory_space<semaphore_mem>>)
      %dma_wait3A = arith.constant 0 : i32
      %dma_wait3A_84 = tpu.memref_slice %arg14[%add3A_20, %dma_wait3A] : memref<10240x128xf32, #tpu.memory_space<vmem_shared>> -> memref<128x128xf32, #tpu.memory_space<vmem_shared>>
      %dma_wait3A_85 = arith.constant 0 : i32
      %dma_wait3A_86 = tpu.memref_slice %arg14[%add3A_20, %dma_wait3A_85] : memref<10240x128xf32, #tpu.memory_space<vmem_shared>> -> memref<128x128xf32, #tpu.memory_space<vmem_shared>>
      tpu.wait_dma2 semaphore(%run_scoped3A : memref<!tpu.dma_semaphore, #tpu.memory_space<semaphore_mem>>) src(%arg8 : memref<128x128xf32, #tpu.memory_space<vmem>>) dst(%dma_wait3A_86 : memref<128x128xf32, #tpu.memory_space<vmem_shared>>)
      tpu.yield
    }) : () -> ()
    %barrier3A = arith.constant 0 : index
    tpu.barrier barrier_id(%barrier3A)
    "tpu.region"() ({
      %run_scoped3A = tpu.sem_alloc : memref<!tpu.dma_semaphore, #tpu.memory_space<semaphore_mem>>
      %dma_start3A_80 = arith.constant 0 : i32
      %dma_start3A_81 = arith.constant 0 : i32
      %dma_start3A_82 = tpu.memref_slice %arg3[%add3A, %dma_start3A_80, %dma_start3A_81] : memref<32x84x128xi32, #tpu.memory_space<hbm>> -> memref<1x84x128xi32, #tpu.memory_space<hbm>>
      %dma_start3A_83 = tpu.memref_squeeze %dma_start3A_82 : memref<1x84x128xi32, #tpu.memory_space<hbm>> -> memref<84x128xi32, #tpu.memory_space<hbm>>
      %dma_start3A_84 = arith.constant 0 : i32
      %dma_start3A_85 = arith.constant 0 : i32
      %dma_start3A_86 = tpu.memref_slice %arg3[%add3A, %dma_start3A_84, %dma_start3A_85] : memref<32x84x128xi32, #tpu.memory_space<hbm>> -> memref<1x84x128xi32, #tpu.memory_space<hbm>>
      %dma_start3A_87 = tpu.memref_squeeze %dma_start3A_86 : memref<1x84x128xi32, #tpu.memory_space<hbm>> -> memref<84x128xi32, #tpu.memory_space<hbm>>
      tpu.enqueue_dma source(%dma_start3A_87 : memref<84x128xi32, #tpu.memory_space<hbm>>) target(%arg7 : memref<84x128xi32, #tpu.memory_space<vmem>>) target_semaphore(%run_scoped3A : memref<!tpu.dma_semaphore, #tpu.memory_space<semaphore_mem>>)
      %dma_wait3A = arith.constant 0 : i32
      %dma_wait3A_88 = arith.constant 0 : i32
      %dma_wait3A_89 = tpu.memref_slice %arg3[%add3A, %dma_wait3A, %dma_wait3A_88] : memref<32x84x128xi32, #tpu.memory_space<hbm>> -> memref<1x84x128xi32, #tpu.memory_space<hbm>>
      %dma_wait3A_90 = tpu.memref_squeeze %dma_wait3A_89 : memref<1x84x128xi32, #tpu.memory_space<hbm>> -> memref<84x128xi32, #tpu.memory_space<hbm>>
      %dma_wait3A_91 = arith.constant 0 : i32
      %dma_wait3A_92 = arith.constant 0 : i32
      %dma_wait3A_93 = tpu.memref_slice %arg3[%add3A, %dma_wait3A_91, %dma_wait3A_92] : memref<32x84x128xi32, #tpu.memory_space<hbm>> -> memref<1x84x128xi32, #tpu.memory_space<hbm>>
      %dma_wait3A_94 = tpu.memref_squeeze %dma_wait3A_93 : memref<1x84x128xi32, #tpu.memory_space<hbm>> -> memref<84x128xi32, #tpu.memory_space<hbm>>
      tpu.wait_dma2 semaphore(%run_scoped3A : memref<!tpu.dma_semaphore, #tpu.memory_space<semaphore_mem>>) src(%dma_wait3A_94 : memref<84x128xi32, #tpu.memory_space<hbm>>) dst(%arg7 : memref<84x128xi32, #tpu.memory_space<vmem>>)
      tpu.yield
    }) : () -> ()
    %mul3A_21 = arith.constant 10752 : i32
    %mul3A_22 = arith.muli %add3A, %mul3A_21 : i32
    %add3A_23 = arith.constant 0 : i32
    %add3A_24 = arith.addi %mul3A_22, %add3A_23 : i32
    %dma_start3A = arith.constant 0 : i32
    %dma_start3A_25 = tpu.memref_slice %arg2[%add3A_24, %dma_start3A] : memref<344064x128xf32, #tpu.memory_space<hbm>> -> memref<128x128xf32, #tpu.memory_space<hbm>>
    %dma_start3A_26 = arith.constant 0 : i32
    %dma_start3A_27 = tpu.memref_slice %arg2[%add3A_24, %dma_start3A_26] : memref<344064x128xf32, #tpu.memory_space<hbm>> -> memref<128x128xf32, #tpu.memory_space<hbm>>
    tpu.enqueue_dma source(%dma_start3A_27 : memref<128x128xf32, #tpu.memory_space<hbm>>) target(%arg8 : memref<128x128xf32, #tpu.memory_space<vmem>>) target_semaphore(%arg10 : memref<!tpu.dma_semaphore, #tpu.memory_space<semaphore_mem>>)
    %add3A_28 = arith.constant 128 : i32
    %add3A_29 = arith.addi %mul3A_22, %add3A_28 : i32
    %dma_start3A_30 = arith.constant 0 : i32
    %dma_start3A_31 = tpu.memref_slice %arg2[%add3A_29, %dma_start3A_30] : memref<344064x128xf32, #tpu.memory_space<hbm>> -> memref<128x128xf32, #tpu.memory_space<hbm>>
    %dma_start3A_32 = arith.constant 0 : i32
    %dma_start3A_33 = tpu.memref_slice %arg2[%add3A_29, %dma_start3A_32] : memref<344064x128xf32, #tpu.memory_space<hbm>> -> memref<128x128xf32, #tpu.memory_space<hbm>>
    tpu.enqueue_dma source(%dma_start3A_33 : memref<128x128xf32, #tpu.memory_space<hbm>>) target(%arg9 : memref<128x128xf32, #tpu.memory_space<vmem>>) target_semaphore(%arg11 : memref<!tpu.dma_semaphore, #tpu.memory_space<semaphore_mem>>)
    %scan3A = arith.constant 0 : i32
    %scan3A_34 = arith.constant 0 : i32
    %scan3A_35 = arith.constant 42 : i32
    %scan3A_36 = arith.addi %scan3A_34, %scan3A_35 : i32
    %scan3A_37 = arith.constant 1 : i32
    scf.for %scan3A_80 = %scan3A_34 to %scan3A_36 step %scan3A_37  : i32 {
      %mul3A_81 = arith.constant 2 : i32
      %mul3A_82 = arith.muli %mul3A_81, %scan3A_80 : i32
      %add3A_83 = arith.constant 0 : i32
      %add3A_84 = arith.addi %mul3A_82, %add3A_83 : i32
      %dma_wait3A = arith.constant 0 : i32
      %dma_wait3A_85 = tpu.memref_slice %arg2[%mul3A_22, %dma_wait3A] : memref<344064x128xf32, #tpu.memory_space<hbm>> -> memref<128x128xf32, #tpu.memory_space<hbm>>
      %dma_wait3A_86 = arith.constant 0 : i32
      %dma_wait3A_87 = tpu.memref_slice %arg2[%mul3A_22, %dma_wait3A_86] : memref<344064x128xf32, #tpu.memory_space<hbm>> -> memref<128x128xf32, #tpu.memory_space<hbm>>
      tpu.wait_dma2 semaphore(%arg10 : memref<!tpu.dma_semaphore, #tpu.memory_space<semaphore_mem>>) src(%dma_wait3A_87 : memref<128x128xf32, #tpu.memory_space<hbm>>) dst(%arg8 : memref<128x128xf32, #tpu.memory_space<vmem>>)
      %dma_start3A_88 = arith.constant 0 : i32
      %dma_start3A_89 = tpu.memref_slice %arg7[%add3A_84, %dma_start3A_88] : memref<84x128xi32, #tpu.memory_space<vmem>> -> memref<1x128xi32, #tpu.memory_space<vmem>>
      %dma_start3A_90 = tpu.memref_squeeze %dma_start3A_89 : memref<1x128xi32, #tpu.memory_space<vmem>> -> memref<128xi32, #tpu.memory_space<vmem>>
      %dma_start3A_91 = arith.constant 0 : i32
      %dma_start3A_92 = arith.constant 0 : i32
      %dma_start3A_93 = tpu.memref_slice %arg14[%dma_start3A_91, %dma_start3A_92] : memref<10240x128xf32, #tpu.memory_space<vmem_shared>> -> memref<10240x128xf32, #tpu.memory_space<vmem_shared>>
      tpu.enqueue_indirect_dma source(%arg8 : memref<128x128xf32, #tpu.memory_space<vmem>>) target(%dma_start3A_93 : memref<10240x128xf32, #tpu.memory_space<vmem_shared>>) offsets(%dma_start3A_90 : memref<128xi32, #tpu.memory_space<vmem>>) semaphore(%arg12 : memref<!tpu.dma_semaphore, #tpu.memory_space<semaphore_mem>>) {add = true}
      %dma_wait3A_94 = arith.constant 0 : i32
      %dma_wait3A_95 = arith.constant 0 : i32
      %dma_wait3A_96 = tpu.memref_slice %arg14[%dma_wait3A_94, %dma_wait3A_95] : memref<10240x128xf32, #tpu.memory_space<vmem_shared>> -> memref<128x128xf32, #tpu.memory_space<vmem_shared>>
      %dma_wait3A_97 = arith.constant 0 : i32
      %dma_wait3A_98 = arith.constant 0 : i32
      %dma_wait3A_99 = tpu.memref_slice %arg14[%dma_wait3A_97, %dma_wait3A_98] : memref<10240x128xf32, #tpu.memory_space<vmem_shared>> -> memref<128x128xf32, #tpu.memory_space<vmem_shared>>
      tpu.wait_dma2 semaphore(%arg12 : memref<!tpu.dma_semaphore, #tpu.memory_space<semaphore_mem>>) src(%arg8 : memref<128x128xf32, #tpu.memory_space<vmem>>) dst(%dma_wait3A_99 : memref<128x128xf32, #tpu.memory_space<vmem_shared>>)
      %add3A_100 = arith.constant 2 : i32
      %add3A_101 = arith.addi %add3A_84, %add3A_100 : i32
      %lt3A = arith.constant 84 : i32
      %lt3A_102 = arith.cmpi slt, %add3A_101, %lt3A : i32
      %convert_element_type3A = arith.extui %lt3A_102 : i1 to i32
      %cond3A = arith.constant 0 : i32
      %cond3A_103 = arith.cmpi ne, %convert_element_type3A, %cond3A : i32
      scf.if %cond3A_103 {
        %add3A_131 = arith.constant 2 : i32
        %add3A_132 = arith.addi %add3A_84, %add3A_131 : i32
        %mul3A_133 = arith.constant 128 : i32
        %mul3A_134 = arith.muli %add3A_132, %mul3A_133 : i32
        %add3A_135 = arith.addi %mul3A_22, %mul3A_134 : i32
        %dma_start3A_136 = arith.constant 0 : i32
        %dma_start3A_137 = tpu.memref_slice %arg2[%add3A_135, %dma_start3A_136] : memref<344064x128xf32, #tpu.memory_space<hbm>> -> memref<128x128xf32, #tpu.memory_space<hbm>>
        %dma_start3A_138 = arith.constant 0 : i32
        %dma_start3A_139 = tpu.memref_slice %arg2[%add3A_135, %dma_start3A_138] : memref<344064x128xf32, #tpu.memory_space<hbm>> -> memref<128x128xf32, #tpu.memory_space<hbm>>
        tpu.enqueue_dma source(%dma_start3A_139 : memref<128x128xf32, #tpu.memory_space<hbm>>) target(%arg8 : memref<128x128xf32, #tpu.memory_space<vmem>>) target_semaphore(%arg10 : memref<!tpu.dma_semaphore, #tpu.memory_space<semaphore_mem>>)
      } else {
      }
      %mul3A_104 = arith.constant 2 : i32
      %mul3A_105 = arith.muli %mul3A_104, %scan3A_80 : i32
      %add3A_106 = arith.constant 1 : i32
      %add3A_107 = arith.addi %mul3A_105, %add3A_106 : i32
      %dma_wait3A_108 = arith.constant 0 : i32
      %dma_wait3A_109 = tpu.memref_slice %arg2[%mul3A_22, %dma_wait3A_108] : memref<344064x128xf32, #tpu.memory_space<hbm>> -> memref<128x128xf32, #tpu.memory_space<hbm>>
      %dma_wait3A_110 = arith.constant 0 : i32
      %dma_wait3A_111 = tpu.memref_slice %arg2[%mul3A_22, %dma_wait3A_110] : memref<344064x128xf32, #tpu.memory_space<hbm>> -> memref<128x128xf32, #tpu.memory_space<hbm>>
      tpu.wait_dma2 semaphore(%arg11 : memref<!tpu.dma_semaphore, #tpu.memory_space<semaphore_mem>>) src(%dma_wait3A_111 : memref<128x128xf32, #tpu.memory_space<hbm>>) dst(%arg9 : memref<128x128xf32, #tpu.memory_space<vmem>>)
      %dma_start3A_112 = arith.constant 0 : i32
      %dma_start3A_113 = tpu.memref_slice %arg7[%add3A_107, %dma_start3A_112] : memref<84x128xi32, #tpu.memory_space<vmem>> -> memref<1x128xi32, #tpu.memory_space<vmem>>
      %dma_start3A_114 = tpu.memref_squeeze %dma_start3A_113 : memref<1x128xi32, #tpu.memory_space<vmem>> -> memref<128xi32, #tpu.memory_space<vmem>>
      %dma_start3A_115 = arith.constant 0 : i32
      %dma_start3A_116 = arith.constant 0 : i32
      %dma_start3A_117 = tpu.memref_slice %arg14[%dma_start3A_115, %dma_start3A_116] : memref<10240x128xf32, #tpu.memory_space<vmem_shared>> -> memref<10240x128xf32, #tpu.memory_space<vmem_shared>>
      tpu.enqueue_indirect_dma source(%arg9 : memref<128x128xf32, #tpu.memory_space<vmem>>) target(%dma_start3A_117 : memref<10240x128xf32, #tpu.memory_space<vmem_shared>>) offsets(%dma_start3A_114 : memref<128xi32, #tpu.memory_space<vmem>>) semaphore(%arg13 : memref<!tpu.dma_semaphore, #tpu.memory_space<semaphore_mem>>) {add = true}
      %dma_wait3A_118 = arith.constant 0 : i32
      %dma_wait3A_119 = arith.constant 0 : i32
      %dma_wait3A_120 = tpu.memref_slice %arg14[%dma_wait3A_118, %dma_wait3A_119] : memref<10240x128xf32, #tpu.memory_space<vmem_shared>> -> memref<128x128xf32, #tpu.memory_space<vmem_shared>>
      %dma_wait3A_121 = arith.constant 0 : i32
      %dma_wait3A_122 = arith.constant 0 : i32
      %dma_wait3A_123 = tpu.memref_slice %arg14[%dma_wait3A_121, %dma_wait3A_122] : memref<10240x128xf32, #tpu.memory_space<vmem_shared>> -> memref<128x128xf32, #tpu.memory_space<vmem_shared>>
      tpu.wait_dma2 semaphore(%arg13 : memref<!tpu.dma_semaphore, #tpu.memory_space<semaphore_mem>>) src(%arg9 : memref<128x128xf32, #tpu.memory_space<vmem>>) dst(%dma_wait3A_123 : memref<128x128xf32, #tpu.memory_space<vmem_shared>>)
      %add3A_124 = arith.constant 2 : i32
      %add3A_125 = arith.addi %add3A_107, %add3A_124 : i32
      %lt3A_126 = arith.constant 84 : i32
      %lt3A_127 = arith.cmpi slt, %add3A_125, %lt3A_126 : i32
      %convert_element_type3A_128 = arith.extui %lt3A_127 : i1 to i32
      %cond3A_129 = arith.constant 0 : i32
      %cond3A_130 = arith.cmpi ne, %convert_element_type3A_128, %cond3A_129 : i32
      scf.if %cond3A_130 {
        %add3A_131 = arith.constant 2 : i32
        %add3A_132 = arith.addi %add3A_107, %add3A_131 : i32
        %mul3A_133 = arith.constant 128 : i32
        %mul3A_134 = arith.muli %add3A_132, %mul3A_133 : i32
        %add3A_135 = arith.addi %mul3A_22, %mul3A_134 : i32
        %dma_start3A_136 = arith.constant 0 : i32
        %dma_start3A_137 = tpu.memref_slice %arg2[%add3A_135, %dma_start3A_136] : memref<344064x128xf32, #tpu.memory_space<hbm>> -> memref<128x128xf32, #tpu.memory_space<hbm>>
        %dma_start3A_138 = arith.constant 0 : i32
        %dma_start3A_139 = tpu.memref_slice %arg2[%add3A_135, %dma_start3A_138] : memref<344064x128xf32, #tpu.memory_space<hbm>> -> memref<128x128xf32, #tpu.memory_space<hbm>>
        tpu.enqueue_dma source(%dma_start3A_139 : memref<128x128xf32, #tpu.memory_space<hbm>>) target(%arg9 : memref<128x128xf32, #tpu.memory_space<vmem>>) target_semaphore(%arg11 : memref<!tpu.dma_semaphore, #tpu.memory_space<semaphore_mem>>)
      } else {
      }
    }
    %scan3A_38 = arith.constant 42 : i32
    %barrier3A_39 = arith.constant 0 : index
    tpu.barrier barrier_id(%barrier3A_39)
    %mul3A_40 = arith.constant 640 : i32
    %mul3A_41 = arith.muli %arg1, %mul3A_40 : i32
    %add3A_42 = arith.constant 0 : i32
    %add3A_43 = arith.addi %mul3A_41, %add3A_42 : i32
    "tpu.region"() ({
      %run_scoped3A = tpu.sem_alloc : memref<!tpu.dma_semaphore, #tpu.memory_space<semaphore_mem>>
      %dma_start3A_80 = arith.constant 0 : i32
      %dma_start3A_81 = tpu.memref_slice %arg14[%add3A_43, %dma_start3A_80] : memref<10240x128xf32, #tpu.memory_space<vmem_shared>> -> memref<128x128xf32, #tpu.memory_space<vmem_shared>>
      %dma_start3A_82 = arith.constant 0 : i32
      %dma_start3A_83 = tpu.memref_slice %arg14[%add3A_43, %dma_start3A_82] : memref<10240x128xf32, #tpu.memory_space<vmem_shared>> -> memref<128x128xf32, #tpu.memory_space<vmem_shared>>
      tpu.enqueue_dma source(%dma_start3A_83 : memref<128x128xf32, #tpu.memory_space<vmem_shared>>) target(%arg8 : memref<128x128xf32, #tpu.memory_space<vmem>>) target_semaphore(%run_scoped3A : memref<!tpu.dma_semaphore, #tpu.memory_space<semaphore_mem>>)
      %dma_wait3A = arith.constant 0 : i32
      %dma_wait3A_84 = tpu.memref_slice %arg14[%add3A_43, %dma_wait3A] : memref<10240x128xf32, #tpu.memory_space<vmem_shared>> -> memref<128x128xf32, #tpu.memory_space<vmem_shared>>
      %dma_wait3A_85 = arith.constant 0 : i32
      %dma_wait3A_86 = tpu.memref_slice %arg14[%add3A_43, %dma_wait3A_85] : memref<10240x128xf32, #tpu.memory_space<vmem_shared>> -> memref<128x128xf32, #tpu.memory_space<vmem_shared>>
      tpu.wait_dma2 semaphore(%run_scoped3A : memref<!tpu.dma_semaphore, #tpu.memory_space<semaphore_mem>>) src(%dma_wait3A_86 : memref<128x128xf32, #tpu.memory_space<vmem_shared>>) dst(%arg8 : memref<128x128xf32, #tpu.memory_space<vmem>>)
      tpu.yield
    }) : () -> ()
    %mul3A_44 = arith.constant 640 : i32
    %mul3A_45 = arith.muli %arg1, %mul3A_44 : i32
    %add3A_46 = arith.constant 0 : i32
    %add3A_47 = arith.addi %mul3A_45, %add3A_46 : i32
    "tpu.region"() ({
      %run_scoped3A = tpu.sem_alloc : memref<!tpu.dma_semaphore, #tpu.memory_space<semaphore_mem>>
      %dma_start3A_80 = arith.constant 0 : i32
      %dma_start3A_81 = tpu.memref_slice %arg6[%arg0, %add3A_47, %dma_start3A_80] : memref<2x10240x128xf32, #tpu.memory_space<hbm>> -> memref<1x128x128xf32, #tpu.memory_space<hbm>>
      %dma_start3A_82 = tpu.memref_squeeze %dma_start3A_81 : memref<1x128x128xf32, #tpu.memory_space<hbm>> -> memref<128x128xf32, #tpu.memory_space<hbm>>
      %dma_start3A_83 = arith.constant 0 : i32
      %dma_start3A_84 = tpu.memref_slice %arg6[%arg0, %add3A_47, %dma_start3A_83] : memref<2x10240x128xf32, #tpu.memory_space<hbm>> -> memref<1x128x128xf32, #tpu.memory_space<hbm>>
      %dma_start3A_85 = tpu.memref_squeeze %dma_start3A_84 : memref<1x128x128xf32, #tpu.memory_space<hbm>> -> memref<128x128xf32, #tpu.memory_space<hbm>>
      tpu.enqueue_dma source(%arg8 : memref<128x128xf32, #tpu.memory_space<vmem>>) target(%dma_start3A_85 : memref<128x128xf32, #tpu.memory_space<hbm>>) target_semaphore(%run_scoped3A : memref<!tpu.dma_semaphore, #tpu.memory_space<semaphore_mem>>)
      %dma_wait3A = arith.constant 0 : i32
      %dma_wait3A_86 = tpu.memref_slice %arg6[%arg0, %add3A_47, %dma_wait3A] : memref<2x10240x128xf32, #tpu.memory_space<hbm>> -> memref<1x128x128xf32, #tpu.memory_space<hbm>>
      %dma_wait3A_87 = tpu.memref_squeeze %dma_wait3A_86 : memref<1x128x128xf32, #tpu.memory_space<hbm>> -> memref<128x128xf32, #tpu.memory_space<hbm>>
      %dma_wait3A_88 = arith.constant 0 : i32
      %dma_wait3A_89 = tpu.memref_slice %arg6[%arg0, %add3A_47, %dma_wait3A_88] : memref<2x10240x128xf32, #tpu.memory_space<hbm>> -> memref<1x128x128xf32, #tpu.memory_space<hbm>>
      %dma_wait3A_90 = tpu.memref_squeeze %dma_wait3A_89 : memref<1x128x128xf32, #tpu.memory_space<hbm>> -> memref<128x128xf32, #tpu.memory_space<hbm>>
      tpu.wait_dma2 semaphore(%run_scoped3A : memref<!tpu.dma_semaphore, #tpu.memory_space<semaphore_mem>>) src(%arg8 : memref<128x128xf32, #tpu.memory_space<vmem>>) dst(%dma_wait3A_90 : memref<128x128xf32, #tpu.memory_space<hbm>>)
      tpu.yield
    }) : () -> ()
    %mul3A_48 = arith.constant 640 : i32
    %mul3A_49 = arith.muli %arg1, %mul3A_48 : i32
    %add3A_50 = arith.constant 128 : i32
    %add3A_51 = arith.addi %mul3A_49, %add3A_50 : i32
    "tpu.region"() ({
      %run_scoped3A = tpu.sem_alloc : memref<!tpu.dma_semaphore, #tpu.memory_space<semaphore_mem>>
      %dma_start3A_80 = arith.constant 0 : i32
      %dma_start3A_81 = tpu.memref_slice %arg14[%add3A_51, %dma_start3A_80] : memref<10240x128xf32, #tpu.memory_space<vmem_shared>> -> memref<128x128xf32, #tpu.memory_space<vmem_shared>>
      %dma_start3A_82 = arith.constant 0 : i32
      %dma_start3A_83 = tpu.memref_slice %arg14[%add3A_51, %dma_start3A_82] : memref<10240x128xf32, #tpu.memory_space<vmem_shared>> -> memref<128x128xf32, #tpu.memory_space<vmem_shared>>
      tpu.enqueue_dma source(%dma_start3A_83 : memref<128x128xf32, #tpu.memory_space<vmem_shared>>) target(%arg8 : memref<128x128xf32, #tpu.memory_space<vmem>>) target_semaphore(%run_scoped3A : memref<!tpu.dma_semaphore, #tpu.memory_space<semaphore_mem>>)
      %dma_wait3A = arith.constant 0 : i32
      %dma_wait3A_84 = tpu.memref_slice %arg14[%add3A_51, %dma_wait3A] : memref<10240x128xf32, #tpu.memory_space<vmem_shared>> -> memref<128x128xf32, #tpu.memory_space<vmem_shared>>
      %dma_wait3A_85 = arith.constant 0 : i32
      %dma_wait3A_86 = tpu.memref_slice %arg14[%add3A_51, %dma_wait3A_85] : memref<10240x128xf32, #tpu.memory_space<vmem_shared>> -> memref<128x128xf32, #tpu.memory_space<vmem_shared>>
      tpu.wait_dma2 semaphore(%run_scoped3A : memref<!tpu.dma_semaphore, #tpu.memory_space<semaphore_mem>>) src(%dma_wait3A_86 : memref<128x128xf32, #tpu.memory_space<vmem_shared>>) dst(%arg8 : memref<128x128xf32, #tpu.memory_space<vmem>>)
      tpu.yield
    }) : () -> ()
    %mul3A_52 = arith.constant 640 : i32
    %mul3A_53 = arith.muli %arg1, %mul3A_52 : i32
    %add3A_54 = arith.constant 128 : i32
    %add3A_55 = arith.addi %mul3A_53, %add3A_54 : i32
    "tpu.region"() ({
      %run_scoped3A = tpu.sem_alloc : memref<!tpu.dma_semaphore, #tpu.memory_space<semaphore_mem>>
      %dma_start3A_80 = arith.constant 0 : i32
      %dma_start3A_81 = tpu.memref_slice %arg6[%arg0, %add3A_55, %dma_start3A_80] : memref<2x10240x128xf32, #tpu.memory_space<hbm>> -> memref<1x128x128xf32, #tpu.memory_space<hbm>>
      %dma_start3A_82 = tpu.memref_squeeze %dma_start3A_81 : memref<1x128x128xf32, #tpu.memory_space<hbm>> -> memref<128x128xf32, #tpu.memory_space<hbm>>
      %dma_start3A_83 = arith.constant 0 : i32
      %dma_start3A_84 = tpu.memref_slice %arg6[%arg0, %add3A_55, %dma_start3A_83] : memref<2x10240x128xf32, #tpu.memory_space<hbm>> -> memref<1x128x128xf32, #tpu.memory_space<hbm>>
      %dma_start3A_85 = tpu.memref_squeeze %dma_start3A_84 : memref<1x128x128xf32, #tpu.memory_space<hbm>> -> memref<128x128xf32, #tpu.memory_space<hbm>>
      tpu.enqueue_dma source(%arg8 : memref<128x128xf32, #tpu.memory_space<vmem>>) target(%dma_start3A_85 : memref<128x128xf32, #tpu.memory_space<hbm>>) target_semaphore(%run_scoped3A : memref<!tpu.dma_semaphore, #tpu.memory_space<semaphore_mem>>)
      %dma_wait3A = arith.constant 0 : i32
      %dma_wait3A_86 = tpu.memref_slice %arg6[%arg0, %add3A_55, %dma_wait3A] : memref<2x10240x128xf32, #tpu.memory_space<hbm>> -> memref<1x128x128xf32, #tpu.memory_space<hbm>>
      %dma_wait3A_87 = tpu.memref_squeeze %dma_wait3A_86 : memref<1x128x128xf32, #tpu.memory_space<hbm>> -> memref<128x128xf32, #tpu.memory_space<hbm>>
      %dma_wait3A_88 = arith.constant 0 : i32
      %dma_wait3A_89 = tpu.memref_slice %arg6[%arg0, %add3A_55, %dma_wait3A_88] : memref<2x10240x128xf32, #tpu.memory_space<hbm>> -> memref<1x128x128xf32, #tpu.memory_space<hbm>>
      %dma_wait3A_90 = tpu.memref_squeeze %dma_wait3A_89 : memref<1x128x128xf32, #tpu.memory_space<hbm>> -> memref<128x128xf32, #tpu.memory_space<hbm>>
      tpu.wait_dma2 semaphore(%run_scoped3A : memref<!tpu.dma_semaphore, #tpu.memory_space<semaphore_mem>>) src(%arg8 : memref<128x128xf32, #tpu.memory_space<vmem>>) dst(%dma_wait3A_90 : memref<128x128xf32, #tpu.memory_space<hbm>>)
      tpu.yield
    }) : () -> ()
    %mul3A_56 = arith.constant 640 : i32
    %mul3A_57 = arith.muli %arg1, %mul3A_56 : i32
    %add3A_58 = arith.constant 256 : i32
    %add3A_59 = arith.addi %mul3A_57, %add3A_58 : i32
    "tpu.region"() ({
      %run_scoped3A = tpu.sem_alloc : memref<!tpu.dma_semaphore, #tpu.memory_space<semaphore_mem>>
      %dma_start3A_80 = arith.constant 0 : i32
      %dma_start3A_81 = tpu.memref_slice %arg14[%add3A_59, %dma_start3A_80] : memref<10240x128xf32, #tpu.memory_space<vmem_shared>> -> memref<128x128xf32, #tpu.memory_space<vmem_shared>>
      %dma_start3A_82 = arith.constant 0 : i32
      %dma_start3A_83 = tpu.memref_slice %arg14[%add3A_59, %dma_start3A_82] : memref<10240x128xf32, #tpu.memory_space<vmem_shared>> -> memref<128x128xf32, #tpu.memory_space<vmem_shared>>
      tpu.enqueue_dma source(%dma_start3A_83 : memref<128x128xf32, #tpu.memory_space<vmem_shared>>) target(%arg8 : memref<128x128xf32, #tpu.memory_space<vmem>>) target_semaphore(%run_scoped3A : memref<!tpu.dma_semaphore, #tpu.memory_space<semaphore_mem>>)
      %dma_wait3A = arith.constant 0 : i32
      %dma_wait3A_84 = tpu.memref_slice %arg14[%add3A_59, %dma_wait3A] : memref<10240x128xf32, #tpu.memory_space<vmem_shared>> -> memref<128x128xf32, #tpu.memory_space<vmem_shared>>
      %dma_wait3A_85 = arith.constant 0 : i32
      %dma_wait3A_86 = tpu.memref_slice %arg14[%add3A_59, %dma_wait3A_85] : memref<10240x128xf32, #tpu.memory_space<vmem_shared>> -> memref<128x128xf32, #tpu.memory_space<vmem_shared>>
      tpu.wait_dma2 semaphore(%run_scoped3A : memref<!tpu.dma_semaphore, #tpu.memory_space<semaphore_mem>>) src(%dma_wait3A_86 : memref<128x128xf32, #tpu.memory_space<vmem_shared>>) dst(%arg8 : memref<128x128xf32, #tpu.memory_space<vmem>>)
      tpu.yield
    }) : () -> ()
    %mul3A_60 = arith.constant 640 : i32
    %mul3A_61 = arith.muli %arg1, %mul3A_60 : i32
    %add3A_62 = arith.constant 256 : i32
    %add3A_63 = arith.addi %mul3A_61, %add3A_62 : i32
    "tpu.region"() ({
      %run_scoped3A = tpu.sem_alloc : memref<!tpu.dma_semaphore, #tpu.memory_space<semaphore_mem>>
      %dma_start3A_80 = arith.constant 0 : i32
      %dma_start3A_81 = tpu.memref_slice %arg6[%arg0, %add3A_63, %dma_start3A_80] : memref<2x10240x128xf32, #tpu.memory_space<hbm>> -> memref<1x128x128xf32, #tpu.memory_space<hbm>>
      %dma_start3A_82 = tpu.memref_squeeze %dma_start3A_81 : memref<1x128x128xf32, #tpu.memory_space<hbm>> -> memref<128x128xf32, #tpu.memory_space<hbm>>
      %dma_start3A_83 = arith.constant 0 : i32
      %dma_start3A_84 = tpu.memref_slice %arg6[%arg0, %add3A_63, %dma_start3A_83] : memref<2x10240x128xf32, #tpu.memory_space<hbm>> -> memref<1x128x128xf32, #tpu.memory_space<hbm>>
      %dma_start3A_85 = tpu.memref_squeeze %dma_start3A_84 : memref<1x128x128xf32, #tpu.memory_space<hbm>> -> memref<128x128xf32, #tpu.memory_space<hbm>>
      tpu.enqueue_dma source(%arg8 : memref<128x128xf32, #tpu.memory_space<vmem>>) target(%dma_start3A_85 : memref<128x128xf32, #tpu.memory_space<hbm>>) target_semaphore(%run_scoped3A : memref<!tpu.dma_semaphore, #tpu.memory_space<semaphore_mem>>)
      %dma_wait3A = arith.constant 0 : i32
      %dma_wait3A_86 = tpu.memref_slice %arg6[%arg0, %add3A_63, %dma_wait3A] : memref<2x10240x128xf32, #tpu.memory_space<hbm>> -> memref<1x128x128xf32, #tpu.memory_space<hbm>>
      %dma_wait3A_87 = tpu.memref_squeeze %dma_wait3A_86 : memref<1x128x128xf32, #tpu.memory_space<hbm>> -> memref<128x128xf32, #tpu.memory_space<hbm>>
      %dma_wait3A_88 = arith.constant 0 : i32
      %dma_wait3A_89 = tpu.memref_slice %arg6[%arg0, %add3A_63, %dma_wait3A_88] : memref<2x10240x128xf32, #tpu.memory_space<hbm>> -> memref<1x128x128xf32, #tpu.memory_space<hbm>>
      %dma_wait3A_90 = tpu.memref_squeeze %dma_wait3A_89 : memref<1x128x128xf32, #tpu.memory_space<hbm>> -> memref<128x128xf32, #tpu.memory_space<hbm>>
      tpu.wait_dma2 semaphore(%run_scoped3A : memref<!tpu.dma_semaphore, #tpu.memory_space<semaphore_mem>>) src(%arg8 : memref<128x128xf32, #tpu.memory_space<vmem>>) dst(%dma_wait3A_90 : memref<128x128xf32, #tpu.memory_space<hbm>>)
      tpu.yield
    }) : () -> ()
    %mul3A_64 = arith.constant 640 : i32
    %mul3A_65 = arith.muli %arg1, %mul3A_64 : i32
    %add3A_66 = arith.constant 384 : i32
    %add3A_67 = arith.addi %mul3A_65, %add3A_66 : i32
    "tpu.region"() ({
      %run_scoped3A = tpu.sem_alloc : memref<!tpu.dma_semaphore, #tpu.memory_space<semaphore_mem>>
      %dma_start3A_80 = arith.constant 0 : i32
      %dma_start3A_81 = tpu.memref_slice %arg14[%add3A_67, %dma_start3A_80] : memref<10240x128xf32, #tpu.memory_space<vmem_shared>> -> memref<128x128xf32, #tpu.memory_space<vmem_shared>>
      %dma_start3A_82 = arith.constant 0 : i32
      %dma_start3A_83 = tpu.memref_slice %arg14[%add3A_67, %dma_start3A_82] : memref<10240x128xf32, #tpu.memory_space<vmem_shared>> -> memref<128x128xf32, #tpu.memory_space<vmem_shared>>
      tpu.enqueue_dma source(%dma_start3A_83 : memref<128x128xf32, #tpu.memory_space<vmem_shared>>) target(%arg8 : memref<128x128xf32, #tpu.memory_space<vmem>>) target_semaphore(%run_scoped3A : memref<!tpu.dma_semaphore, #tpu.memory_space<semaphore_mem>>)
      %dma_wait3A = arith.constant 0 : i32
      %dma_wait3A_84 = tpu.memref_slice %arg14[%add3A_67, %dma_wait3A] : memref<10240x128xf32, #tpu.memory_space<vmem_shared>> -> memref<128x128xf32, #tpu.memory_space<vmem_shared>>
      %dma_wait3A_85 = arith.constant 0 : i32
      %dma_wait3A_86 = tpu.memref_slice %arg14[%add3A_67, %dma_wait3A_85] : memref<10240x128xf32, #tpu.memory_space<vmem_shared>> -> memref<128x128xf32, #tpu.memory_space<vmem_shared>>
      tpu.wait_dma2 semaphore(%run_scoped3A : memref<!tpu.dma_semaphore, #tpu.memory_space<semaphore_mem>>) src(%dma_wait3A_86 : memref<128x128xf32, #tpu.memory_space<vmem_shared>>) dst(%arg8 : memref<128x128xf32, #tpu.memory_space<vmem>>)
      tpu.yield
    }) : () -> ()
    %mul3A_68 = arith.constant 640 : i32
    %mul3A_69 = arith.muli %arg1, %mul3A_68 : i32
    %add3A_70 = arith.constant 384 : i32
    %add3A_71 = arith.addi %mul3A_69, %add3A_70 : i32
    "tpu.region"() ({
      %run_scoped3A = tpu.sem_alloc : memref<!tpu.dma_semaphore, #tpu.memory_space<semaphore_mem>>
      %dma_start3A_80 = arith.constant 0 : i32
      %dma_start3A_81 = tpu.memref_slice %arg6[%arg0, %add3A_71, %dma_start3A_80] : memref<2x10240x128xf32, #tpu.memory_space<hbm>> -> memref<1x128x128xf32, #tpu.memory_space<hbm>>
      %dma_start3A_82 = tpu.memref_squeeze %dma_start3A_81 : memref<1x128x128xf32, #tpu.memory_space<hbm>> -> memref<128x128xf32, #tpu.memory_space<hbm>>
      %dma_start3A_83 = arith.constant 0 : i32
      %dma_start3A_84 = tpu.memref_slice %arg6[%arg0, %add3A_71, %dma_start3A_83] : memref<2x10240x128xf32, #tpu.memory_space<hbm>> -> memref<1x128x128xf32, #tpu.memory_space<hbm>>
      %dma_start3A_85 = tpu.memref_squeeze %dma_start3A_84 : memref<1x128x128xf32, #tpu.memory_space<hbm>> -> memref<128x128xf32, #tpu.memory_space<hbm>>
      tpu.enqueue_dma source(%arg8 : memref<128x128xf32, #tpu.memory_space<vmem>>) target(%dma_start3A_85 : memref<128x128xf32, #tpu.memory_space<hbm>>) target_semaphore(%run_scoped3A : memref<!tpu.dma_semaphore, #tpu.memory_space<semaphore_mem>>)
      %dma_wait3A = arith.constant 0 : i32
      %dma_wait3A_86 = tpu.memref_slice %arg6[%arg0, %add3A_71, %dma_wait3A] : memref<2x10240x128xf32, #tpu.memory_space<hbm>> -> memref<1x128x128xf32, #tpu.memory_space<hbm>>
      %dma_wait3A_87 = tpu.memref_squeeze %dma_wait3A_86 : memref<1x128x128xf32, #tpu.memory_space<hbm>> -> memref<128x128xf32, #tpu.memory_space<hbm>>
      %dma_wait3A_88 = arith.constant 0 : i32
      %dma_wait3A_89 = tpu.memref_slice %arg6[%arg0, %add3A_71, %dma_wait3A_88] : memref<2x10240x128xf32, #tpu.memory_space<hbm>> -> memref<1x128x128xf32, #tpu.memory_space<hbm>>
      %dma_wait3A_90 = tpu.memref_squeeze %dma_wait3A_89 : memref<1x128x128xf32, #tpu.memory_space<hbm>> -> memref<128x128xf32, #tpu.memory_space<hbm>>
      tpu.wait_dma2 semaphore(%run_scoped3A : memref<!tpu.dma_semaphore, #tpu.memory_space<semaphore_mem>>) src(%arg8 : memref<128x128xf32, #tpu.memory_space<vmem>>) dst(%dma_wait3A_90 : memref<128x128xf32, #tpu.memory_space<hbm>>)
      tpu.yield
    }) : () -> ()
    %mul3A_72 = arith.constant 640 : i32
    %mul3A_73 = arith.muli %arg1, %mul3A_72 : i32
    %add3A_74 = arith.constant 512 : i32
    %add3A_75 = arith.addi %mul3A_73, %add3A_74 : i32
    "tpu.region"() ({
      %run_scoped3A = tpu.sem_alloc : memref<!tpu.dma_semaphore, #tpu.memory_space<semaphore_mem>>
      %dma_start3A_80 = arith.constant 0 : i32
      %dma_start3A_81 = tpu.memref_slice %arg14[%add3A_75, %dma_start3A_80] : memref<10240x128xf32, #tpu.memory_space<vmem_shared>> -> memref<128x128xf32, #tpu.memory_space<vmem_shared>>
      %dma_start3A_82 = arith.constant 0 : i32
      %dma_start3A_83 = tpu.memref_slice %arg14[%add3A_75, %dma_start3A_82] : memref<10240x128xf32, #tpu.memory_space<vmem_shared>> -> memref<128x128xf32, #tpu.memory_space<vmem_shared>>
      tpu.enqueue_dma source(%dma_start3A_83 : memref<128x128xf32, #tpu.memory_space<vmem_shared>>) target(%arg8 : memref<128x128xf32, #tpu.memory_space<vmem>>) target_semaphore(%run_scoped3A : memref<!tpu.dma_semaphore, #tpu.memory_space<semaphore_mem>>)
      %dma_wait3A = arith.constant 0 : i32
      %dma_wait3A_84 = tpu.memref_slice %arg14[%add3A_75, %dma_wait3A] : memref<10240x128xf32, #tpu.memory_space<vmem_shared>> -> memref<128x128xf32, #tpu.memory_space<vmem_shared>>
      %dma_wait3A_85 = arith.constant 0 : i32
      %dma_wait3A_86 = tpu.memref_slice %arg14[%add3A_75, %dma_wait3A_85] : memref<10240x128xf32, #tpu.memory_space<vmem_shared>> -> memref<128x128xf32, #tpu.memory_space<vmem_shared>>
      tpu.wait_dma2 semaphore(%run_scoped3A : memref<!tpu.dma_semaphore, #tpu.memory_space<semaphore_mem>>) src(%dma_wait3A_86 : memref<128x128xf32, #tpu.memory_space<vmem_shared>>) dst(%arg8 : memref<128x128xf32, #tpu.memory_space<vmem>>)
      tpu.yield
    }) : () -> ()
    %mul3A_76 = arith.constant 640 : i32
    %mul3A_77 = arith.muli %arg1, %mul3A_76 : i32
    %add3A_78 = arith.constant 512 : i32
    %add3A_79 = arith.addi %mul3A_77, %add3A_78 : i32
    "tpu.region"() ({
      %run_scoped3A = tpu.sem_alloc : memref<!tpu.dma_semaphore, #tpu.memory_space<semaphore_mem>>
      %dma_start3A_80 = arith.constant 0 : i32
      %dma_start3A_81 = tpu.memref_slice %arg6[%arg0, %add3A_79, %dma_start3A_80] : memref<2x10240x128xf32, #tpu.memory_space<hbm>> -> memref<1x128x128xf32, #tpu.memory_space<hbm>>
      %dma_start3A_82 = tpu.memref_squeeze %dma_start3A_81 : memref<1x128x128xf32, #tpu.memory_space<hbm>> -> memref<128x128xf32, #tpu.memory_space<hbm>>
      %dma_start3A_83 = arith.constant 0 : i32
      %dma_start3A_84 = tpu.memref_slice %arg6[%arg0, %add3A_79, %dma_start3A_83] : memref<2x10240x128xf32, #tpu.memory_space<hbm>> -> memref<1x128x128xf32, #tpu.memory_space<hbm>>
      %dma_start3A_85 = tpu.memref_squeeze %dma_start3A_84 : memref<1x128x128xf32, #tpu.memory_space<hbm>> -> memref<128x128xf32, #tpu.memory_space<hbm>>
      tpu.enqueue_dma source(%arg8 : memref<128x128xf32, #tpu.memory_space<vmem>>) target(%dma_start3A_85 : memref<128x128xf32, #tpu.memory_space<hbm>>) target_semaphore(%run_scoped3A : memref<!tpu.dma_semaphore, #tpu.memory_space<semaphore_mem>>)
      %dma_wait3A = arith.constant 0 : i32
      %dma_wait3A_86 = tpu.memref_slice %arg6[%arg0, %add3A_79, %dma_wait3A] : memref<2x10240x128xf32, #tpu.memory_space<hbm>> -> memref<1x128x128xf32, #tpu.memory_space<hbm>>
      %dma_wait3A_87 = tpu.memref_squeeze %dma_wait3A_86 : memref<1x128x128xf32, #tpu.memory_space<hbm>> -> memref<128x128xf32, #tpu.memory_space<hbm>>
      %dma_wait3A_88 = arith.constant 0 : i32
      %dma_wait3A_89 = tpu.memref_slice %arg6[%arg0, %add3A_79, %dma_wait3A_88] : memref<2x10240x128xf32, #tpu.memory_space<hbm>> -> memref<1x128x128xf32, #tpu.memory_space<hbm>>
      %dma_wait3A_90 = tpu.memref_squeeze %dma_wait3A_89 : memref<1x128x128xf32, #tpu.memory_space<hbm>> -> memref<128x128xf32, #tpu.memory_space<hbm>>
      tpu.wait_dma2 semaphore(%run_scoped3A : memref<!tpu.dma_semaphore, #tpu.memory_space<semaphore_mem>>) src(%arg8 : memref<128x128xf32, #tpu.memory_space<vmem>>) dst(%dma_wait3A_90 : memref<128x128xf32, #tpu.memory_space<hbm>>)
      tpu.yield
    }) : () -> ()
    return
  }
}

#map = affine_map<(d0, d1) -> (0, 0)>
#map1 = affine_map<(d0, d1) -> (0, 0, 0)>
module attributes {stable_mosaic.version = 14 : i64} {
  func.func @body(%arg0: i32, %arg1: i32, %arg2: memref<344064x128xf32, #tpu.memory_space<hbm>>, %arg3: memref<32x84x128xi32, #tpu.memory_space<hbm>>, %arg4: memref<128x128xf32, #tpu.memory_space<hbm>>, %arg5: memref<2x10240x128xf32, #tpu.memory_space<hbm>>, %arg6: memref<84x128xi32, #tpu.memory_space<vmem>>, %arg7: memref<128x128xf32, #tpu.memory_space<vmem>>, %arg8: memref<128x128xf32, #tpu.memory_space<vmem>>, %arg9: memref<!tpu.dma_semaphore, #tpu.memory_space<semaphore_mem>>, %arg10: memref<!tpu.dma_semaphore, #tpu.memory_space<semaphore_mem>>, %arg11: memref<!tpu.dma_semaphore, #tpu.memory_space<semaphore_mem>>, %arg12: memref<!tpu.dma_semaphore, #tpu.memory_space<semaphore_mem>>, %arg13: memref<10240x128xf32, #tpu.memory_space<vmem_shared>>) attributes {dimension_semantics = [#tpu.dimension_semantics<core_parallel>, #tpu.dimension_semantics<subcore_parallel>], iteration_bounds = array<i64: 2, 16>, scalar_prefetch = 0 : i64, scratch_operands = 8 : i64, tpu.core_type = #tpu.core_type<sc_vector_subcore>, window_params = [{transform_indices = #map}, {transform_indices = #map1}, {transform_indices = #map}, {transform_indices = #map1}]} {
    %mul3A = arith.constant 2 : i32
    %mul3A_0 = arith.muli %arg1, %mul3A : i32
    %add3A = arith.addi %mul3A_0, %arg0 : i32
    "tpu.region"() ({
      %run_scoped3A = tpu.sem_alloc : memref<!tpu.dma_semaphore, #tpu.memory_space<semaphore_mem>>
      tpu.enqueue_dma source(%arg4 : memref<128x128xf32, #tpu.memory_space<hbm>>) target(%arg7 : memref<128x128xf32, #tpu.memory_space<vmem>>) target_semaphore(%run_scoped3A : memref<!tpu.dma_semaphore, #tpu.memory_space<semaphore_mem>>)
      tpu.wait_dma2 semaphore(%run_scoped3A : memref<!tpu.dma_semaphore, #tpu.memory_space<semaphore_mem>>) src(%arg4 : memref<128x128xf32, #tpu.memory_space<hbm>>) dst(%arg7 : memref<128x128xf32, #tpu.memory_space<vmem>>)
      tpu.yield
    }) : () -> ()
    %mul3A_1 = arith.constant 640 : i32
    %mul3A_2 = arith.muli %arg1, %mul3A_1 : i32
    %add3A_3 = arith.constant 0 : i32
    %add3A_4 = arith.addi %mul3A_2, %add3A_3 : i32
    "tpu.region"() ({
      %run_scoped3A = tpu.sem_alloc : memref<!tpu.dma_semaphore, #tpu.memory_space<semaphore_mem>>
      %dma_start3A_80 = arith.constant 0 : i32
      %dma_start3A_81 = tpu.memref_slice %arg13[%add3A_4, %dma_start3A_80] : memref<10240x128xf32, #tpu.memory_space<vmem_shared>> -> memref<128x128xf32, #tpu.memory_space<vmem_shared>>
      %dma_start3A_82 = arith.constant 0 : i32
      %dma_start3A_83 = tpu.memref_slice %arg13[%add3A_4, %dma_start3A_82] : memref<10240x128xf32, #tpu.memory_space<vmem_shared>> -> memref<128x128xf32, #tpu.memory_space<vmem_shared>>
      tpu.enqueue_dma source(%arg7 : memref<128x128xf32, #tpu.memory_space<vmem>>) target(%dma_start3A_83 : memref<128x128xf32, #tpu.memory_space<vmem_shared>>) target_semaphore(%run_scoped3A : memref<!tpu.dma_semaphore, #tpu.memory_space<semaphore_mem>>)
      %dma_wait3A = arith.constant 0 : i32
      %dma_wait3A_84 = tpu.memref_slice %arg13[%add3A_4, %dma_wait3A] : memref<10240x128xf32, #tpu.memory_space<vmem_shared>> -> memref<128x128xf32, #tpu.memory_space<vmem_shared>>
      %dma_wait3A_85 = arith.constant 0 : i32
      %dma_wait3A_86 = tpu.memref_slice %arg13[%add3A_4, %dma_wait3A_85] : memref<10240x128xf32, #tpu.memory_space<vmem_shared>> -> memref<128x128xf32, #tpu.memory_space<vmem_shared>>
      tpu.wait_dma2 semaphore(%run_scoped3A : memref<!tpu.dma_semaphore, #tpu.memory_space<semaphore_mem>>) src(%arg7 : memref<128x128xf32, #tpu.memory_space<vmem>>) dst(%dma_wait3A_86 : memref<128x128xf32, #tpu.memory_space<vmem_shared>>)
      tpu.yield
    }) : () -> ()
    %mul3A_5 = arith.constant 640 : i32
    %mul3A_6 = arith.muli %arg1, %mul3A_5 : i32
    %add3A_7 = arith.constant 128 : i32
    %add3A_8 = arith.addi %mul3A_6, %add3A_7 : i32
    "tpu.region"() ({
      %run_scoped3A = tpu.sem_alloc : memref<!tpu.dma_semaphore, #tpu.memory_space<semaphore_mem>>
      %dma_start3A_80 = arith.constant 0 : i32
      %dma_start3A_81 = tpu.memref_slice %arg13[%add3A_8, %dma_start3A_80] : memref<10240x128xf32, #tpu.memory_space<vmem_shared>> -> memref<128x128xf32, #tpu.memory_space<vmem_shared>>
      %dma_start3A_82 = arith.constant 0 : i32
      %dma_start3A_83 = tpu.memref_slice %arg13[%add3A_8, %dma_start3A_82] : memref<10240x128xf32, #tpu.memory_space<vmem_shared>> -> memref<128x128xf32, #tpu.memory_space<vmem_shared>>
      tpu.enqueue_dma source(%arg7 : memref<128x128xf32, #tpu.memory_space<vmem>>) target(%dma_start3A_83 : memref<128x128xf32, #tpu.memory_space<vmem_shared>>) target_semaphore(%run_scoped3A : memref<!tpu.dma_semaphore, #tpu.memory_space<semaphore_mem>>)
      %dma_wait3A = arith.constant 0 : i32
      %dma_wait3A_84 = tpu.memref_slice %arg13[%add3A_8, %dma_wait3A] : memref<10240x128xf32, #tpu.memory_space<vmem_shared>> -> memref<128x128xf32, #tpu.memory_space<vmem_shared>>
      %dma_wait3A_85 = arith.constant 0 : i32
      %dma_wait3A_86 = tpu.memref_slice %arg13[%add3A_8, %dma_wait3A_85] : memref<10240x128xf32, #tpu.memory_space<vmem_shared>> -> memref<128x128xf32, #tpu.memory_space<vmem_shared>>
      tpu.wait_dma2 semaphore(%run_scoped3A : memref<!tpu.dma_semaphore, #tpu.memory_space<semaphore_mem>>) src(%arg7 : memref<128x128xf32, #tpu.memory_space<vmem>>) dst(%dma_wait3A_86 : memref<128x128xf32, #tpu.memory_space<vmem_shared>>)
      tpu.yield
    }) : () -> ()
    %mul3A_9 = arith.constant 640 : i32
    %mul3A_10 = arith.muli %arg1, %mul3A_9 : i32
    %add3A_11 = arith.constant 256 : i32
    %add3A_12 = arith.addi %mul3A_10, %add3A_11 : i32
    "tpu.region"() ({
      %run_scoped3A = tpu.sem_alloc : memref<!tpu.dma_semaphore, #tpu.memory_space<semaphore_mem>>
      %dma_start3A_80 = arith.constant 0 : i32
      %dma_start3A_81 = tpu.memref_slice %arg13[%add3A_12, %dma_start3A_80] : memref<10240x128xf32, #tpu.memory_space<vmem_shared>> -> memref<128x128xf32, #tpu.memory_space<vmem_shared>>
      %dma_start3A_82 = arith.constant 0 : i32
      %dma_start3A_83 = tpu.memref_slice %arg13[%add3A_12, %dma_start3A_82] : memref<10240x128xf32, #tpu.memory_space<vmem_shared>> -> memref<128x128xf32, #tpu.memory_space<vmem_shared>>
      tpu.enqueue_dma source(%arg7 : memref<128x128xf32, #tpu.memory_space<vmem>>) target(%dma_start3A_83 : memref<128x128xf32, #tpu.memory_space<vmem_shared>>) target_semaphore(%run_scoped3A : memref<!tpu.dma_semaphore, #tpu.memory_space<semaphore_mem>>)
      %dma_wait3A = arith.constant 0 : i32
      %dma_wait3A_84 = tpu.memref_slice %arg13[%add3A_12, %dma_wait3A] : memref<10240x128xf32, #tpu.memory_space<vmem_shared>> -> memref<128x128xf32, #tpu.memory_space<vmem_shared>>
      %dma_wait3A_85 = arith.constant 0 : i32
      %dma_wait3A_86 = tpu.memref_slice %arg13[%add3A_12, %dma_wait3A_85] : memref<10240x128xf32, #tpu.memory_space<vmem_shared>> -> memref<128x128xf32, #tpu.memory_space<vmem_shared>>
      tpu.wait_dma2 semaphore(%run_scoped3A : memref<!tpu.dma_semaphore, #tpu.memory_space<semaphore_mem>>) src(%arg7 : memref<128x128xf32, #tpu.memory_space<vmem>>) dst(%dma_wait3A_86 : memref<128x128xf32, #tpu.memory_space<vmem_shared>>)
      tpu.yield
    }) : () -> ()
    %mul3A_13 = arith.constant 640 : i32
    %mul3A_14 = arith.muli %arg1, %mul3A_13 : i32
    %add3A_15 = arith.constant 384 : i32
    %add3A_16 = arith.addi %mul3A_14, %add3A_15 : i32
    "tpu.region"() ({
      %run_scoped3A = tpu.sem_alloc : memref<!tpu.dma_semaphore, #tpu.memory_space<semaphore_mem>>
      %dma_start3A_80 = arith.constant 0 : i32
      %dma_start3A_81 = tpu.memref_slice %arg13[%add3A_16, %dma_start3A_80] : memref<10240x128xf32, #tpu.memory_space<vmem_shared>> -> memref<128x128xf32, #tpu.memory_space<vmem_shared>>
      %dma_start3A_82 = arith.constant 0 : i32
      %dma_start3A_83 = tpu.memref_slice %arg13[%add3A_16, %dma_start3A_82] : memref<10240x128xf32, #tpu.memory_space<vmem_shared>> -> memref<128x128xf32, #tpu.memory_space<vmem_shared>>
      tpu.enqueue_dma source(%arg7 : memref<128x128xf32, #tpu.memory_space<vmem>>) target(%dma_start3A_83 : memref<128x128xf32, #tpu.memory_space<vmem_shared>>) target_semaphore(%run_scoped3A : memref<!tpu.dma_semaphore, #tpu.memory_space<semaphore_mem>>)
      %dma_wait3A = arith.constant 0 : i32
      %dma_wait3A_84 = tpu.memref_slice %arg13[%add3A_16, %dma_wait3A] : memref<10240x128xf32, #tpu.memory_space<vmem_shared>> -> memref<128x128xf32, #tpu.memory_space<vmem_shared>>
      %dma_wait3A_85 = arith.constant 0 : i32
      %dma_wait3A_86 = tpu.memref_slice %arg13[%add3A_16, %dma_wait3A_85] : memref<10240x128xf32, #tpu.memory_space<vmem_shared>> -> memref<128x128xf32, #tpu.memory_space<vmem_shared>>
      tpu.wait_dma2 semaphore(%run_scoped3A : memref<!tpu.dma_semaphore, #tpu.memory_space<semaphore_mem>>) src(%arg7 : memref<128x128xf32, #tpu.memory_space<vmem>>) dst(%dma_wait3A_86 : memref<128x128xf32, #tpu.memory_space<vmem_shared>>)
      tpu.yield
    }) : () -> ()
    %mul3A_17 = arith.constant 640 : i32
    %mul3A_18 = arith.muli %arg1, %mul3A_17 : i32
    %add3A_19 = arith.constant 512 : i32
    %add3A_20 = arith.addi %mul3A_18, %add3A_19 : i32
    "tpu.region"() ({
      %run_scoped3A = tpu.sem_alloc : memref<!tpu.dma_semaphore, #tpu.memory_space<semaphore_mem>>
      %dma_start3A_80 = arith.constant 0 : i32
      %dma_start3A_81 = tpu.memref_slice %arg13[%add3A_20, %dma_start3A_80] : memref<10240x128xf32, #tpu.memory_space<vmem_shared>> -> memref<128x128xf32, #tpu.memory_space<vmem_shared>>
      %dma_start3A_82 = arith.constant 0 : i32
      %dma_start3A_83 = tpu.memref_slice %arg13[%add3A_20, %dma_start3A_82] : memref<10240x128xf32, #tpu.memory_space<vmem_shared>> -> memref<128x128xf32, #tpu.memory_space<vmem_shared>>
      tpu.enqueue_dma source(%arg7 : memref<128x128xf32, #tpu.memory_space<vmem>>) target(%dma_start3A_83 : memref<128x128xf32, #tpu.memory_space<vmem_shared>>) target_semaphore(%run_scoped3A : memref<!tpu.dma_semaphore, #tpu.memory_space<semaphore_mem>>)
      %dma_wait3A = arith.constant 0 : i32
      %dma_wait3A_84 = tpu.memref_slice %arg13[%add3A_20, %dma_wait3A] : memref<10240x128xf32, #tpu.memory_space<vmem_shared>> -> memref<128x128xf32, #tpu.memory_space<vmem_shared>>
      %dma_wait3A_85 = arith.constant 0 : i32
      %dma_wait3A_86 = tpu.memref_slice %arg13[%add3A_20, %dma_wait3A_85] : memref<10240x128xf32, #tpu.memory_space<vmem_shared>> -> memref<128x128xf32, #tpu.memory_space<vmem_shared>>
      tpu.wait_dma2 semaphore(%run_scoped3A : memref<!tpu.dma_semaphore, #tpu.memory_space<semaphore_mem>>) src(%arg7 : memref<128x128xf32, #tpu.memory_space<vmem>>) dst(%dma_wait3A_86 : memref<128x128xf32, #tpu.memory_space<vmem_shared>>)
      tpu.yield
    }) : () -> ()
    %barrier3A = arith.constant 0 : index
    tpu.barrier barrier_id(%barrier3A)
    "tpu.region"() ({
      %run_scoped3A = tpu.sem_alloc : memref<!tpu.dma_semaphore, #tpu.memory_space<semaphore_mem>>
      %dma_start3A_80 = arith.constant 0 : i32
      %dma_start3A_81 = arith.constant 0 : i32
      %dma_start3A_82 = tpu.memref_slice %arg3[%add3A, %dma_start3A_80, %dma_start3A_81] : memref<32x84x128xi32, #tpu.memory_space<hbm>> -> memref<1x84x128xi32, #tpu.memory_space<hbm>>
      %dma_start3A_83 = tpu.memref_squeeze %dma_start3A_82 : memref<1x84x128xi32, #tpu.memory_space<hbm>> -> memref<84x128xi32, #tpu.memory_space<hbm>>
      %dma_start3A_84 = arith.constant 0 : i32
      %dma_start3A_85 = arith.constant 0 : i32
      %dma_start3A_86 = tpu.memref_slice %arg3[%add3A, %dma_start3A_84, %dma_start3A_85] : memref<32x84x128xi32, #tpu.memory_space<hbm>> -> memref<1x84x128xi32, #tpu.memory_space<hbm>>
      %dma_start3A_87 = tpu.memref_squeeze %dma_start3A_86 : memref<1x84x128xi32, #tpu.memory_space<hbm>> -> memref<84x128xi32, #tpu.memory_space<hbm>>
      tpu.enqueue_dma source(%dma_start3A_87 : memref<84x128xi32, #tpu.memory_space<hbm>>) target(%arg6 : memref<84x128xi32, #tpu.memory_space<vmem>>) target_semaphore(%run_scoped3A : memref<!tpu.dma_semaphore, #tpu.memory_space<semaphore_mem>>)
      %dma_wait3A = arith.constant 0 : i32
      %dma_wait3A_88 = arith.constant 0 : i32
      %dma_wait3A_89 = tpu.memref_slice %arg3[%add3A, %dma_wait3A, %dma_wait3A_88] : memref<32x84x128xi32, #tpu.memory_space<hbm>> -> memref<1x84x128xi32, #tpu.memory_space<hbm>>
      %dma_wait3A_90 = tpu.memref_squeeze %dma_wait3A_89 : memref<1x84x128xi32, #tpu.memory_space<hbm>> -> memref<84x128xi32, #tpu.memory_space<hbm>>
      %dma_wait3A_91 = arith.constant 0 : i32
      %dma_wait3A_92 = arith.constant 0 : i32
      %dma_wait3A_93 = tpu.memref_slice %arg3[%add3A, %dma_wait3A_91, %dma_wait3A_92] : memref<32x84x128xi32, #tpu.memory_space<hbm>> -> memref<1x84x128xi32, #tpu.memory_space<hbm>>
      %dma_wait3A_94 = tpu.memref_squeeze %dma_wait3A_93 : memref<1x84x128xi32, #tpu.memory_space<hbm>> -> memref<84x128xi32, #tpu.memory_space<hbm>>
      tpu.wait_dma2 semaphore(%run_scoped3A : memref<!tpu.dma_semaphore, #tpu.memory_space<semaphore_mem>>) src(%dma_wait3A_94 : memref<84x128xi32, #tpu.memory_space<hbm>>) dst(%arg6 : memref<84x128xi32, #tpu.memory_space<vmem>>)
      tpu.yield
    }) : () -> ()
    %mul3A_21 = arith.constant 10752 : i32
    %mul3A_22 = arith.muli %add3A, %mul3A_21 : i32
    %add3A_23 = arith.constant 0 : i32
    %add3A_24 = arith.addi %mul3A_22, %add3A_23 : i32
    %dma_start3A = arith.constant 0 : i32
    %dma_start3A_25 = tpu.memref_slice %arg2[%add3A_24, %dma_start3A] : memref<344064x128xf32, #tpu.memory_space<hbm>> -> memref<128x128xf32, #tpu.memory_space<hbm>>
    %dma_start3A_26 = arith.constant 0 : i32
    %dma_start3A_27 = tpu.memref_slice %arg2[%add3A_24, %dma_start3A_26] : memref<344064x128xf32, #tpu.memory_space<hbm>> -> memref<128x128xf32, #tpu.memory_space<hbm>>
    tpu.enqueue_dma source(%dma_start3A_27 : memref<128x128xf32, #tpu.memory_space<hbm>>) target(%arg7 : memref<128x128xf32, #tpu.memory_space<vmem>>) target_semaphore(%arg9 : memref<!tpu.dma_semaphore, #tpu.memory_space<semaphore_mem>>)
    %add3A_28 = arith.constant 128 : i32
    %add3A_29 = arith.addi %mul3A_22, %add3A_28 : i32
    %dma_start3A_30 = arith.constant 0 : i32
    %dma_start3A_31 = tpu.memref_slice %arg2[%add3A_29, %dma_start3A_30] : memref<344064x128xf32, #tpu.memory_space<hbm>> -> memref<128x128xf32, #tpu.memory_space<hbm>>
    %dma_start3A_32 = arith.constant 0 : i32
    %dma_start3A_33 = tpu.memref_slice %arg2[%add3A_29, %dma_start3A_32] : memref<344064x128xf32, #tpu.memory_space<hbm>> -> memref<128x128xf32, #tpu.memory_space<hbm>>
    tpu.enqueue_dma source(%dma_start3A_33 : memref<128x128xf32, #tpu.memory_space<hbm>>) target(%arg8 : memref<128x128xf32, #tpu.memory_space<vmem>>) target_semaphore(%arg10 : memref<!tpu.dma_semaphore, #tpu.memory_space<semaphore_mem>>)
    %scan3A = arith.constant 0 : i32
    %scan3A_34 = arith.constant 0 : i32
    %scan3A_35 = arith.constant 42 : i32
    %scan3A_36 = arith.addi %scan3A_34, %scan3A_35 : i32
    %scan3A_37 = arith.constant 1 : i32
    scf.for %scan3A_80 = %scan3A_34 to %scan3A_36 step %scan3A_37  : i32 {
      %mul3A_81 = arith.constant 2 : i32
      %mul3A_82 = arith.muli %mul3A_81, %scan3A_80 : i32
      %add3A_83 = arith.constant 0 : i32
      %add3A_84 = arith.addi %mul3A_82, %add3A_83 : i32
      %dma_wait3A = arith.constant 0 : i32
      %dma_wait3A_85 = tpu.memref_slice %arg2[%mul3A_22, %dma_wait3A] : memref<344064x128xf32, #tpu.memory_space<hbm>> -> memref<128x128xf32, #tpu.memory_space<hbm>>
      %dma_wait3A_86 = arith.constant 0 : i32
      %dma_wait3A_87 = tpu.memref_slice %arg2[%mul3A_22, %dma_wait3A_86] : memref<344064x128xf32, #tpu.memory_space<hbm>> -> memref<128x128xf32, #tpu.memory_space<hbm>>
      tpu.wait_dma2 semaphore(%arg9 : memref<!tpu.dma_semaphore, #tpu.memory_space<semaphore_mem>>) src(%dma_wait3A_87 : memref<128x128xf32, #tpu.memory_space<hbm>>) dst(%arg7 : memref<128x128xf32, #tpu.memory_space<vmem>>)
      %dma_start3A_88 = arith.constant 0 : i32
      %dma_start3A_89 = tpu.memref_slice %arg6[%add3A_84, %dma_start3A_88] : memref<84x128xi32, #tpu.memory_space<vmem>> -> memref<1x128xi32, #tpu.memory_space<vmem>>
      %dma_start3A_90 = tpu.memref_squeeze %dma_start3A_89 : memref<1x128xi32, #tpu.memory_space<vmem>> -> memref<128xi32, #tpu.memory_space<vmem>>
      %dma_start3A_91 = arith.constant 0 : i32
      %dma_start3A_92 = arith.constant 0 : i32
      %dma_start3A_93 = tpu.memref_slice %arg13[%dma_start3A_91, %dma_start3A_92] : memref<10240x128xf32, #tpu.memory_space<vmem_shared>> -> memref<10240x128xf32, #tpu.memory_space<vmem_shared>>
      tpu.enqueue_indirect_dma source(%arg7 : memref<128x128xf32, #tpu.memory_space<vmem>>) target(%dma_start3A_93 : memref<10240x128xf32, #tpu.memory_space<vmem_shared>>) offsets(%dma_start3A_90 : memref<128xi32, #tpu.memory_space<vmem>>) semaphore(%arg11 : memref<!tpu.dma_semaphore, #tpu.memory_space<semaphore_mem>>) {add = true}
      %dma_wait3A_94 = arith.constant 0 : i32
      %dma_wait3A_95 = arith.constant 0 : i32
      %dma_wait3A_96 = tpu.memref_slice %arg13[%dma_wait3A_94, %dma_wait3A_95] : memref<10240x128xf32, #tpu.memory_space<vmem_shared>> -> memref<128x128xf32, #tpu.memory_space<vmem_shared>>
      %dma_wait3A_97 = arith.constant 0 : i32
      %dma_wait3A_98 = arith.constant 0 : i32
      %dma_wait3A_99 = tpu.memref_slice %arg13[%dma_wait3A_97, %dma_wait3A_98] : memref<10240x128xf32, #tpu.memory_space<vmem_shared>> -> memref<128x128xf32, #tpu.memory_space<vmem_shared>>
      tpu.wait_dma2 semaphore(%arg11 : memref<!tpu.dma_semaphore, #tpu.memory_space<semaphore_mem>>) src(%arg7 : memref<128x128xf32, #tpu.memory_space<vmem>>) dst(%dma_wait3A_99 : memref<128x128xf32, #tpu.memory_space<vmem_shared>>)
      %add3A_100 = arith.constant 2 : i32
      %add3A_101 = arith.addi %add3A_84, %add3A_100 : i32
      %lt3A = arith.constant 84 : i32
      %lt3A_102 = arith.cmpi slt, %add3A_101, %lt3A : i32
      %convert_element_type3A = arith.extui %lt3A_102 : i1 to i32
      %cond3A = arith.constant 0 : i32
      %cond3A_103 = arith.cmpi ne, %convert_element_type3A, %cond3A : i32
      scf.if %cond3A_103 {
        %add3A_131 = arith.constant 2 : i32
        %add3A_132 = arith.addi %add3A_84, %add3A_131 : i32
        %mul3A_133 = arith.constant 128 : i32
        %mul3A_134 = arith.muli %add3A_132, %mul3A_133 : i32
        %add3A_135 = arith.addi %mul3A_22, %mul3A_134 : i32
        %dma_start3A_136 = arith.constant 0 : i32
        %dma_start3A_137 = tpu.memref_slice %arg2[%add3A_135, %dma_start3A_136] : memref<344064x128xf32, #tpu.memory_space<hbm>> -> memref<128x128xf32, #tpu.memory_space<hbm>>
        %dma_start3A_138 = arith.constant 0 : i32
        %dma_start3A_139 = tpu.memref_slice %arg2[%add3A_135, %dma_start3A_138] : memref<344064x128xf32, #tpu.memory_space<hbm>> -> memref<128x128xf32, #tpu.memory_space<hbm>>
        tpu.enqueue_dma source(%dma_start3A_139 : memref<128x128xf32, #tpu.memory_space<hbm>>) target(%arg7 : memref<128x128xf32, #tpu.memory_space<vmem>>) target_semaphore(%arg9 : memref<!tpu.dma_semaphore, #tpu.memory_space<semaphore_mem>>)
      } else {
      }
      %mul3A_104 = arith.constant 2 : i32
      %mul3A_105 = arith.muli %mul3A_104, %scan3A_80 : i32
      %add3A_106 = arith.constant 1 : i32
      %add3A_107 = arith.addi %mul3A_105, %add3A_106 : i32
      %dma_wait3A_108 = arith.constant 0 : i32
      %dma_wait3A_109 = tpu.memref_slice %arg2[%mul3A_22, %dma_wait3A_108] : memref<344064x128xf32, #tpu.memory_space<hbm>> -> memref<128x128xf32, #tpu.memory_space<hbm>>
      %dma_wait3A_110 = arith.constant 0 : i32
      %dma_wait3A_111 = tpu.memref_slice %arg2[%mul3A_22, %dma_wait3A_110] : memref<344064x128xf32, #tpu.memory_space<hbm>> -> memref<128x128xf32, #tpu.memory_space<hbm>>
      tpu.wait_dma2 semaphore(%arg10 : memref<!tpu.dma_semaphore, #tpu.memory_space<semaphore_mem>>) src(%dma_wait3A_111 : memref<128x128xf32, #tpu.memory_space<hbm>>) dst(%arg8 : memref<128x128xf32, #tpu.memory_space<vmem>>)
      %dma_start3A_112 = arith.constant 0 : i32
      %dma_start3A_113 = tpu.memref_slice %arg6[%add3A_107, %dma_start3A_112] : memref<84x128xi32, #tpu.memory_space<vmem>> -> memref<1x128xi32, #tpu.memory_space<vmem>>
      %dma_start3A_114 = tpu.memref_squeeze %dma_start3A_113 : memref<1x128xi32, #tpu.memory_space<vmem>> -> memref<128xi32, #tpu.memory_space<vmem>>
      %dma_start3A_115 = arith.constant 0 : i32
      %dma_start3A_116 = arith.constant 0 : i32
      %dma_start3A_117 = tpu.memref_slice %arg13[%dma_start3A_115, %dma_start3A_116] : memref<10240x128xf32, #tpu.memory_space<vmem_shared>> -> memref<10240x128xf32, #tpu.memory_space<vmem_shared>>
      tpu.enqueue_indirect_dma source(%arg8 : memref<128x128xf32, #tpu.memory_space<vmem>>) target(%dma_start3A_117 : memref<10240x128xf32, #tpu.memory_space<vmem_shared>>) offsets(%dma_start3A_114 : memref<128xi32, #tpu.memory_space<vmem>>) semaphore(%arg12 : memref<!tpu.dma_semaphore, #tpu.memory_space<semaphore_mem>>) {add = true}
      %dma_wait3A_118 = arith.constant 0 : i32
      %dma_wait3A_119 = arith.constant 0 : i32
      %dma_wait3A_120 = tpu.memref_slice %arg13[%dma_wait3A_118, %dma_wait3A_119] : memref<10240x128xf32, #tpu.memory_space<vmem_shared>> -> memref<128x128xf32, #tpu.memory_space<vmem_shared>>
      %dma_wait3A_121 = arith.constant 0 : i32
      %dma_wait3A_122 = arith.constant 0 : i32
      %dma_wait3A_123 = tpu.memref_slice %arg13[%dma_wait3A_121, %dma_wait3A_122] : memref<10240x128xf32, #tpu.memory_space<vmem_shared>> -> memref<128x128xf32, #tpu.memory_space<vmem_shared>>
      tpu.wait_dma2 semaphore(%arg12 : memref<!tpu.dma_semaphore, #tpu.memory_space<semaphore_mem>>) src(%arg8 : memref<128x128xf32, #tpu.memory_space<vmem>>) dst(%dma_wait3A_123 : memref<128x128xf32, #tpu.memory_space<vmem_shared>>)
      %add3A_124 = arith.constant 2 : i32
      %add3A_125 = arith.addi %add3A_107, %add3A_124 : i32
      %lt3A_126 = arith.constant 84 : i32
      %lt3A_127 = arith.cmpi slt, %add3A_125, %lt3A_126 : i32
      %convert_element_type3A_128 = arith.extui %lt3A_127 : i1 to i32
      %cond3A_129 = arith.constant 0 : i32
      %cond3A_130 = arith.cmpi ne, %convert_element_type3A_128, %cond3A_129 : i32
      scf.if %cond3A_130 {
        %add3A_131 = arith.constant 2 : i32
        %add3A_132 = arith.addi %add3A_107, %add3A_131 : i32
        %mul3A_133 = arith.constant 128 : i32
        %mul3A_134 = arith.muli %add3A_132, %mul3A_133 : i32
        %add3A_135 = arith.addi %mul3A_22, %mul3A_134 : i32
        %dma_start3A_136 = arith.constant 0 : i32
        %dma_start3A_137 = tpu.memref_slice %arg2[%add3A_135, %dma_start3A_136] : memref<344064x128xf32, #tpu.memory_space<hbm>> -> memref<128x128xf32, #tpu.memory_space<hbm>>
        %dma_start3A_138 = arith.constant 0 : i32
        %dma_start3A_139 = tpu.memref_slice %arg2[%add3A_135, %dma_start3A_138] : memref<344064x128xf32, #tpu.memory_space<hbm>> -> memref<128x128xf32, #tpu.memory_space<hbm>>
        tpu.enqueue_dma source(%dma_start3A_139 : memref<128x128xf32, #tpu.memory_space<hbm>>) target(%arg8 : memref<128x128xf32, #tpu.memory_space<vmem>>) target_semaphore(%arg10 : memref<!tpu.dma_semaphore, #tpu.memory_space<semaphore_mem>>)
      } else {
      }
    }
    %scan3A_38 = arith.constant 42 : i32
    %barrier3A_39 = arith.constant 0 : index
    tpu.barrier barrier_id(%barrier3A_39)
    %mul3A_40 = arith.constant 640 : i32
    %mul3A_41 = arith.muli %arg1, %mul3A_40 : i32
    %add3A_42 = arith.constant 0 : i32
    %add3A_43 = arith.addi %mul3A_41, %add3A_42 : i32
    "tpu.region"() ({
      %run_scoped3A = tpu.sem_alloc : memref<!tpu.dma_semaphore, #tpu.memory_space<semaphore_mem>>
      %dma_start3A_80 = arith.constant 0 : i32
      %dma_start3A_81 = tpu.memref_slice %arg13[%add3A_43, %dma_start3A_80] : memref<10240x128xf32, #tpu.memory_space<vmem_shared>> -> memref<128x128xf32, #tpu.memory_space<vmem_shared>>
      %dma_start3A_82 = arith.constant 0 : i32
      %dma_start3A_83 = tpu.memref_slice %arg13[%add3A_43, %dma_start3A_82] : memref<10240x128xf32, #tpu.memory_space<vmem_shared>> -> memref<128x128xf32, #tpu.memory_space<vmem_shared>>
      tpu.enqueue_dma source(%dma_start3A_83 : memref<128x128xf32, #tpu.memory_space<vmem_shared>>) target(%arg7 : memref<128x128xf32, #tpu.memory_space<vmem>>) target_semaphore(%run_scoped3A : memref<!tpu.dma_semaphore, #tpu.memory_space<semaphore_mem>>)
      %dma_wait3A = arith.constant 0 : i32
      %dma_wait3A_84 = tpu.memref_slice %arg13[%add3A_43, %dma_wait3A] : memref<10240x128xf32, #tpu.memory_space<vmem_shared>> -> memref<128x128xf32, #tpu.memory_space<vmem_shared>>
      %dma_wait3A_85 = arith.constant 0 : i32
      %dma_wait3A_86 = tpu.memref_slice %arg13[%add3A_43, %dma_wait3A_85] : memref<10240x128xf32, #tpu.memory_space<vmem_shared>> -> memref<128x128xf32, #tpu.memory_space<vmem_shared>>
      tpu.wait_dma2 semaphore(%run_scoped3A : memref<!tpu.dma_semaphore, #tpu.memory_space<semaphore_mem>>) src(%dma_wait3A_86 : memref<128x128xf32, #tpu.memory_space<vmem_shared>>) dst(%arg7 : memref<128x128xf32, #tpu.memory_space<vmem>>)
      tpu.yield
    }) : () -> ()
    %mul3A_44 = arith.constant 640 : i32
    %mul3A_45 = arith.muli %arg1, %mul3A_44 : i32
    %add3A_46 = arith.constant 0 : i32
    %add3A_47 = arith.addi %mul3A_45, %add3A_46 : i32
    "tpu.region"() ({
      %run_scoped3A = tpu.sem_alloc : memref<!tpu.dma_semaphore, #tpu.memory_space<semaphore_mem>>
      %dma_start3A_80 = arith.constant 0 : i32
      %dma_start3A_81 = tpu.memref_slice %arg5[%arg0, %add3A_47, %dma_start3A_80] : memref<2x10240x128xf32, #tpu.memory_space<hbm>> -> memref<1x128x128xf32, #tpu.memory_space<hbm>>
      %dma_start3A_82 = tpu.memref_squeeze %dma_start3A_81 : memref<1x128x128xf32, #tpu.memory_space<hbm>> -> memref<128x128xf32, #tpu.memory_space<hbm>>
      %dma_start3A_83 = arith.constant 0 : i32
      %dma_start3A_84 = tpu.memref_slice %arg5[%arg0, %add3A_47, %dma_start3A_83] : memref<2x10240x128xf32, #tpu.memory_space<hbm>> -> memref<1x128x128xf32, #tpu.memory_space<hbm>>
      %dma_start3A_85 = tpu.memref_squeeze %dma_start3A_84 : memref<1x128x128xf32, #tpu.memory_space<hbm>> -> memref<128x128xf32, #tpu.memory_space<hbm>>
      tpu.enqueue_dma source(%arg7 : memref<128x128xf32, #tpu.memory_space<vmem>>) target(%dma_start3A_85 : memref<128x128xf32, #tpu.memory_space<hbm>>) target_semaphore(%run_scoped3A : memref<!tpu.dma_semaphore, #tpu.memory_space<semaphore_mem>>)
      %dma_wait3A = arith.constant 0 : i32
      %dma_wait3A_86 = tpu.memref_slice %arg5[%arg0, %add3A_47, %dma_wait3A] : memref<2x10240x128xf32, #tpu.memory_space<hbm>> -> memref<1x128x128xf32, #tpu.memory_space<hbm>>
      %dma_wait3A_87 = tpu.memref_squeeze %dma_wait3A_86 : memref<1x128x128xf32, #tpu.memory_space<hbm>> -> memref<128x128xf32, #tpu.memory_space<hbm>>
      %dma_wait3A_88 = arith.constant 0 : i32
      %dma_wait3A_89 = tpu.memref_slice %arg5[%arg0, %add3A_47, %dma_wait3A_88] : memref<2x10240x128xf32, #tpu.memory_space<hbm>> -> memref<1x128x128xf32, #tpu.memory_space<hbm>>
      %dma_wait3A_90 = tpu.memref_squeeze %dma_wait3A_89 : memref<1x128x128xf32, #tpu.memory_space<hbm>> -> memref<128x128xf32, #tpu.memory_space<hbm>>
      tpu.wait_dma2 semaphore(%run_scoped3A : memref<!tpu.dma_semaphore, #tpu.memory_space<semaphore_mem>>) src(%arg7 : memref<128x128xf32, #tpu.memory_space<vmem>>) dst(%dma_wait3A_90 : memref<128x128xf32, #tpu.memory_space<hbm>>)
      tpu.yield
    }) : () -> ()
    %mul3A_48 = arith.constant 640 : i32
    %mul3A_49 = arith.muli %arg1, %mul3A_48 : i32
    %add3A_50 = arith.constant 128 : i32
    %add3A_51 = arith.addi %mul3A_49, %add3A_50 : i32
    "tpu.region"() ({
      %run_scoped3A = tpu.sem_alloc : memref<!tpu.dma_semaphore, #tpu.memory_space<semaphore_mem>>
      %dma_start3A_80 = arith.constant 0 : i32
      %dma_start3A_81 = tpu.memref_slice %arg13[%add3A_51, %dma_start3A_80] : memref<10240x128xf32, #tpu.memory_space<vmem_shared>> -> memref<128x128xf32, #tpu.memory_space<vmem_shared>>
      %dma_start3A_82 = arith.constant 0 : i32
      %dma_start3A_83 = tpu.memref_slice %arg13[%add3A_51, %dma_start3A_82] : memref<10240x128xf32, #tpu.memory_space<vmem_shared>> -> memref<128x128xf32, #tpu.memory_space<vmem_shared>>
      tpu.enqueue_dma source(%dma_start3A_83 : memref<128x128xf32, #tpu.memory_space<vmem_shared>>) target(%arg7 : memref<128x128xf32, #tpu.memory_space<vmem>>) target_semaphore(%run_scoped3A : memref<!tpu.dma_semaphore, #tpu.memory_space<semaphore_mem>>)
      %dma_wait3A = arith.constant 0 : i32
      %dma_wait3A_84 = tpu.memref_slice %arg13[%add3A_51, %dma_wait3A] : memref<10240x128xf32, #tpu.memory_space<vmem_shared>> -> memref<128x128xf32, #tpu.memory_space<vmem_shared>>
      %dma_wait3A_85 = arith.constant 0 : i32
      %dma_wait3A_86 = tpu.memref_slice %arg13[%add3A_51, %dma_wait3A_85] : memref<10240x128xf32, #tpu.memory_space<vmem_shared>> -> memref<128x128xf32, #tpu.memory_space<vmem_shared>>
      tpu.wait_dma2 semaphore(%run_scoped3A : memref<!tpu.dma_semaphore, #tpu.memory_space<semaphore_mem>>) src(%dma_wait3A_86 : memref<128x128xf32, #tpu.memory_space<vmem_shared>>) dst(%arg7 : memref<128x128xf32, #tpu.memory_space<vmem>>)
      tpu.yield
    }) : () -> ()
    %mul3A_52 = arith.constant 640 : i32
    %mul3A_53 = arith.muli %arg1, %mul3A_52 : i32
    %add3A_54 = arith.constant 128 : i32
    %add3A_55 = arith.addi %mul3A_53, %add3A_54 : i32
    "tpu.region"() ({
      %run_scoped3A = tpu.sem_alloc : memref<!tpu.dma_semaphore, #tpu.memory_space<semaphore_mem>>
      %dma_start3A_80 = arith.constant 0 : i32
      %dma_start3A_81 = tpu.memref_slice %arg5[%arg0, %add3A_55, %dma_start3A_80] : memref<2x10240x128xf32, #tpu.memory_space<hbm>> -> memref<1x128x128xf32, #tpu.memory_space<hbm>>
      %dma_start3A_82 = tpu.memref_squeeze %dma_start3A_81 : memref<1x128x128xf32, #tpu.memory_space<hbm>> -> memref<128x128xf32, #tpu.memory_space<hbm>>
      %dma_start3A_83 = arith.constant 0 : i32
      %dma_start3A_84 = tpu.memref_slice %arg5[%arg0, %add3A_55, %dma_start3A_83] : memref<2x10240x128xf32, #tpu.memory_space<hbm>> -> memref<1x128x128xf32, #tpu.memory_space<hbm>>
      %dma_start3A_85 = tpu.memref_squeeze %dma_start3A_84 : memref<1x128x128xf32, #tpu.memory_space<hbm>> -> memref<128x128xf32, #tpu.memory_space<hbm>>
      tpu.enqueue_dma source(%arg7 : memref<128x128xf32, #tpu.memory_space<vmem>>) target(%dma_start3A_85 : memref<128x128xf32, #tpu.memory_space<hbm>>) target_semaphore(%run_scoped3A : memref<!tpu.dma_semaphore, #tpu.memory_space<semaphore_mem>>)
      %dma_wait3A = arith.constant 0 : i32
      %dma_wait3A_86 = tpu.memref_slice %arg5[%arg0, %add3A_55, %dma_wait3A] : memref<2x10240x128xf32, #tpu.memory_space<hbm>> -> memref<1x128x128xf32, #tpu.memory_space<hbm>>
      %dma_wait3A_87 = tpu.memref_squeeze %dma_wait3A_86 : memref<1x128x128xf32, #tpu.memory_space<hbm>> -> memref<128x128xf32, #tpu.memory_space<hbm>>
      %dma_wait3A_88 = arith.constant 0 : i32
      %dma_wait3A_89 = tpu.memref_slice %arg5[%arg0, %add3A_55, %dma_wait3A_88] : memref<2x10240x128xf32, #tpu.memory_space<hbm>> -> memref<1x128x128xf32, #tpu.memory_space<hbm>>
      %dma_wait3A_90 = tpu.memref_squeeze %dma_wait3A_89 : memref<1x128x128xf32, #tpu.memory_space<hbm>> -> memref<128x128xf32, #tpu.memory_space<hbm>>
      tpu.wait_dma2 semaphore(%run_scoped3A : memref<!tpu.dma_semaphore, #tpu.memory_space<semaphore_mem>>) src(%arg7 : memref<128x128xf32, #tpu.memory_space<vmem>>) dst(%dma_wait3A_90 : memref<128x128xf32, #tpu.memory_space<hbm>>)
      tpu.yield
    }) : () -> ()
    %mul3A_56 = arith.constant 640 : i32
    %mul3A_57 = arith.muli %arg1, %mul3A_56 : i32
    %add3A_58 = arith.constant 256 : i32
    %add3A_59 = arith.addi %mul3A_57, %add3A_58 : i32
    "tpu.region"() ({
      %run_scoped3A = tpu.sem_alloc : memref<!tpu.dma_semaphore, #tpu.memory_space<semaphore_mem>>
      %dma_start3A_80 = arith.constant 0 : i32
      %dma_start3A_81 = tpu.memref_slice %arg13[%add3A_59, %dma_start3A_80] : memref<10240x128xf32, #tpu.memory_space<vmem_shared>> -> memref<128x128xf32, #tpu.memory_space<vmem_shared>>
      %dma_start3A_82 = arith.constant 0 : i32
      %dma_start3A_83 = tpu.memref_slice %arg13[%add3A_59, %dma_start3A_82] : memref<10240x128xf32, #tpu.memory_space<vmem_shared>> -> memref<128x128xf32, #tpu.memory_space<vmem_shared>>
      tpu.enqueue_dma source(%dma_start3A_83 : memref<128x128xf32, #tpu.memory_space<vmem_shared>>) target(%arg7 : memref<128x128xf32, #tpu.memory_space<vmem>>) target_semaphore(%run_scoped3A : memref<!tpu.dma_semaphore, #tpu.memory_space<semaphore_mem>>)
      %dma_wait3A = arith.constant 0 : i32
      %dma_wait3A_84 = tpu.memref_slice %arg13[%add3A_59, %dma_wait3A] : memref<10240x128xf32, #tpu.memory_space<vmem_shared>> -> memref<128x128xf32, #tpu.memory_space<vmem_shared>>
      %dma_wait3A_85 = arith.constant 0 : i32
      %dma_wait3A_86 = tpu.memref_slice %arg13[%add3A_59, %dma_wait3A_85] : memref<10240x128xf32, #tpu.memory_space<vmem_shared>> -> memref<128x128xf32, #tpu.memory_space<vmem_shared>>
      tpu.wait_dma2 semaphore(%run_scoped3A : memref<!tpu.dma_semaphore, #tpu.memory_space<semaphore_mem>>) src(%dma_wait3A_86 : memref<128x128xf32, #tpu.memory_space<vmem_shared>>) dst(%arg7 : memref<128x128xf32, #tpu.memory_space<vmem>>)
      tpu.yield
    }) : () -> ()
    %mul3A_60 = arith.constant 640 : i32
    %mul3A_61 = arith.muli %arg1, %mul3A_60 : i32
    %add3A_62 = arith.constant 256 : i32
    %add3A_63 = arith.addi %mul3A_61, %add3A_62 : i32
    "tpu.region"() ({
      %run_scoped3A = tpu.sem_alloc : memref<!tpu.dma_semaphore, #tpu.memory_space<semaphore_mem>>
      %dma_start3A_80 = arith.constant 0 : i32
      %dma_start3A_81 = tpu.memref_slice %arg5[%arg0, %add3A_63, %dma_start3A_80] : memref<2x10240x128xf32, #tpu.memory_space<hbm>> -> memref<1x128x128xf32, #tpu.memory_space<hbm>>
      %dma_start3A_82 = tpu.memref_squeeze %dma_start3A_81 : memref<1x128x128xf32, #tpu.memory_space<hbm>> -> memref<128x128xf32, #tpu.memory_space<hbm>>
      %dma_start3A_83 = arith.constant 0 : i32
      %dma_start3A_84 = tpu.memref_slice %arg5[%arg0, %add3A_63, %dma_start3A_83] : memref<2x10240x128xf32, #tpu.memory_space<hbm>> -> memref<1x128x128xf32, #tpu.memory_space<hbm>>
      %dma_start3A_85 = tpu.memref_squeeze %dma_start3A_84 : memref<1x128x128xf32, #tpu.memory_space<hbm>> -> memref<128x128xf32, #tpu.memory_space<hbm>>
      tpu.enqueue_dma source(%arg7 : memref<128x128xf32, #tpu.memory_space<vmem>>) target(%dma_start3A_85 : memref<128x128xf32, #tpu.memory_space<hbm>>) target_semaphore(%run_scoped3A : memref<!tpu.dma_semaphore, #tpu.memory_space<semaphore_mem>>)
      %dma_wait3A = arith.constant 0 : i32
      %dma_wait3A_86 = tpu.memref_slice %arg5[%arg0, %add3A_63, %dma_wait3A] : memref<2x10240x128xf32, #tpu.memory_space<hbm>> -> memref<1x128x128xf32, #tpu.memory_space<hbm>>
      %dma_wait3A_87 = tpu.memref_squeeze %dma_wait3A_86 : memref<1x128x128xf32, #tpu.memory_space<hbm>> -> memref<128x128xf32, #tpu.memory_space<hbm>>
      %dma_wait3A_88 = arith.constant 0 : i32
      %dma_wait3A_89 = tpu.memref_slice %arg5[%arg0, %add3A_63, %dma_wait3A_88] : memref<2x10240x128xf32, #tpu.memory_space<hbm>> -> memref<1x128x128xf32, #tpu.memory_space<hbm>>
      %dma_wait3A_90 = tpu.memref_squeeze %dma_wait3A_89 : memref<1x128x128xf32, #tpu.memory_space<hbm>> -> memref<128x128xf32, #tpu.memory_space<hbm>>
      tpu.wait_dma2 semaphore(%run_scoped3A : memref<!tpu.dma_semaphore, #tpu.memory_space<semaphore_mem>>) src(%arg7 : memref<128x128xf32, #tpu.memory_space<vmem>>) dst(%dma_wait3A_90 : memref<128x128xf32, #tpu.memory_space<hbm>>)
      tpu.yield
    }) : () -> ()
    %mul3A_64 = arith.constant 640 : i32
    %mul3A_65 = arith.muli %arg1, %mul3A_64 : i32
    %add3A_66 = arith.constant 384 : i32
    %add3A_67 = arith.addi %mul3A_65, %add3A_66 : i32
    "tpu.region"() ({
      %run_scoped3A = tpu.sem_alloc : memref<!tpu.dma_semaphore, #tpu.memory_space<semaphore_mem>>
      %dma_start3A_80 = arith.constant 0 : i32
      %dma_start3A_81 = tpu.memref_slice %arg13[%add3A_67, %dma_start3A_80] : memref<10240x128xf32, #tpu.memory_space<vmem_shared>> -> memref<128x128xf32, #tpu.memory_space<vmem_shared>>
      %dma_start3A_82 = arith.constant 0 : i32
      %dma_start3A_83 = tpu.memref_slice %arg13[%add3A_67, %dma_start3A_82] : memref<10240x128xf32, #tpu.memory_space<vmem_shared>> -> memref<128x128xf32, #tpu.memory_space<vmem_shared>>
      tpu.enqueue_dma source(%dma_start3A_83 : memref<128x128xf32, #tpu.memory_space<vmem_shared>>) target(%arg7 : memref<128x128xf32, #tpu.memory_space<vmem>>) target_semaphore(%run_scoped3A : memref<!tpu.dma_semaphore, #tpu.memory_space<semaphore_mem>>)
      %dma_wait3A = arith.constant 0 : i32
      %dma_wait3A_84 = tpu.memref_slice %arg13[%add3A_67, %dma_wait3A] : memref<10240x128xf32, #tpu.memory_space<vmem_shared>> -> memref<128x128xf32, #tpu.memory_space<vmem_shared>>
      %dma_wait3A_85 = arith.constant 0 : i32
      %dma_wait3A_86 = tpu.memref_slice %arg13[%add3A_67, %dma_wait3A_85] : memref<10240x128xf32, #tpu.memory_space<vmem_shared>> -> memref<128x128xf32, #tpu.memory_space<vmem_shared>>
      tpu.wait_dma2 semaphore(%run_scoped3A : memref<!tpu.dma_semaphore, #tpu.memory_space<semaphore_mem>>) src(%dma_wait3A_86 : memref<128x128xf32, #tpu.memory_space<vmem_shared>>) dst(%arg7 : memref<128x128xf32, #tpu.memory_space<vmem>>)
      tpu.yield
    }) : () -> ()
    %mul3A_68 = arith.constant 640 : i32
    %mul3A_69 = arith.muli %arg1, %mul3A_68 : i32
    %add3A_70 = arith.constant 384 : i32
    %add3A_71 = arith.addi %mul3A_69, %add3A_70 : i32
    "tpu.region"() ({
      %run_scoped3A = tpu.sem_alloc : memref<!tpu.dma_semaphore, #tpu.memory_space<semaphore_mem>>
      %dma_start3A_80 = arith.constant 0 : i32
      %dma_start3A_81 = tpu.memref_slice %arg5[%arg0, %add3A_71, %dma_start3A_80] : memref<2x10240x128xf32, #tpu.memory_space<hbm>> -> memref<1x128x128xf32, #tpu.memory_space<hbm>>
      %dma_start3A_82 = tpu.memref_squeeze %dma_start3A_81 : memref<1x128x128xf32, #tpu.memory_space<hbm>> -> memref<128x128xf32, #tpu.memory_space<hbm>>
      %dma_start3A_83 = arith.constant 0 : i32
      %dma_start3A_84 = tpu.memref_slice %arg5[%arg0, %add3A_71, %dma_start3A_83] : memref<2x10240x128xf32, #tpu.memory_space<hbm>> -> memref<1x128x128xf32, #tpu.memory_space<hbm>>
      %dma_start3A_85 = tpu.memref_squeeze %dma_start3A_84 : memref<1x128x128xf32, #tpu.memory_space<hbm>> -> memref<128x128xf32, #tpu.memory_space<hbm>>
      tpu.enqueue_dma source(%arg7 : memref<128x128xf32, #tpu.memory_space<vmem>>) target(%dma_start3A_85 : memref<128x128xf32, #tpu.memory_space<hbm>>) target_semaphore(%run_scoped3A : memref<!tpu.dma_semaphore, #tpu.memory_space<semaphore_mem>>)
      %dma_wait3A = arith.constant 0 : i32
      %dma_wait3A_86 = tpu.memref_slice %arg5[%arg0, %add3A_71, %dma_wait3A] : memref<2x10240x128xf32, #tpu.memory_space<hbm>> -> memref<1x128x128xf32, #tpu.memory_space<hbm>>
      %dma_wait3A_87 = tpu.memref_squeeze %dma_wait3A_86 : memref<1x128x128xf32, #tpu.memory_space<hbm>> -> memref<128x128xf32, #tpu.memory_space<hbm>>
      %dma_wait3A_88 = arith.constant 0 : i32
      %dma_wait3A_89 = tpu.memref_slice %arg5[%arg0, %add3A_71, %dma_wait3A_88] : memref<2x10240x128xf32, #tpu.memory_space<hbm>> -> memref<1x128x128xf32, #tpu.memory_space<hbm>>
      %dma_wait3A_90 = tpu.memref_squeeze %dma_wait3A_89 : memref<1x128x128xf32, #tpu.memory_space<hbm>> -> memref<128x128xf32, #tpu.memory_space<hbm>>
      tpu.wait_dma2 semaphore(%run_scoped3A : memref<!tpu.dma_semaphore, #tpu.memory_space<semaphore_mem>>) src(%arg7 : memref<128x128xf32, #tpu.memory_space<vmem>>) dst(%dma_wait3A_90 : memref<128x128xf32, #tpu.memory_space<hbm>>)
      tpu.yield
    }) : () -> ()
    %mul3A_72 = arith.constant 640 : i32
    %mul3A_73 = arith.muli %arg1, %mul3A_72 : i32
    %add3A_74 = arith.constant 512 : i32
    %add3A_75 = arith.addi %mul3A_73, %add3A_74 : i32
    "tpu.region"() ({
      %run_scoped3A = tpu.sem_alloc : memref<!tpu.dma_semaphore, #tpu.memory_space<semaphore_mem>>
      %dma_start3A_80 = arith.constant 0 : i32
      %dma_start3A_81 = tpu.memref_slice %arg13[%add3A_75, %dma_start3A_80] : memref<10240x128xf32, #tpu.memory_space<vmem_shared>> -> memref<128x128xf32, #tpu.memory_space<vmem_shared>>
      %dma_start3A_82 = arith.constant 0 : i32
      %dma_start3A_83 = tpu.memref_slice %arg13[%add3A_75, %dma_start3A_82] : memref<10240x128xf32, #tpu.memory_space<vmem_shared>> -> memref<128x128xf32, #tpu.memory_space<vmem_shared>>
      tpu.enqueue_dma source(%dma_start3A_83 : memref<128x128xf32, #tpu.memory_space<vmem_shared>>) target(%arg7 : memref<128x128xf32, #tpu.memory_space<vmem>>) target_semaphore(%run_scoped3A : memref<!tpu.dma_semaphore, #tpu.memory_space<semaphore_mem>>)
      %dma_wait3A = arith.constant 0 : i32
      %dma_wait3A_84 = tpu.memref_slice %arg13[%add3A_75, %dma_wait3A] : memref<10240x128xf32, #tpu.memory_space<vmem_shared>> -> memref<128x128xf32, #tpu.memory_space<vmem_shared>>
      %dma_wait3A_85 = arith.constant 0 : i32
      %dma_wait3A_86 = tpu.memref_slice %arg13[%add3A_75, %dma_wait3A_85] : memref<10240x128xf32, #tpu.memory_space<vmem_shared>> -> memref<128x128xf32, #tpu.memory_space<vmem_shared>>
      tpu.wait_dma2 semaphore(%run_scoped3A : memref<!tpu.dma_semaphore, #tpu.memory_space<semaphore_mem>>) src(%dma_wait3A_86 : memref<128x128xf32, #tpu.memory_space<vmem_shared>>) dst(%arg7 : memref<128x128xf32, #tpu.memory_space<vmem>>)
      tpu.yield
    }) : () -> ()
    %mul3A_76 = arith.constant 640 : i32
    %mul3A_77 = arith.muli %arg1, %mul3A_76 : i32
    %add3A_78 = arith.constant 512 : i32
    %add3A_79 = arith.addi %mul3A_77, %add3A_78 : i32
    "tpu.region"() ({
      %run_scoped3A = tpu.sem_alloc : memref<!tpu.dma_semaphore, #tpu.memory_space<semaphore_mem>>
      %dma_start3A_80 = arith.constant 0 : i32
      %dma_start3A_81 = tpu.memref_slice %arg5[%arg0, %add3A_79, %dma_start3A_80] : memref<2x10240x128xf32, #tpu.memory_space<hbm>> -> memref<1x128x128xf32, #tpu.memory_space<hbm>>
      %dma_start3A_82 = tpu.memref_squeeze %dma_start3A_81 : memref<1x128x128xf32, #tpu.memory_space<hbm>> -> memref<128x128xf32, #tpu.memory_space<hbm>>
      %dma_start3A_83 = arith.constant 0 : i32
      %dma_start3A_84 = tpu.memref_slice %arg5[%arg0, %add3A_79, %dma_start3A_83] : memref<2x10240x128xf32, #tpu.memory_space<hbm>> -> memref<1x128x128xf32, #tpu.memory_space<hbm>>
      %dma_start3A_85 = tpu.memref_squeeze %dma_start3A_84 : memref<1x128x128xf32, #tpu.memory_space<hbm>> -> memref<128x128xf32, #tpu.memory_space<hbm>>
      tpu.enqueue_dma source(%arg7 : memref<128x128xf32, #tpu.memory_space<vmem>>) target(%dma_start3A_85 : memref<128x128xf32, #tpu.memory_space<hbm>>) target_semaphore(%run_scoped3A : memref<!tpu.dma_semaphore, #tpu.memory_space<semaphore_mem>>)
      %dma_wait3A = arith.constant 0 : i32
      %dma_wait3A_86 = tpu.memref_slice %arg5[%arg0, %add3A_79, %dma_wait3A] : memref<2x10240x128xf32, #tpu.memory_space<hbm>> -> memref<1x128x128xf32, #tpu.memory_space<hbm>>
      %dma_wait3A_87 = tpu.memref_squeeze %dma_wait3A_86 : memref<1x128x128xf32, #tpu.memory_space<hbm>> -> memref<128x128xf32, #tpu.memory_space<hbm>>
      %dma_wait3A_88 = arith.constant 0 : i32
      %dma_wait3A_89 = tpu.memref_slice %arg5[%arg0, %add3A_79, %dma_wait3A_88] : memref<2x10240x128xf32, #tpu.memory_space<hbm>> -> memref<1x128x128xf32, #tpu.memory_space<hbm>>
      %dma_wait3A_90 = tpu.memref_squeeze %dma_wait3A_89 : memref<1x128x128xf32, #tpu.memory_space<hbm>> -> memref<128x128xf32, #tpu.memory_space<hbm>>
      tpu.wait_dma2 semaphore(%run_scoped3A : memref<!tpu.dma_semaphore, #tpu.memory_space<semaphore_mem>>) src(%arg7 : memref<128x128xf32, #tpu.memory_space<vmem>>) dst(%dma_wait3A_90 : memref<128x128xf32, #tpu.memory_space<hbm>>)
      tpu.yield
    }) : () -> ()
    return
  }
}

#map = affine_map<(d0, d1) -> (0, 0)>
#map1 = affine_map<(d0, d1) -> (0, 0, 0)>
module attributes {stable_mosaic.version = 14 : i64} {
  func.func @_k2_gather(%arg0: i32, %arg1: i32, %arg2: memref<10000x128xf32, #tpu.memory_space<hbm>>, %arg3: memref<10000x128xf32, #tpu.memory_space<hbm>>, %arg4: memref<32x84x128xi32, #tpu.memory_space<hbm>>, %arg5: memref<32x84x128xi32, #tpu.memory_space<hbm>>, %arg6: memref<344064x128xf32, #tpu.memory_space<hbm>>, %arg7: memref<344064x128xf32, #tpu.memory_space<hbm>>, %arg8: memref<84x128xi32, #tpu.memory_space<vmem>>, %arg9: memref<84x128xi32, #tpu.memory_space<vmem>>, %arg10: memref<128x128xf32, #tpu.memory_space<vmem>>, %arg11: memref<128x128xf32, #tpu.memory_space<vmem>>, %arg12: memref<128x128xf32, #tpu.memory_space<vmem>>, %arg13: memref<128x128xf32, #tpu.memory_space<vmem>>, %arg14: memref<128x128xf32, #tpu.memory_space<vmem>>, %arg15: memref<128x128xf32, #tpu.memory_space<vmem>>, %arg16: memref<!tpu.dma_semaphore, #tpu.memory_space<semaphore_mem>>, %arg17: memref<!tpu.dma_semaphore, #tpu.memory_space<semaphore_mem>>, %arg18: memref<!tpu.dma_semaphore, #tpu.memory_space<semaphore_mem>>, %arg19: memref<!tpu.dma_semaphore, #tpu.memory_space<semaphore_mem>>, %arg20: memref<!tpu.dma_semaphore, #tpu.memory_space<semaphore_mem>>, %arg21: memref<!tpu.dma_semaphore, #tpu.memory_space<semaphore_mem>>, %arg22: memref<!tpu.dma_semaphore, #tpu.memory_space<semaphore_mem>>, %arg23: memref<!tpu.dma_semaphore, #tpu.memory_space<semaphore_mem>>, %arg24: memref<!tpu.dma_semaphore, #tpu.memory_space<semaphore_mem>>, %arg25: memref<!tpu.dma_semaphore, #tpu.memory_space<semaphore_mem>>, %arg26: memref<!tpu.dma_semaphore, #tpu.memory_space<semaphore_mem>>, %arg27: memref<!tpu.dma_semaphore, #tpu.memory_space<semaphore_mem>>) attributes {dimension_semantics = [#tpu.dimension_semantics<core_parallel>, #tpu.dimension_semantics<subcore_parallel>], iteration_bounds = array<i64: 2, 16>, scalar_prefetch = 0 : i64, scratch_operands = 20 : i64, tpu.core_type = #tpu.core_type<sc_vector_subcore>, window_params = [{transform_indices = #map}, {transform_indices = #map}, {transform_indices = #map1}, {transform_indices = #map1}, {transform_indices = #map}, {transform_indices = #map}]} {
    %mul3A = arith.constant 2 : i32
    %mul3A_0 = arith.muli %arg1, %mul3A : i32
    %add3A = arith.addi %mul3A_0, %arg0 : i32
    %mul3A_1 = arith.constant 10752 : i32
    %mul3A_2 = arith.muli %add3A, %mul3A_1 : i32
    "tpu.region"() ({
      %run_scoped3A = tpu.sem_alloc : memref<!tpu.dma_semaphore, #tpu.memory_space<semaphore_mem>>
      %dma_start3A_58 = arith.constant 0 : i32
      %dma_start3A_59 = arith.constant 0 : i32
      %dma_start3A_60 = tpu.memref_slice %arg4[%add3A, %dma_start3A_58, %dma_start3A_59] : memref<32x84x128xi32, #tpu.memory_space<hbm>> -> memref<1x84x128xi32, #tpu.memory_space<hbm>>
      %dma_start3A_61 = tpu.memref_squeeze %dma_start3A_60 : memref<1x84x128xi32, #tpu.memory_space<hbm>> -> memref<84x128xi32, #tpu.memory_space<hbm>>
      %dma_start3A_62 = arith.constant 0 : i32
      %dma_start3A_63 = arith.constant 0 : i32
      %dma_start3A_64 = tpu.memref_slice %arg4[%add3A, %dma_start3A_62, %dma_start3A_63] : memref<32x84x128xi32, #tpu.memory_space<hbm>> -> memref<1x84x128xi32, #tpu.memory_space<hbm>>
      %dma_start3A_65 = tpu.memref_squeeze %dma_start3A_64 : memref<1x84x128xi32, #tpu.memory_space<hbm>> -> memref<84x128xi32, #tpu.memory_space<hbm>>
      tpu.enqueue_dma source(%dma_start3A_65 : memref<84x128xi32, #tpu.memory_space<hbm>>) target(%arg8 : memref<84x128xi32, #tpu.memory_space<vmem>>) target_semaphore(%run_scoped3A : memref<!tpu.dma_semaphore, #tpu.memory_space<semaphore_mem>>)
      %dma_wait3A_66 = arith.constant 0 : i32
      %dma_wait3A_67 = arith.constant 0 : i32
      %dma_wait3A_68 = tpu.memref_slice %arg4[%add3A, %dma_wait3A_66, %dma_wait3A_67] : memref<32x84x128xi32, #tpu.memory_space<hbm>> -> memref<1x84x128xi32, #tpu.memory_space<hbm>>
      %dma_wait3A_69 = tpu.memref_squeeze %dma_wait3A_68 : memref<1x84x128xi32, #tpu.memory_space<hbm>> -> memref<84x128xi32, #tpu.memory_space<hbm>>
      %dma_wait3A_70 = arith.constant 0 : i32
      %dma_wait3A_71 = arith.constant 0 : i32
      %dma_wait3A_72 = tpu.memref_slice %arg4[%add3A, %dma_wait3A_70, %dma_wait3A_71] : memref<32x84x128xi32, #tpu.memory_space<hbm>> -> memref<1x84x128xi32, #tpu.memory_space<hbm>>
      %dma_wait3A_73 = tpu.memref_squeeze %dma_wait3A_72 : memref<1x84x128xi32, #tpu.memory_space<hbm>> -> memref<84x128xi32, #tpu.memory_space<hbm>>
      tpu.wait_dma2 semaphore(%run_scoped3A : memref<!tpu.dma_semaphore, #tpu.memory_space<semaphore_mem>>) src(%dma_wait3A_73 : memref<84x128xi32, #tpu.memory_space<hbm>>) dst(%arg8 : memref<84x128xi32, #tpu.memory_space<vmem>>)
      tpu.yield
    }) : () -> ()
    "tpu.region"() ({
      %run_scoped3A = tpu.sem_alloc : memref<!tpu.dma_semaphore, #tpu.memory_space<semaphore_mem>>
      %dma_start3A_58 = arith.constant 0 : i32
      %dma_start3A_59 = arith.constant 0 : i32
      %dma_start3A_60 = tpu.memref_slice %arg5[%add3A, %dma_start3A_58, %dma_start3A_59] : memref<32x84x128xi32, #tpu.memory_space<hbm>> -> memref<1x84x128xi32, #tpu.memory_space<hbm>>
      %dma_start3A_61 = tpu.memref_squeeze %dma_start3A_60 : memref<1x84x128xi32, #tpu.memory_space<hbm>> -> memref<84x128xi32, #tpu.memory_space<hbm>>
      %dma_start3A_62 = arith.constant 0 : i32
      %dma_start3A_63 = arith.constant 0 : i32
      %dma_start3A_64 = tpu.memref_slice %arg5[%add3A, %dma_start3A_62, %dma_start3A_63] : memref<32x84x128xi32, #tpu.memory_space<hbm>> -> memref<1x84x128xi32, #tpu.memory_space<hbm>>
      %dma_start3A_65 = tpu.memref_squeeze %dma_start3A_64 : memref<1x84x128xi32, #tpu.memory_space<hbm>> -> memref<84x128xi32, #tpu.memory_space<hbm>>
      tpu.enqueue_dma source(%dma_start3A_65 : memref<84x128xi32, #tpu.memory_space<hbm>>) target(%arg9 : memref<84x128xi32, #tpu.memory_space<vmem>>) target_semaphore(%run_scoped3A : memref<!tpu.dma_semaphore, #tpu.memory_space<semaphore_mem>>)
      %dma_wait3A_66 = arith.constant 0 : i32
      %dma_wait3A_67 = arith.constant 0 : i32
      %dma_wait3A_68 = tpu.memref_slice %arg5[%add3A, %dma_wait3A_66, %dma_wait3A_67] : memref<32x84x128xi32, #tpu.memory_space<hbm>> -> memref<1x84x128xi32, #tpu.memory_space<hbm>>
      %dma_wait3A_69 = tpu.memref_squeeze %dma_wait3A_68 : memref<1x84x128xi32, #tpu.memory_space<hbm>> -> memref<84x128xi32, #tpu.memory_space<hbm>>
      %dma_wait3A_70 = arith.constant 0 : i32
      %dma_wait3A_71 = arith.constant 0 : i32
      %dma_wait3A_72 = tpu.memref_slice %arg5[%add3A, %dma_wait3A_70, %dma_wait3A_71] : memref<32x84x128xi32, #tpu.memory_space<hbm>> -> memref<1x84x128xi32, #tpu.memory_space<hbm>>
      %dma_wait3A_73 = tpu.memref_squeeze %dma_wait3A_72 : memref<1x84x128xi32, #tpu.memory_space<hbm>> -> memref<84x128xi32, #tpu.memory_space<hbm>>
      tpu.wait_dma2 semaphore(%run_scoped3A : memref<!tpu.dma_semaphore, #tpu.memory_space<semaphore_mem>>) src(%dma_wait3A_73 : memref<84x128xi32, #tpu.memory_space<hbm>>) dst(%arg9 : memref<84x128xi32, #tpu.memory_space<vmem>>)
      tpu.yield
    }) : () -> ()
    %dma_start3A = arith.constant 0 : i32
    %dma_start3A_3 = arith.constant 0 : i32
    %dma_start3A_4 = tpu.memref_slice %arg8[%dma_start3A, %dma_start3A_3] : memref<84x128xi32, #tpu.memory_space<vmem>> -> memref<1x128xi32, #tpu.memory_space<vmem>>
    %dma_start3A_5 = tpu.memref_squeeze %dma_start3A_4 : memref<1x128xi32, #tpu.memory_space<vmem>> -> memref<128xi32, #tpu.memory_space<vmem>>
    %dma_start3A_6 = arith.constant 0 : i32
    %dma_start3A_7 = arith.constant 0 : i32
    %dma_start3A_8 = tpu.memref_slice %arg2[%dma_start3A_6, %dma_start3A_7] : memref<10000x128xf32, #tpu.memory_space<hbm>> -> memref<10000x128xf32, #tpu.memory_space<hbm>>
    tpu.enqueue_indirect_dma source(%dma_start3A_8 : memref<10000x128xf32, #tpu.memory_space<hbm>>) target(%arg10 : memref<128x128xf32, #tpu.memory_space<vmem>>) offsets(%dma_start3A_5 : memref<128xi32, #tpu.memory_space<vmem>>) semaphore(%arg16 : memref<!tpu.dma_semaphore, #tpu.memory_space<semaphore_mem>>)
    %dma_start3A_9 = arith.constant 0 : i32
    %dma_start3A_10 = arith.constant 0 : i32
    %dma_start3A_11 = tpu.memref_slice %arg9[%dma_start3A_9, %dma_start3A_10] : memref<84x128xi32, #tpu.memory_space<vmem>> -> memref<1x128xi32, #tpu.memory_space<vmem>>
    %dma_start3A_12 = tpu.memref_squeeze %dma_start3A_11 : memref<1x128xi32, #tpu.memory_space<vmem>> -> memref<128xi32, #tpu.memory_space<vmem>>
    %dma_start3A_13 = arith.constant 0 : i32
    %dma_start3A_14 = arith.constant 0 : i32
    %dma_start3A_15 = tpu.memref_slice %arg3[%dma_start3A_13, %dma_start3A_14] : memref<10000x128xf32, #tpu.memory_space<hbm>> -> memref<10000x128xf32, #tpu.memory_space<hbm>>
    tpu.enqueue_indirect_dma source(%dma_start3A_15 : memref<10000x128xf32, #tpu.memory_space<hbm>>) target(%arg13 : memref<128x128xf32, #tpu.memory_space<vmem>>) offsets(%dma_start3A_12 : memref<128xi32, #tpu.memory_space<vmem>>) semaphore(%arg19 : memref<!tpu.dma_semaphore, #tpu.memory_space<semaphore_mem>>)
    %dma_start3A_16 = arith.constant 1 : i32
    %dma_start3A_17 = arith.constant 0 : i32
    %dma_start3A_18 = tpu.memref_slice %arg8[%dma_start3A_16, %dma_start3A_17] : memref<84x128xi32, #tpu.memory_space<vmem>> -> memref<1x128xi32, #tpu.memory_space<vmem>>
    %dma_start3A_19 = tpu.memref_squeeze %dma_start3A_18 : memref<1x128xi32, #tpu.memory_space<vmem>> -> memref<128xi32, #tpu.memory_space<vmem>>
    %dma_start3A_20 = arith.constant 0 : i32
    %dma_start3A_21 = arith.constant 0 : i32
    %dma_start3A_22 = tpu.memref_slice %arg2[%dma_start3A_20, %dma_start3A_21] : memref<10000x128xf32, #tpu.memory_space<hbm>> -> memref<10000x128xf32, #tpu.memory_space<hbm>>
    tpu.enqueue_indirect_dma source(%dma_start3A_22 : memref<10000x128xf32, #tpu.memory_space<hbm>>) target(%arg11 : memref<128x128xf32, #tpu.memory_space<vmem>>) offsets(%dma_start3A_19 : memref<128xi32, #tpu.memory_space<vmem>>) semaphore(%arg17 : memref<!tpu.dma_semaphore, #tpu.memory_space<semaphore_mem>>)
    %dma_start3A_23 = arith.constant 1 : i32
    %dma_start3A_24 = arith.constant 0 : i32
    %dma_start3A_25 = tpu.memref_slice %arg9[%dma_start3A_23, %dma_start3A_24] : memref<84x128xi32, #tpu.memory_space<vmem>> -> memref<1x128xi32, #tpu.memory_space<vmem>>
    %dma_start3A_26 = tpu.memref_squeeze %dma_start3A_25 : memref<1x128xi32, #tpu.memory_space<vmem>> -> memref<128xi32, #tpu.memory_space<vmem>>
    %dma_start3A_27 = arith.constant 0 : i32
    %dma_start3A_28 = arith.constant 0 : i32
    %dma_start3A_29 = tpu.memref_slice %arg3[%dma_start3A_27, %dma_start3A_28] : memref<10000x128xf32, #tpu.memory_space<hbm>> -> memref<10000x128xf32, #tpu.memory_space<hbm>>
    tpu.enqueue_indirect_dma source(%dma_start3A_29 : memref<10000x128xf32, #tpu.memory_space<hbm>>) target(%arg14 : memref<128x128xf32, #tpu.memory_space<vmem>>) offsets(%dma_start3A_26 : memref<128xi32, #tpu.memory_space<vmem>>) semaphore(%arg20 : memref<!tpu.dma_semaphore, #tpu.memory_space<semaphore_mem>>)
    %scan3A = arith.constant 0 : i32
    %scan3A_30 = arith.constant 0 : i32
    %scan3A_31 = arith.constant 28 : i32
    %scan3A_32 = arith.addi %scan3A_30, %scan3A_31 : i32
    %scan3A_33 = arith.constant 1 : i32
    scf.for %scan3A_58 = %scan3A_30 to %scan3A_32 step %scan3A_33  : i32 {
      %mul3A_59 = arith.constant 3 : i32
      %mul3A_60 = arith.muli %mul3A_59, %scan3A_58 : i32
      %add3A_61 = arith.constant 0 : i32
      %add3A_62 = arith.addi %mul3A_60, %add3A_61 : i32
      %mul3A_63 = arith.constant 128 : i32
      %mul3A_64 = arith.muli %add3A_62, %mul3A_63 : i32
      %add3A_65 = arith.addi %mul3A_2, %mul3A_64 : i32
      %dma_wait3A_66 = arith.constant 0 : i32
      %dma_wait3A_67 = arith.constant 0 : i32
      %dma_wait3A_68 = tpu.memref_slice %arg8[%dma_wait3A_66, %dma_wait3A_67] : memref<84x128xi32, #tpu.memory_space<vmem>> -> memref<1x128xi32, #tpu.memory_space<vmem>>
      %dma_wait3A_69 = tpu.memref_squeeze %dma_wait3A_68 : memref<1x128xi32, #tpu.memory_space<vmem>> -> memref<128xi32, #tpu.memory_space<vmem>>
      %dma_wait3A_70 = arith.constant 0 : i32
      %dma_wait3A_71 = arith.constant 0 : i32
      %dma_wait3A_72 = tpu.memref_slice %arg2[%dma_wait3A_70, %dma_wait3A_71] : memref<10000x128xf32, #tpu.memory_space<hbm>> -> memref<10000x128xf32, #tpu.memory_space<hbm>>
      tpu.wait_indirect_dma semaphore(%arg16 : memref<!tpu.dma_semaphore, #tpu.memory_space<semaphore_mem>>) src(%dma_wait3A_72 : memref<10000x128xf32, #tpu.memory_space<hbm>>) dst(%arg10 : memref<128x128xf32, #tpu.memory_space<vmem>>)
      %dma_wait3A_73 = arith.constant 0 : i32
      %dma_wait3A_74 = arith.constant 0 : i32
      %dma_wait3A_75 = tpu.memref_slice %arg9[%dma_wait3A_73, %dma_wait3A_74] : memref<84x128xi32, #tpu.memory_space<vmem>> -> memref<1x128xi32, #tpu.memory_space<vmem>>
      %dma_wait3A_76 = tpu.memref_squeeze %dma_wait3A_75 : memref<1x128xi32, #tpu.memory_space<vmem>> -> memref<128xi32, #tpu.memory_space<vmem>>
      %dma_wait3A_77 = arith.constant 0 : i32
      %dma_wait3A_78 = arith.constant 0 : i32
      %dma_wait3A_79 = tpu.memref_slice %arg3[%dma_wait3A_77, %dma_wait3A_78] : memref<10000x128xf32, #tpu.memory_space<hbm>> -> memref<10000x128xf32, #tpu.memory_space<hbm>>
      tpu.wait_indirect_dma semaphore(%arg19 : memref<!tpu.dma_semaphore, #tpu.memory_space<semaphore_mem>>) src(%dma_wait3A_79 : memref<10000x128xf32, #tpu.memory_space<hbm>>) dst(%arg13 : memref<128x128xf32, #tpu.memory_space<vmem>>)
      %dma_start3A_80 = arith.constant 0 : i32
      %dma_start3A_81 = tpu.memref_slice %arg6[%add3A_65, %dma_start3A_80] : memref<344064x128xf32, #tpu.memory_space<hbm>> -> memref<128x128xf32, #tpu.memory_space<hbm>>
      %dma_start3A_82 = arith.constant 0 : i32
      %dma_start3A_83 = tpu.memref_slice %arg6[%add3A_65, %dma_start3A_82] : memref<344064x128xf32, #tpu.memory_space<hbm>> -> memref<128x128xf32, #tpu.memory_space<hbm>>
      tpu.enqueue_dma source(%arg10 : memref<128x128xf32, #tpu.memory_space<vmem>>) target(%dma_start3A_83 : memref<128x128xf32, #tpu.memory_space<hbm>>) target_semaphore(%arg22 : memref<!tpu.dma_semaphore, #tpu.memory_space<semaphore_mem>>)
      %dma_start3A_84 = arith.constant 0 : i32
      %dma_start3A_85 = tpu.memref_slice %arg7[%add3A_65, %dma_start3A_84] : memref<344064x128xf32, #tpu.memory_space<hbm>> -> memref<128x128xf32, #tpu.memory_space<hbm>>
      %dma_start3A_86 = arith.constant 0 : i32
      %dma_start3A_87 = tpu.memref_slice %arg7[%add3A_65, %dma_start3A_86] : memref<344064x128xf32, #tpu.memory_space<hbm>> -> memref<128x128xf32, #tpu.memory_space<hbm>>
      tpu.enqueue_dma source(%arg13 : memref<128x128xf32, #tpu.memory_space<vmem>>) target(%dma_start3A_87 : memref<128x128xf32, #tpu.memory_space<hbm>>) target_semaphore(%arg25 : memref<!tpu.dma_semaphore, #tpu.memory_space<semaphore_mem>>)
      %add3A_88 = arith.constant 2 : i32
      %add3A_89 = arith.addi %add3A_62, %add3A_88 : i32
      %lt3A = arith.constant 84 : i32
      %lt3A_90 = arith.cmpi slt, %add3A_89, %lt3A : i32
      %convert_element_type3A = arith.extui %lt3A_90 : i1 to i32
      %cond3A = arith.constant 0 : i32
      %cond3A_91 = arith.cmpi ne, %convert_element_type3A, %cond3A : i32
      scf.if %cond3A_91 {
        %ge3A = arith.constant 1 : i32
        %ge3A_164 = arith.cmpi sge, %add3A_62, %ge3A : i32
        %convert_element_type3A_165 = arith.extui %ge3A_164 : i1 to i32
        %cond3A_166 = arith.constant 0 : i32
        %cond3A_167 = arith.cmpi ne, %convert_element_type3A_165, %cond3A_166 : i32
        scf.if %cond3A_167 {
          %dma_wait3A_184 = arith.constant 0 : i32
          %dma_wait3A_185 = tpu.memref_slice %arg6[%mul3A_2, %dma_wait3A_184] : memref<344064x128xf32, #tpu.memory_space<hbm>> -> memref<128x128xf32, #tpu.memory_space<hbm>>
          %dma_wait3A_186 = arith.constant 0 : i32
          %dma_wait3A_187 = tpu.memref_slice %arg6[%mul3A_2, %dma_wait3A_186] : memref<344064x128xf32, #tpu.memory_space<hbm>> -> memref<128x128xf32, #tpu.memory_space<hbm>>
          tpu.wait_dma2 semaphore(%arg24 : memref<!tpu.dma_semaphore, #tpu.memory_space<semaphore_mem>>) src(%arg12 : memref<128x128xf32, #tpu.memory_space<vmem>>) dst(%dma_wait3A_187 : memref<128x128xf32, #tpu.memory_space<hbm>>)
          %dma_wait3A_188 = arith.constant 0 : i32
          %dma_wait3A_189 = tpu.memref_slice %arg7[%mul3A_2, %dma_wait3A_188] : memref<344064x128xf32, #tpu.memory_space<hbm>> -> memref<128x128xf32, #tpu.memory_space<hbm>>
          %dma_wait3A_190 = arith.constant 0 : i32
          %dma_wait3A_191 = tpu.memref_slice %arg7[%mul3A_2, %dma_wait3A_190] : memref<344064x128xf32, #tpu.memory_space<hbm>> -> memref<128x128xf32, #tpu.memory_space<hbm>>
          tpu.wait_dma2 semaphore(%arg27 : memref<!tpu.dma_semaphore, #tpu.memory_space<semaphore_mem>>) src(%arg15 : memref<128x128xf32, #tpu.memory_space<vmem>>) dst(%dma_wait3A_191 : memref<128x128xf32, #tpu.memory_space<hbm>>)
        } else {
        }
        %add3A_168 = arith.constant 2 : i32
        %add3A_169 = arith.addi %add3A_62, %add3A_168 : i32
        %dma_start3A_170 = arith.constant 0 : i32
        %dma_start3A_171 = tpu.memref_slice %arg8[%add3A_169, %dma_start3A_170] : memref<84x128xi32, #tpu.memory_space<vmem>> -> memref<1x128xi32, #tpu.memory_space<vmem>>
        %dma_start3A_172 = tpu.memref_squeeze %dma_start3A_171 : memref<1x128xi32, #tpu.memory_space<vmem>> -> memref<128xi32, #tpu.memory_space<vmem>>
        %dma_start3A_173 = arith.constant 0 : i32
        %dma_start3A_174 = arith.constant 0 : i32
        %dma_start3A_175 = tpu.memref_slice %arg2[%dma_start3A_173, %dma_start3A_174] : memref<10000x128xf32, #tpu.memory_space<hbm>> -> memref<10000x128xf32, #tpu.memory_space<hbm>>
        tpu.enqueue_indirect_dma source(%dma_start3A_175 : memref<10000x128xf32, #tpu.memory_space<hbm>>) target(%arg12 : memref<128x128xf32, #tpu.memory_space<vmem>>) offsets(%dma_start3A_172 : memref<128xi32, #tpu.memory_space<vmem>>) semaphore(%arg18 : memref<!tpu.dma_semaphore, #tpu.memory_space<semaphore_mem>>)
        %add3A_176 = arith.constant 2 : i32
        %add3A_177 = arith.addi %add3A_62, %add3A_176 : i32
        %dma_start3A_178 = arith.constant 0 : i32
        %dma_start3A_179 = tpu.memref_slice %arg9[%add3A_177, %dma_start3A_178] : memref<84x128xi32, #tpu.memory_space<vmem>> -> memref<1x128xi32, #tpu.memory_space<vmem>>
        %dma_start3A_180 = tpu.memref_squeeze %dma_start3A_179 : memref<1x128xi32, #tpu.memory_space<vmem>> -> memref<128xi32, #tpu.memory_space<vmem>>
        %dma_start3A_181 = arith.constant 0 : i32
        %dma_start3A_182 = arith.constant 0 : i32
        %dma_start3A_183 = tpu.memref_slice %arg3[%dma_start3A_181, %dma_start3A_182] : memref<10000x128xf32, #tpu.memory_space<hbm>> -> memref<10000x128xf32, #tpu.memory_space<hbm>>
        tpu.enqueue_indirect_dma source(%dma_start3A_183 : memref<10000x128xf32, #tpu.memory_space<hbm>>) target(%arg15 : memref<128x128xf32, #tpu.memory_space<vmem>>) offsets(%dma_start3A_180 : memref<128xi32, #tpu.memory_space<vmem>>) semaphore(%arg21 : memref<!tpu.dma_semaphore, #tpu.memory_space<semaphore_mem>>)
      } else {
      }
      %mul3A_92 = arith.constant 3 : i32
      %mul3A_93 = arith.muli %mul3A_92, %scan3A_58 : i32
      %add3A_94 = arith.constant 1 : i32
      %add3A_95 = arith.addi %mul3A_93, %add3A_94 : i32
      %mul3A_96 = arith.constant 128 : i32
      %mul3A_97 = arith.muli %add3A_95, %mul3A_96 : i32
      %add3A_98 = arith.addi %mul3A_2, %mul3A_97 : i32
      %dma_wait3A_99 = arith.constant 0 : i32
      %dma_wait3A_100 = arith.constant 0 : i32
      %dma_wait3A_101 = tpu.memref_slice %arg8[%dma_wait3A_99, %dma_wait3A_100] : memref<84x128xi32, #tpu.memory_space<vmem>> -> memref<1x128xi32, #tpu.memory_space<vmem>>
      %dma_wait3A_102 = tpu.memref_squeeze %dma_wait3A_101 : memref<1x128xi32, #tpu.memory_space<vmem>> -> memref<128xi32, #tpu.memory_space<vmem>>
      %dma_wait3A_103 = arith.constant 0 : i32
      %dma_wait3A_104 = arith.constant 0 : i32
      %dma_wait3A_105 = tpu.memref_slice %arg2[%dma_wait3A_103, %dma_wait3A_104] : memref<10000x128xf32, #tpu.memory_space<hbm>> -> memref<10000x128xf32, #tpu.memory_space<hbm>>
      tpu.wait_indirect_dma semaphore(%arg17 : memref<!tpu.dma_semaphore, #tpu.memory_space<semaphore_mem>>) src(%dma_wait3A_105 : memref<10000x128xf32, #tpu.memory_space<hbm>>) dst(%arg11 : memref<128x128xf32, #tpu.memory_space<vmem>>)
      %dma_wait3A_106 = arith.constant 0 : i32
      %dma_wait3A_107 = arith.constant 0 : i32
      %dma_wait3A_108 = tpu.memref_slice %arg9[%dma_wait3A_106, %dma_wait3A_107] : memref<84x128xi32, #tpu.memory_space<vmem>> -> memref<1x128xi32, #tpu.memory_space<vmem>>
      %dma_wait3A_109 = tpu.memref_squeeze %dma_wait3A_108 : memref<1x128xi32, #tpu.memory_space<vmem>> -> memref<128xi32, #tpu.memory_space<vmem>>
      %dma_wait3A_110 = arith.constant 0 : i32
      %dma_wait3A_111 = arith.constant 0 : i32
      %dma_wait3A_112 = tpu.memref_slice %arg3[%dma_wait3A_110, %dma_wait3A_111] : memref<10000x128xf32, #tpu.memory_space<hbm>> -> memref<10000x128xf32, #tpu.memory_space<hbm>>
      tpu.wait_indirect_dma semaphore(%arg20 : memref<!tpu.dma_semaphore, #tpu.memory_space<semaphore_mem>>) src(%dma_wait3A_112 : memref<10000x128xf32, #tpu.memory_space<hbm>>) dst(%arg14 : memref<128x128xf32, #tpu.memory_space<vmem>>)
      %dma_start3A_113 = arith.constant 0 : i32
      %dma_start3A_114 = tpu.memref_slice %arg6[%add3A_98, %dma_start3A_113] : memref<344064x128xf32, #tpu.memory_space<hbm>> -> memref<128x128xf32, #tpu.memory_space<hbm>>
      %dma_start3A_115 = arith.constant 0 : i32
      %dma_start3A_116 = tpu.memref_slice %arg6[%add3A_98, %dma_start3A_115] : memref<344064x128xf32, #tpu.memory_space<hbm>> -> memref<128x128xf32, #tpu.memory_space<hbm>>
      tpu.enqueue_dma source(%arg11 : memref<128x128xf32, #tpu.memory_space<vmem>>) target(%dma_start3A_116 : memref<128x128xf32, #tpu.memory_space<hbm>>) target_semaphore(%arg23 : memref<!tpu.dma_semaphore, #tpu.memory_space<semaphore_mem>>)
      %dma_start3A_117 = arith.constant 0 : i32
      %dma_start3A_118 = tpu.memref_slice %arg7[%add3A_98, %dma_start3A_117] : memref<344064x128xf32, #tpu.memory_space<hbm>> -> memref<128x128xf32, #tpu.memory_space<hbm>>
      %dma_start3A_119 = arith.constant 0 : i32
      %dma_start3A_120 = tpu.memref_slice %arg7[%add3A_98, %dma_start3A_119] : memref<344064x128xf32, #tpu.memory_space<hbm>> -> memref<128x128xf32, #tpu.memory_space<hbm>>
      tpu.enqueue_dma source(%arg14 : memref<128x128xf32, #tpu.memory_space<vmem>>) target(%dma_start3A_120 : memref<128x128xf32, #tpu.memory_space<hbm>>) target_semaphore(%arg26 : memref<!tpu.dma_semaphore, #tpu.memory_space<semaphore_mem>>)
      %add3A_121 = arith.constant 2 : i32
      %add3A_122 = arith.addi %add3A_95, %add3A_121 : i32
      %lt3A_123 = arith.constant 84 : i32
      %lt3A_124 = arith.cmpi slt, %add3A_122, %lt3A_123 : i32
      %convert_element_type3A_125 = arith.extui %lt3A_124 : i1 to i32
      %cond3A_126 = arith.constant 0 : i32
      %cond3A_127 = arith.cmpi ne, %convert_element_type3A_125, %cond3A_126 : i32
      scf.if %cond3A_127 {
        %ge3A = arith.constant 1 : i32
        %ge3A_164 = arith.cmpi sge, %add3A_95, %ge3A : i32
        %convert_element_type3A_165 = arith.extui %ge3A_164 : i1 to i32
        %cond3A_166 = arith.constant 0 : i32
        %cond3A_167 = arith.cmpi ne, %convert_element_type3A_165, %cond3A_166 : i32
        scf.if %cond3A_167 {
          %dma_wait3A_184 = arith.constant 0 : i32
          %dma_wait3A_185 = tpu.memref_slice %arg6[%mul3A_2, %dma_wait3A_184] : memref<344064x128xf32, #tpu.memory_space<hbm>> -> memref<128x128xf32, #tpu.memory_space<hbm>>
          %dma_wait3A_186 = arith.constant 0 : i32
          %dma_wait3A_187 = tpu.memref_slice %arg6[%mul3A_2, %dma_wait3A_186] : memref<344064x128xf32, #tpu.memory_space<hbm>> -> memref<128x128xf32, #tpu.memory_space<hbm>>
          tpu.wait_dma2 semaphore(%arg22 : memref<!tpu.dma_semaphore, #tpu.memory_space<semaphore_mem>>) src(%arg10 : memref<128x128xf32, #tpu.memory_space<vmem>>) dst(%dma_wait3A_187 : memref<128x128xf32, #tpu.memory_space<hbm>>)
          %dma_wait3A_188 = arith.constant 0 : i32
          %dma_wait3A_189 = tpu.memref_slice %arg7[%mul3A_2, %dma_wait3A_188] : memref<344064x128xf32, #tpu.memory_space<hbm>> -> memref<128x128xf32, #tpu.memory_space<hbm>>
          %dma_wait3A_190 = arith.constant 0 : i32
          %dma_wait3A_191 = tpu.memref_slice %arg7[%mul3A_2, %dma_wait3A_190] : memref<344064x128xf32, #tpu.memory_space<hbm>> -> memref<128x128xf32, #tpu.memory_space<hbm>>
          tpu.wait_dma2 semaphore(%arg25 : memref<!tpu.dma_semaphore, #tpu.memory_space<semaphore_mem>>) src(%arg13 : memref<128x128xf32, #tpu.memory_space<vmem>>) dst(%dma_wait3A_191 : memref<128x128xf32, #tpu.memory_space<hbm>>)
        } else {
        }
        %add3A_168 = arith.constant 2 : i32
        %add3A_169 = arith.addi %add3A_95, %add3A_168 : i32
        %dma_start3A_170 = arith.constant 0 : i32
        %dma_start3A_171 = tpu.memref_slice %arg8[%add3A_169, %dma_start3A_170] : memref<84x128xi32, #tpu.memory_space<vmem>> -> memref<1x128xi32, #tpu.memory_space<vmem>>
        %dma_start3A_172 = tpu.memref_squeeze %dma_start3A_171 : memref<1x128xi32, #tpu.memory_space<vmem>> -> memref<128xi32, #tpu.memory_space<vmem>>
        %dma_start3A_173 = arith.constant 0 : i32
        %dma_start3A_174 = arith.constant 0 : i32
        %dma_start3A_175 = tpu.memref_slice %arg2[%dma_start3A_173, %dma_start3A_174] : memref<10000x128xf32, #tpu.memory_space<hbm>> -> memref<10000x128xf32, #tpu.memory_space<hbm>>
        tpu.enqueue_indirect_dma source(%dma_start3A_175 : memref<10000x128xf32, #tpu.memory_space<hbm>>) target(%arg10 : memref<128x128xf32, #tpu.memory_space<vmem>>) offsets(%dma_start3A_172 : memref<128xi32, #tpu.memory_space<vmem>>) semaphore(%arg16 : memref<!tpu.dma_semaphore, #tpu.memory_space<semaphore_mem>>)
        %add3A_176 = arith.constant 2 : i32
        %add3A_177 = arith.addi %add3A_95, %add3A_176 : i32
        %dma_start3A_178 = arith.constant 0 : i32
        %dma_start3A_179 = tpu.memref_slice %arg9[%add3A_177, %dma_start3A_178] : memref<84x128xi32, #tpu.memory_space<vmem>> -> memref<1x128xi32, #tpu.memory_space<vmem>>
        %dma_start3A_180 = tpu.memref_squeeze %dma_start3A_179 : memref<1x128xi32, #tpu.memory_space<vmem>> -> memref<128xi32, #tpu.memory_space<vmem>>
        %dma_start3A_181 = arith.constant 0 : i32
        %dma_start3A_182 = arith.constant 0 : i32
        %dma_start3A_183 = tpu.memref_slice %arg3[%dma_start3A_181, %dma_start3A_182] : memref<10000x128xf32, #tpu.memory_space<hbm>> -> memref<10000x128xf32, #tpu.memory_space<hbm>>
        tpu.enqueue_indirect_dma source(%dma_start3A_183 : memref<10000x128xf32, #tpu.memory_space<hbm>>) target(%arg13 : memref<128x128xf32, #tpu.memory_space<vmem>>) offsets(%dma_start3A_180 : memref<128xi32, #tpu.memory_space<vmem>>) semaphore(%arg19 : memref<!tpu.dma_semaphore, #tpu.memory_space<semaphore_mem>>)
      } else {
      }
      %mul3A_128 = arith.constant 3 : i32
      %mul3A_129 = arith.muli %mul3A_128, %scan3A_58 : i32
      %add3A_130 = arith.constant 2 : i32
      %add3A_131 = arith.addi %mul3A_129, %add3A_130 : i32
      %mul3A_132 = arith.constant 128 : i32
      %mul3A_133 = arith.muli %add3A_131, %mul3A_132 : i32
      %add3A_134 = arith.addi %mul3A_2, %mul3A_133 : i32
      %dma_wait3A_135 = arith.constant 0 : i32
      %dma_wait3A_136 = arith.constant 0 : i32
      %dma_wait3A_137 = tpu.memref_slice %arg8[%dma_wait3A_135, %dma_wait3A_136] : memref<84x128xi32, #tpu.memory_space<vmem>> -> memref<1x128xi32, #tpu.memory_space<vmem>>
      %dma_wait3A_138 = tpu.memref_squeeze %dma_wait3A_137 : memref<1x128xi32, #tpu.memory_space<vmem>> -> memref<128xi32, #tpu.memory_space<vmem>>
      %dma_wait3A_139 = arith.constant 0 : i32
      %dma_wait3A_140 = arith.constant 0 : i32
      %dma_wait3A_141 = tpu.memref_slice %arg2[%dma_wait3A_139, %dma_wait3A_140] : memref<10000x128xf32, #tpu.memory_space<hbm>> -> memref<10000x128xf32, #tpu.memory_space<hbm>>
      tpu.wait_indirect_dma semaphore(%arg18 : memref<!tpu.dma_semaphore, #tpu.memory_space<semaphore_mem>>) src(%dma_wait3A_141 : memref<10000x128xf32, #tpu.memory_space<hbm>>) dst(%arg12 : memref<128x128xf32, #tpu.memory_space<vmem>>)
      %dma_wait3A_142 = arith.constant 0 : i32
      %dma_wait3A_143 = arith.constant 0 : i32
      %dma_wait3A_144 = tpu.memref_slice %arg9[%dma_wait3A_142, %dma_wait3A_143] : memref<84x128xi32, #tpu.memory_space<vmem>> -> memref<1x128xi32, #tpu.memory_space<vmem>>
      %dma_wait3A_145 = tpu.memref_squeeze %dma_wait3A_144 : memref<1x128xi32, #tpu.memory_space<vmem>> -> memref<128xi32, #tpu.memory_space<vmem>>
      %dma_wait3A_146 = arith.constant 0 : i32
      %dma_wait3A_147 = arith.constant 0 : i32
      %dma_wait3A_148 = tpu.memref_slice %arg3[%dma_wait3A_146, %dma_wait3A_147] : memref<10000x128xf32, #tpu.memory_space<hbm>> -> memref<10000x128xf32, #tpu.memory_space<hbm>>
      tpu.wait_indirect_dma semaphore(%arg21 : memref<!tpu.dma_semaphore, #tpu.memory_space<semaphore_mem>>) src(%dma_wait3A_148 : memref<10000x128xf32, #tpu.memory_space<hbm>>) dst(%arg15 : memref<128x128xf32, #tpu.memory_space<vmem>>)
      %dma_start3A_149 = arith.constant 0 : i32
      %dma_start3A_150 = tpu.memref_slice %arg6[%add3A_134, %dma_start3A_149] : memref<344064x128xf32, #tpu.memory_space<hbm>> -> memref<128x128xf32, #tpu.memory_space<hbm>>
      %dma_start3A_151 = arith.constant 0 : i32
      %dma_start3A_152 = tpu.memref_slice %arg6[%add3A_134, %dma_start3A_151] : memref<344064x128xf32, #tpu.memory_space<hbm>> -> memref<128x128xf32, #tpu.memory_space<hbm>>
      tpu.enqueue_dma source(%arg12 : memref<128x128xf32, #tpu.memory_space<vmem>>) target(%dma_start3A_152 : memref<128x128xf32, #tpu.memory_space<hbm>>) target_semaphore(%arg24 : memref<!tpu.dma_semaphore, #tpu.memory_space<semaphore_mem>>)
      %dma_start3A_153 = arith.constant 0 : i32
      %dma_start3A_154 = tpu.memref_slice %arg7[%add3A_134, %dma_start3A_153] : memref<344064x128xf32, #tpu.memory_space<hbm>> -> memref<128x128xf32, #tpu.memory_space<hbm>>
      %dma_start3A_155 = arith.constant 0 : i32
      %dma_start3A_156 = tpu.memref_slice %arg7[%add3A_134, %dma_start3A_155] : memref<344064x128xf32, #tpu.memory_space<hbm>> -> memref<128x128xf32, #tpu.memory_space<hbm>>
      tpu.enqueue_dma source(%arg15 : memref<128x128xf32, #tpu.memory_space<vmem>>) target(%dma_start3A_156 : memref<128x128xf32, #tpu.memory_space<hbm>>) target_semaphore(%arg27 : memref<!tpu.dma_semaphore, #tpu.memory_space<semaphore_mem>>)
      %add3A_157 = arith.constant 2 : i32
      %add3A_158 = arith.addi %add3A_131, %add3A_157 : i32
      %lt3A_159 = arith.constant 84 : i32
      %lt3A_160 = arith.cmpi slt, %add3A_158, %lt3A_159 : i32
      %convert_element_type3A_161 = arith.extui %lt3A_160 : i1 to i32
      %cond3A_162 = arith.constant 0 : i32
      %cond3A_163 = arith.cmpi ne, %convert_element_type3A_161, %cond3A_162 : i32
      scf.if %cond3A_163 {
        %ge3A = arith.constant 1 : i32
        %ge3A_164 = arith.cmpi sge, %add3A_131, %ge3A : i32
        %convert_element_type3A_165 = arith.extui %ge3A_164 : i1 to i32
        %cond3A_166 = arith.constant 0 : i32
        %cond3A_167 = arith.cmpi ne, %convert_element_type3A_165, %cond3A_166 : i32
        scf.if %cond3A_167 {
          %dma_wait3A_184 = arith.constant 0 : i32
          %dma_wait3A_185 = tpu.memref_slice %arg6[%mul3A_2, %dma_wait3A_184] : memref<344064x128xf32, #tpu.memory_space<hbm>> -> memref<128x128xf32, #tpu.memory_space<hbm>>
          %dma_wait3A_186 = arith.constant 0 : i32
          %dma_wait3A_187 = tpu.memref_slice %arg6[%mul3A_2, %dma_wait3A_186] : memref<344064x128xf32, #tpu.memory_space<hbm>> -> memref<128x128xf32, #tpu.memory_space<hbm>>
          tpu.wait_dma2 semaphore(%arg23 : memref<!tpu.dma_semaphore, #tpu.memory_space<semaphore_mem>>) src(%arg11 : memref<128x128xf32, #tpu.memory_space<vmem>>) dst(%dma_wait3A_187 : memref<128x128xf32, #tpu.memory_space<hbm>>)
          %dma_wait3A_188 = arith.constant 0 : i32
          %dma_wait3A_189 = tpu.memref_slice %arg7[%mul3A_2, %dma_wait3A_188] : memref<344064x128xf32, #tpu.memory_space<hbm>> -> memref<128x128xf32, #tpu.memory_space<hbm>>
          %dma_wait3A_190 = arith.constant 0 : i32
          %dma_wait3A_191 = tpu.memref_slice %arg7[%mul3A_2, %dma_wait3A_190] : memref<344064x128xf32, #tpu.memory_space<hbm>> -> memref<128x128xf32, #tpu.memory_space<hbm>>
          tpu.wait_dma2 semaphore(%arg26 : memref<!tpu.dma_semaphore, #tpu.memory_space<semaphore_mem>>) src(%arg14 : memref<128x128xf32, #tpu.memory_space<vmem>>) dst(%dma_wait3A_191 : memref<128x128xf32, #tpu.memory_space<hbm>>)
        } else {
        }
        %add3A_168 = arith.constant 2 : i32
        %add3A_169 = arith.addi %add3A_131, %add3A_168 : i32
        %dma_start3A_170 = arith.constant 0 : i32
        %dma_start3A_171 = tpu.memref_slice %arg8[%add3A_169, %dma_start3A_170] : memref<84x128xi32, #tpu.memory_space<vmem>> -> memref<1x128xi32, #tpu.memory_space<vmem>>
        %dma_start3A_172 = tpu.memref_squeeze %dma_start3A_171 : memref<1x128xi32, #tpu.memory_space<vmem>> -> memref<128xi32, #tpu.memory_space<vmem>>
        %dma_start3A_173 = arith.constant 0 : i32
        %dma_start3A_174 = arith.constant 0 : i32
        %dma_start3A_175 = tpu.memref_slice %arg2[%dma_start3A_173, %dma_start3A_174] : memref<10000x128xf32, #tpu.memory_space<hbm>> -> memref<10000x128xf32, #tpu.memory_space<hbm>>
        tpu.enqueue_indirect_dma source(%dma_start3A_175 : memref<10000x128xf32, #tpu.memory_space<hbm>>) target(%arg11 : memref<128x128xf32, #tpu.memory_space<vmem>>) offsets(%dma_start3A_172 : memref<128xi32, #tpu.memory_space<vmem>>) semaphore(%arg17 : memref<!tpu.dma_semaphore, #tpu.memory_space<semaphore_mem>>)
        %add3A_176 = arith.constant 2 : i32
        %add3A_177 = arith.addi %add3A_131, %add3A_176 : i32
        %dma_start3A_178 = arith.constant 0 : i32
        %dma_start3A_179 = tpu.memref_slice %arg9[%add3A_177, %dma_start3A_178] : memref<84x128xi32, #tpu.memory_space<vmem>> -> memref<1x128xi32, #tpu.memory_space<vmem>>
        %dma_start3A_180 = tpu.memref_squeeze %dma_start3A_179 : memref<1x128xi32, #tpu.memory_space<vmem>> -> memref<128xi32, #tpu.memory_space<vmem>>
        %dma_start3A_181 = arith.constant 0 : i32
        %dma_start3A_182 = arith.constant 0 : i32
        %dma_start3A_183 = tpu.memref_slice %arg3[%dma_start3A_181, %dma_start3A_182] : memref<10000x128xf32, #tpu.memory_space<hbm>> -> memref<10000x128xf32, #tpu.memory_space<hbm>>
        tpu.enqueue_indirect_dma source(%dma_start3A_183 : memref<10000x128xf32, #tpu.memory_space<hbm>>) target(%arg14 : memref<128x128xf32, #tpu.memory_space<vmem>>) offsets(%dma_start3A_180 : memref<128xi32, #tpu.memory_space<vmem>>) semaphore(%arg20 : memref<!tpu.dma_semaphore, #tpu.memory_space<semaphore_mem>>)
      } else {
      }
    }
    %scan3A_34 = arith.constant 28 : i32
    %dma_wait3A = arith.constant 0 : i32
    %dma_wait3A_35 = tpu.memref_slice %arg6[%mul3A_2, %dma_wait3A] : memref<344064x128xf32, #tpu.memory_space<hbm>> -> memref<128x128xf32, #tpu.memory_space<hbm>>
    %dma_wait3A_36 = arith.constant 0 : i32
    %dma_wait3A_37 = tpu.memref_slice %arg6[%mul3A_2, %dma_wait3A_36] : memref<344064x128xf32, #tpu.memory_space<hbm>> -> memref<128x128xf32, #tpu.memory_space<hbm>>
    tpu.wait_dma2 semaphore(%arg22 : memref<!tpu.dma_semaphore, #tpu.memory_space<semaphore_mem>>) src(%arg10 : memref<128x128xf32, #tpu.memory_space<vmem>>) dst(%dma_wait3A_37 : memref<128x128xf32, #tpu.memory_space<hbm>>)
    %dma_wait3A_38 = arith.constant 0 : i32
    %dma_wait3A_39 = tpu.memref_slice %arg7[%mul3A_2, %dma_wait3A_38] : memref<344064x128xf32, #tpu.memory_space<hbm>> -> memref<128x128xf32, #tpu.memory_space<hbm>>
    %dma_wait3A_40 = arith.constant 0 : i32
    %dma_wait3A_41 = tpu.memref_slice %arg7[%mul3A_2, %dma_wait3A_40] : memref<344064x128xf32, #tpu.memory_space<hbm>> -> memref<128x128xf32, #tpu.memory_space<hbm>>
    tpu.wait_dma2 semaphore(%arg25 : memref<!tpu.dma_semaphore, #tpu.memory_space<semaphore_mem>>) src(%arg13 : memref<128x128xf32, #tpu.memory_space<vmem>>) dst(%dma_wait3A_41 : memref<128x128xf32, #tpu.memory_space<hbm>>)
    %dma_wait3A_42 = arith.constant 0 : i32
    %dma_wait3A_43 = tpu.memref_slice %arg6[%mul3A_2, %dma_wait3A_42] : memref<344064x128xf32, #tpu.memory_space<hbm>> -> memref<128x128xf32, #tpu.memory_space<hbm>>
    %dma_wait3A_44 = arith.constant 0 : i32
    %dma_wait3A_45 = tpu.memref_slice %arg6[%mul3A_2, %dma_wait3A_44] : memref<344064x128xf32, #tpu.memory_space<hbm>> -> memref<128x128xf32, #tpu.memory_space<hbm>>
    tpu.wait_dma2 semaphore(%arg23 : memref<!tpu.dma_semaphore, #tpu.memory_space<semaphore_mem>>) src(%arg11 : memref<128x128xf32, #tpu.memory_space<vmem>>) dst(%dma_wait3A_45 : memref<128x128xf32, #tpu.memory_space<hbm>>)
    %dma_wait3A_46 = arith.constant 0 : i32
    %dma_wait3A_47 = tpu.memref_slice %arg7[%mul3A_2, %dma_wait3A_46] : memref<344064x128xf32, #tpu.memory_space<hbm>> -> memref<128x128xf32, #tpu.memory_space<hbm>>
    %dma_wait3A_48 = arith.constant 0 : i32
    %dma_wait3A_49 = tpu.memref_slice %arg7[%mul3A_2, %dma_wait3A_48] : memref<344064x128xf32, #tpu.memory_space<hbm>> -> memref<128x128xf32, #tpu.memory_space<hbm>>
    tpu.wait_dma2 semaphore(%arg26 : memref<!tpu.dma_semaphore, #tpu.memory_space<semaphore_mem>>) src(%arg14 : memref<128x128xf32, #tpu.memory_space<vmem>>) dst(%dma_wait3A_49 : memref<128x128xf32, #tpu.memory_space<hbm>>)
    %dma_wait3A_50 = arith.constant 0 : i32
    %dma_wait3A_51 = tpu.memref_slice %arg6[%mul3A_2, %dma_wait3A_50] : memref<344064x128xf32, #tpu.memory_space<hbm>> -> memref<128x128xf32, #tpu.memory_space<hbm>>
    %dma_wait3A_52 = arith.constant 0 : i32
    %dma_wait3A_53 = tpu.memref_slice %arg6[%mul3A_2, %dma_wait3A_52] : memref<344064x128xf32, #tpu.memory_space<hbm>> -> memref<128x128xf32, #tpu.memory_space<hbm>>
    tpu.wait_dma2 semaphore(%arg24 : memref<!tpu.dma_semaphore, #tpu.memory_space<semaphore_mem>>) src(%arg12 : memref<128x128xf32, #tpu.memory_space<vmem>>) dst(%dma_wait3A_53 : memref<128x128xf32, #tpu.memory_space<hbm>>)
    %dma_wait3A_54 = arith.constant 0 : i32
    %dma_wait3A_55 = tpu.memref_slice %arg7[%mul3A_2, %dma_wait3A_54] : memref<344064x128xf32, #tpu.memory_space<hbm>> -> memref<128x128xf32, #tpu.memory_space<hbm>>
    %dma_wait3A_56 = arith.constant 0 : i32
    %dma_wait3A_57 = tpu.memref_slice %arg7[%mul3A_2, %dma_wait3A_56] : memref<344064x128xf32, #tpu.memory_space<hbm>> -> memref<128x128xf32, #tpu.memory_space<hbm>>
    tpu.wait_dma2 semaphore(%arg27 : memref<!tpu.dma_semaphore, #tpu.memory_space<semaphore_mem>>) src(%arg15 : memref<128x128xf32, #tpu.memory_space<vmem>>) dst(%dma_wait3A_57 : memref<128x128xf32, #tpu.memory_space<hbm>>)
    return
  }
}

module attributes {stable_mosaic.version = 14 : i64} {
  func.func @_k0_body(%arg0: i32, %arg1: memref<1000x128xf32, #tpu.memory_space<vmem>>, %arg2: memref<128x128xf32, #tpu.memory_space<vmem>>, %arg3: memref<1x128xf32, #tpu.memory_space<vmem>>, %arg4: memref<128x128xf32, #tpu.memory_space<vmem>>, %arg5: memref<1x128xf32, #tpu.memory_space<vmem>>, %arg6: memref<1000x128xf32, #tpu.memory_space<vmem>>, %arg7: memref<1000x128xf32, #tpu.memory_space<vmem>>) attributes {dimension_semantics = [#tpu.dimension_semantics<arbitrary>], iteration_bounds = array<i64: 10>, scalar_prefetch = 0 : i64, scratch_operands = 0 : i64, tpu.core_type = #tpu.core_type<tc>, window_params = [{transform_indices = @transform_0, window_bounds = array<i64: 1000, 128>}, {pipeline_mode = #tpu.pipeline_mode<synchronous>, transform_indices = @transform_1, window_bounds = array<i64: 128, 128>}, {pipeline_mode = #tpu.pipeline_mode<synchronous>, transform_indices = @transform_2, window_bounds = array<i64: 1, 128>}, {pipeline_mode = #tpu.pipeline_mode<synchronous>, transform_indices = @transform_3, window_bounds = array<i64: 128, 128>}, {pipeline_mode = #tpu.pipeline_mode<synchronous>, transform_indices = @transform_4, window_bounds = array<i64: 1, 128>}, {transform_indices = @transform_5, window_bounds = array<i64: 1000, 128>}, {transform_indices = @transform_6, window_bounds = array<i64: 1000, 128>}]} {
    %get3A = arith.constant 0 : index
    %get3A_0 = arith.constant 0 : index
    %get3A_1 = vector.load %arg1[%get3A, %get3A_0] : memref<1000x128xf32, #tpu.memory_space<vmem>>, vector<1000x128xf32>
    %get3A_2 = arith.constant 0 : index
    %get3A_3 = arith.constant 0 : index
    %get3A_4 = vector.load %arg2[%get3A_2, %get3A_3] : memref<128x128xf32, #tpu.memory_space<vmem>>, vector<128x128xf32>
    %dot_general3A = arith.constant dense<0.000000e+00> : vector<1000x128xf32>
    %dot_general3A_5 = tpu.matmul %get3A_1, %get3A_4, %dot_general3A {dimension_numbers = #tpu.dot_dimension_numbers<[1], [0], [0], [1], [0, 0, 1, 1], [], []>, transpose_lhs_hint = false} : vector<1000x128xf32>, vector<128x128xf32>, vector<1000x128xf32> -> vector<1000x128xf32>
    %get3A_6 = arith.constant 0 : index
    %get3A_7 = arith.constant 0 : index
    %get3A_8 = vector.load %arg3[%get3A_6, %get3A_7] : memref<1x128xf32, #tpu.memory_space<vmem>>, vector<1x128xf32>
    %add3A = vector.broadcast %get3A_8 : vector<1x128xf32> to vector<1000x128xf32>
    %add3A_9 = arith.addf %dot_general3A_5, %add3A : vector<1000x128xf32>
    %swap3A = arith.constant 0 : index
    %swap3A_10 = arith.constant 0 : index
    %swap3A_11 = vector.load %arg6[%swap3A, %swap3A_10] : memref<1000x128xf32, #tpu.memory_space<vmem>>, vector<1000x128xf32>
    tpu.vector_store %arg6[%swap3A, %swap3A_10], %add3A_9 {strides = array<i32>} : memref<1000x128xf32, #tpu.memory_space<vmem>>, vector<1000x128xf32>,
    %get3A_12 = arith.constant 0 : index
    %get3A_13 = arith.constant 0 : index
    %get3A_14 = vector.load %arg4[%get3A_12, %get3A_13] : memref<128x128xf32, #tpu.memory_space<vmem>>, vector<128x128xf32>
    %dot_general3A_15 = arith.constant dense<0.000000e+00> : vector<1000x128xf32>
    %dot_general3A_16 = tpu.matmul %get3A_1, %get3A_14, %dot_general3A_15 {dimension_numbers = #tpu.dot_dimension_numbers<[1], [0], [0], [1], [0, 0, 1, 1], [], []>, transpose_lhs_hint = false} : vector<1000x128xf32>, vector<128x128xf32>, vector<1000x128xf32> -> vector<1000x128xf32>
    %get3A_17 = arith.constant 0 : index
    %get3A_18 = arith.constant 0 : index
    %get3A_19 = vector.load %arg5[%get3A_17, %get3A_18] : memref<1x128xf32, #tpu.memory_space<vmem>>, vector<1x128xf32>
    %add3A_20 = vector.broadcast %get3A_19 : vector<1x128xf32> to vector<1000x128xf32>
    %add3A_21 = arith.addf %dot_general3A_16, %add3A_20 : vector<1000x128xf32>
    %swap3A_22 = arith.constant 0 : index
    %swap3A_23 = arith.constant 0 : index
    %swap3A_24 = vector.load %arg7[%swap3A_22, %swap3A_23] : memref<1000x128xf32, #tpu.memory_space<vmem>>, vector<1000x128xf32>
    tpu.vector_store %arg7[%swap3A_22, %swap3A_23], %add3A_21 {strides = array<i32>} : memref<1000x128xf32, #tpu.memory_space<vmem>>, vector<1000x128xf32>,
    return
  }
  func.func @transform_0(%arg0: i32) -> (i32, i32) {
    %c0_i32 = arith.constant 0 : i32
    %c0_i32_0 = arith.constant 0 : i32
    return %arg0, %c0_i32 : i32, i32
  }
  func.func @transform_1(%arg0: i32) -> (i32, i32) {
    %c0_i32 = arith.constant 0 : i32
    %c0_i32_0 = arith.constant 0 : i32
    %c0_i32_1 = arith.constant 0 : i32
    return %c0_i32, %c0_i32_0 : i32, i32
  }
  func.func @transform_2(%arg0: i32) -> (i32, i32) {
    %c0_i32 = arith.constant 0 : i32
    %c0_i32_0 = arith.constant 0 : i32
    %c0_i32_1 = arith.constant 0 : i32
    return %c0_i32, %c0_i32_0 : i32, i32
  }
  func.func @transform_3(%arg0: i32) -> (i32, i32) {
    %c0_i32 = arith.constant 0 : i32
    %c0_i32_0 = arith.constant 0 : i32
    %c0_i32_1 = arith.constant 0 : i32
    return %c0_i32, %c0_i32_0 : i32, i32
  }
  func.func @transform_4(%arg0: i32) -> (i32, i32) {
    %c0_i32 = arith.constant 0 : i32
    %c0_i32_0 = arith.constant 0 : i32
    %c0_i32_1 = arith.constant 0 : i32
    return %c0_i32, %c0_i32_0 : i32, i32
  }
  func.func @transform_5(%arg0: i32) -> (i32, i32) {
    %c0_i32 = arith.constant 0 : i32
    %c0_i32_0 = arith.constant 0 : i32
    return %arg0, %c0_i32 : i32, i32
  }
  func.func @transform_6(%arg0: i32) -> (i32, i32) {
    %c0_i32 = arith.constant 0 : i32
    %c0_i32_0 = arith.constant 0 : i32
    return %arg0, %c0_i32 : i32, i32
  }
}

module attributes {stable_mosaic.version = 14 : i64} {
  func.func @_k3_body(%arg0: i32, %arg1: memref<1024x128xf32, #tpu.memory_space<vmem>>, %arg2: memref<1024x128xf32, #tpu.memory_space<vmem>>, %arg3: memref<1024x8xf32, #tpu.memory_space<vmem>>, %arg4: memref<8x128xf32, #tpu.memory_space<vmem>>, %arg5: memref<1x128xf32, #tpu.memory_space<vmem>>, %arg6: memref<128x16xf32, #tpu.memory_space<vmem>>, %arg7: memref<16x128xf32, #tpu.memory_space<vmem>>, %arg8: memref<1x16xf32, #tpu.memory_space<vmem>>, %arg9: memref<1024x128xf32, #tpu.memory_space<vmem>>, %arg10: memref<1024x128xf32, #tpu.memory_space<vmem>>) attributes {dimension_semantics = [#tpu.dimension_semantics<arbitrary>], iteration_bounds = array<i64: 336>, scalar_prefetch = 0 : i64, scratch_operands = 0 : i64, tpu.core_type = #tpu.core_type<tc>, window_params = [{transform_indices = @transform_0, window_bounds = array<i64: 1024, 128>}, {transform_indices = @transform_1, window_bounds = array<i64: 1024, 128>}, {transform_indices = @transform_2, window_bounds = array<i64: 1024, 8>}, {pipeline_mode = #tpu.pipeline_mode<synchronous>, transform_indices = @transform_3, window_bounds = array<i64: 8, 128>}, {pipeline_mode = #tpu.pipeline_mode<synchronous>, transform_indices = @transform_4, window_bounds = array<i64: 1, 128>}, {pipeline_mode = #tpu.pipeline_mode<synchronous>, transform_indices = @transform_5, window_bounds = array<i64: 128, 16>}, {pipeline_mode = #tpu.pipeline_mode<synchronous>, transform_indices = @transform_6, window_bounds = array<i64: 16, 128>}, {pipeline_mode = #tpu.pipeline_mode<synchronous>, transform_indices = @transform_7, window_bounds = array<i64: 1, 16>}, {transform_indices = @transform_8, window_bounds = array<i64: 1024, 128>}, {transform_indices = @transform_9, window_bounds = array<i64: 1024, 128>}]} {
    %get3A = arith.constant 0 : index
    %get3A_0 = arith.constant 0 : index
    %get3A_1 = vector.load %arg1[%get3A, %get3A_0] : memref<1024x128xf32, #tpu.memory_space<vmem>>, vector<1024x128xf32>
    %get3A_2 = arith.constant 0 : index
    %get3A_3 = arith.constant 0 : index
    %get3A_4 = vector.load %arg2[%get3A_2, %get3A_3] : memref<1024x128xf32, #tpu.memory_space<vmem>>, vector<1024x128xf32>
    %add3A = arith.addf %get3A_1, %get3A_4 : vector<1024x128xf32>
    %get3A_5 = arith.constant 0 : index
    %get3A_6 = arith.constant 0 : index
    %get3A_7 = vector.load %arg3[%get3A_5, %get3A_6] : memref<1024x8xf32, #tpu.memory_space<vmem>>, vector<1024x8xf32>
    %get3A_8 = arith.constant 0 : index
    %get3A_9 = arith.constant 0 : index
    %get3A_10 = vector.load %arg4[%get3A_8, %get3A_9] : memref<8x128xf32, #tpu.memory_space<vmem>>, vector<8x128xf32>
    %dot_general3A = arith.constant dense<0.000000e+00> : vector<1024x128xf32>
    %dot_general3A_11 = tpu.matmul %get3A_7, %get3A_10, %dot_general3A {dimension_numbers = #tpu.dot_dimension_numbers<[1], [0], [0], [1], [0, 0, 1, 1], [], []>, transpose_lhs_hint = false} : vector<1024x8xf32>, vector<8x128xf32>, vector<1024x128xf32> -> vector<1024x128xf32>
    %add3A_12 = arith.addf %add3A, %dot_general3A_11 : vector<1024x128xf32>
    %mul3A = arith.constant 2.000000e-01 : f32
    %mul3A_13 = vector.broadcast %mul3A : f32 to vector<1024x128xf32>
    %mul3A_14 = arith.mulf %mul3A_13, %add3A_12 : vector<1024x128xf32>
    %max3A = arith.maximumf %add3A_12, %mul3A_14 : vector<1024x128xf32>
    %get3A_15 = arith.constant 0 : index
    %get3A_16 = arith.constant 0 : index
    %get3A_17 = vector.load %arg5[%get3A_15, %get3A_16] : memref<1x128xf32, #tpu.memory_space<vmem>>, vector<1x128xf32>
    %mul3A_18 = vector.broadcast %get3A_17 : vector<1x128xf32> to vector<1024x128xf32>
    %mul3A_19 = arith.mulf %max3A, %mul3A_18 : vector<1024x128xf32>
    %get3A_20 = arith.constant 0 : index
    %get3A_21 = arith.constant 0 : index
    %get3A_22 = vector.load %arg6[%get3A_20, %get3A_21] : memref<128x16xf32, #tpu.memory_space<vmem>>, vector<128x16xf32>
    %dot_general3A_23 = arith.constant dense<0.000000e+00> : vector<1024x16xf32>
    %dot_general3A_24 = tpu.matmul %mul3A_19, %get3A_22, %dot_general3A_23 {dimension_numbers = #tpu.dot_dimension_numbers<[1], [0], [0], [1], [0, 0, 1, 1], [], []>, transpose_lhs_hint = false} : vector<1024x128xf32>, vector<128x16xf32>, vector<1024x16xf32> -> vector<1024x16xf32>
    %mul3A_25 = arith.constant 1024 : i32
    %mul3A_26 = arith.muli %arg0, %mul3A_25 : i32
    %iota3A = tpu.iota {dimensions = array<i32: 0>} : vector<1024x1xi32>
    %add3A_27 = vector.broadcast %mul3A_26 : i32 to vector<1024x1xi32>
    %add3A_28 = arith.addi %add3A_27, %iota3A : vector<1024x1xi32>
    %lt3A = arith.constant 330000 : i32
    %lt3A_29 = vector.broadcast %lt3A : i32 to vector<1024x1xi32>
    %lt3A_30 = arith.cmpi slt, %add3A_28, %lt3A_29 : vector<1024x1xi32>
    %convert_element_type3A = arith.extui %lt3A_30 : vector<1024x1xi1> to vector<1024x1xi32>
    %convert_element_type3A_31 = arith.sitofp %convert_element_type3A : vector<1024x1xi32> to vector<1024x1xf32>
    %exp3A = math.exp %dot_general3A_24 : vector<1024x16xf32>
    %get3A_32 = arith.constant 0 : index
    %get3A_33 = arith.constant 0 : index
    %get3A_34 = vector.load %arg8[%get3A_32, %get3A_33] : memref<1x16xf32, #tpu.memory_space<vmem>>, vector<1x16xf32>
    %mul3A_35 = vector.broadcast %get3A_34 : vector<1x16xf32> to vector<1024x16xf32>
    %mul3A_36 = arith.mulf %exp3A, %mul3A_35 : vector<1024x16xf32>
    %mul3A_37 = vector.broadcast %convert_element_type3A_31 : vector<1024x1xf32> to vector<1024x16xf32>
    %mul3A_38 = arith.mulf %mul3A_36, %mul3A_37 : vector<1024x16xf32>
    %get3A_39 = arith.constant 0 : index
    %get3A_40 = arith.constant 0 : index
    %get3A_41 = vector.load %arg7[%get3A_39, %get3A_40] : memref<16x128xf32, #tpu.memory_space<vmem>>, vector<16x128xf32>
    %dot_general3A_42 = arith.constant dense<0.000000e+00> : vector<1024x128xf32>
    %dot_general3A_43 = tpu.matmul %mul3A_38, %get3A_41, %dot_general3A_42 {dimension_numbers = #tpu.dot_dimension_numbers<[1], [0], [0], [1], [0, 0, 1, 1], [], []>, transpose_lhs_hint = false} : vector<1024x16xf32>, vector<16x128xf32>, vector<1024x128xf32> -> vector<1024x128xf32>
    %mul3A_44 = arith.mulf %get3A_1, %dot_general3A_43 : vector<1024x128xf32>
    %swap3A = arith.constant 0 : index
    %swap3A_45 = arith.constant 0 : index
    %swap3A_46 = vector.load %arg9[%swap3A, %swap3A_45] : memref<1024x128xf32, #tpu.memory_space<vmem>>, vector<1024x128xf32>
    tpu.vector_store %arg9[%swap3A, %swap3A_45], %mul3A_44 {strides = array<i32>} : memref<1024x128xf32, #tpu.memory_space<vmem>>, vector<1024x128xf32>,
    %swap3A_47 = arith.constant 0 : index
    %swap3A_48 = arith.constant 0 : index
    %swap3A_49 = vector.load %arg10[%swap3A_47, %swap3A_48] : memref<1024x128xf32, #tpu.memory_space<vmem>>, vector<1024x128xf32>
    tpu.vector_store %arg10[%swap3A_47, %swap3A_48], %dot_general3A_43 {strides = array<i32>} : memref<1024x128xf32, #tpu.memory_space<vmem>>, vector<1024x128xf32>,
    return
  }
  func.func @transform_0(%arg0: i32) -> (i32, i32) {
    %c0_i32 = arith.constant 0 : i32
    %c0_i32_0 = arith.constant 0 : i32
    return %arg0, %c0_i32 : i32, i32
  }
  func.func @transform_1(%arg0: i32) -> (i32, i32) {
    %c0_i32 = arith.constant 0 : i32
    %c0_i32_0 = arith.constant 0 : i32
    return %arg0, %c0_i32 : i32, i32
  }
  func.func @transform_2(%arg0: i32) -> (i32, i32) {
    %c0_i32 = arith.constant 0 : i32
    %c0_i32_0 = arith.constant 0 : i32
    return %arg0, %c0_i32 : i32, i32
  }
  func.func @transform_3(%arg0: i32) -> (i32, i32) {
    %c0_i32 = arith.constant 0 : i32
    %c0_i32_0 = arith.constant 0 : i32
    %c0_i32_1 = arith.constant 0 : i32
    return %c0_i32, %c0_i32_0 : i32, i32
  }
  func.func @transform_4(%arg0: i32) -> (i32, i32) {
    %c0_i32 = arith.constant 0 : i32
    %c0_i32_0 = arith.constant 0 : i32
    %c0_i32_1 = arith.constant 0 : i32
    return %c0_i32, %c0_i32_0 : i32, i32
  }
  func.func @transform_5(%arg0: i32) -> (i32, i32) {
    %c0_i32 = arith.constant 0 : i32
    %c0_i32_0 = arith.constant 0 : i32
    %c0_i32_1 = arith.constant 0 : i32
    return %c0_i32, %c0_i32_0 : i32, i32
  }
  func.func @transform_6(%arg0: i32) -> (i32, i32) {
    %c0_i32 = arith.constant 0 : i32
    %c0_i32_0 = arith.constant 0 : i32
    %c0_i32_1 = arith.constant 0 : i32
    return %c0_i32, %c0_i32_0 : i32, i32
  }
  func.func @transform_7(%arg0: i32) -> (i32, i32) {
    %c0_i32 = arith.constant 0 : i32
    %c0_i32_0 = arith.constant 0 : i32
    %c0_i32_1 = arith.constant 0 : i32
    return %c0_i32, %c0_i32_0 : i32, i32
  }
  func.func @transform_8(%arg0: i32) -> (i32, i32) {
    %c0_i32 = arith.constant 0 : i32
    %c0_i32_0 = arith.constant 0 : i32
    return %arg0, %c0_i32 : i32, i32
  }
  func.func @transform_9(%arg0: i32) -> (i32, i32) {
    %c0_i32 = arith.constant 0 : i32
    %c0_i32_0 = arith.constant 0 : i32
    return %arg0, %c0_i32 : i32, i32
  }
}

module attributes {stable_mosaic.version = 14 : i64} {
  func.func @_k5_body(%arg0: i32, %arg1: memref<400x128xf32, #tpu.memory_space<vmem>>, %arg2: memref<400x128xf32, #tpu.memory_space<vmem>>, %arg3: memref<400x128xf32, #tpu.memory_space<vmem>>, %arg4: memref<400x128xf32, #tpu.memory_space<vmem>>, %arg5: memref<1x1x400xi32, #tpu.memory_space<vmem>>, %arg6: memref<1x128xf32, #tpu.memory_space<vmem>>, %arg7: memref<16x128xf32, #tpu.memory_space<vmem>>, %arg8: memref<16x128xf32, #tpu.memory_space<vmem>>) attributes {dimension_semantics = [#tpu.dimension_semantics<arbitrary>], iteration_bounds = array<i64: 25>, scalar_prefetch = 0 : i64, scratch_operands = 0 : i64, tpu.core_type = #tpu.core_type<tc>, window_params = [{transform_indices = @transform_0, window_bounds = array<i64: 400, 128>}, {transform_indices = @transform_1, window_bounds = array<i64: 400, 128>}, {transform_indices = @transform_2, window_bounds = array<i64: 400, 128>}, {transform_indices = @transform_3, window_bounds = array<i64: 400, 128>}, {transform_indices = @transform_4, window_bounds = array<i64: 1, 1, 400>}, {pipeline_mode = #tpu.pipeline_mode<synchronous>, transform_indices = @transform_5, window_bounds = array<i64: 1, 128>}, {pipeline_mode = #tpu.pipeline_mode<synchronous>, transform_indices = @transform_6, window_bounds = array<i64: 16, 128>}, {pipeline_mode = #tpu.pipeline_mode<synchronous>, transform_indices = @transform_7, window_bounds = array<i64: 16, 128>}]} {
    %get3A = arith.constant 0 : index
    %get3A_0 = arith.constant 0 : index
    %get3A_1 = vector.load %arg1[%get3A, %get3A_0] : memref<400x128xf32, #tpu.memory_space<vmem>>, vector<400x128xf32>
    %get3A_2 = arith.constant 0 : index
    %get3A_3 = arith.constant 0 : index
    %get3A_4 = vector.load %arg2[%get3A_2, %get3A_3] : memref<400x128xf32, #tpu.memory_space<vmem>>, vector<400x128xf32>
    %add3A = arith.addf %get3A_1, %get3A_4 : vector<400x128xf32>
    %get3A_5 = arith.constant 0 : index
    %get3A_6 = arith.constant 0 : index
    %get3A_7 = vector.load %arg3[%get3A_5, %get3A_6] : memref<400x128xf32, #tpu.memory_space<vmem>>, vector<400x128xf32>
    %get3A_8 = arith.constant 0 : index
    %get3A_9 = arith.constant 0 : index
    %get3A_10 = vector.load %arg4[%get3A_8, %get3A_9] : memref<400x128xf32, #tpu.memory_space<vmem>>, vector<400x128xf32>
    %add3A_11 = arith.addf %get3A_7, %get3A_10 : vector<400x128xf32>
    %add3A_12 = arith.constant 1.000000e-16 : f32
    %add3A_13 = vector.broadcast %add3A_12 : f32 to vector<400x128xf32>
    %add3A_14 = arith.addf %add3A_11, %add3A_13 : vector<400x128xf32>
    %div3A = arith.divf %add3A, %add3A_14 : vector<400x128xf32>
    %get3A_15 = arith.constant 0 : index
    %get3A_16 = arith.constant 0 : index
    %get3A_17 = vector.load %arg6[%get3A_15, %get3A_16] : memref<1x128xf32, #tpu.memory_space<vmem>>, vector<1x128xf32>
    %add3A_18 = vector.broadcast %get3A_17 : vector<1x128xf32> to vector<400x128xf32>
    %add3A_19 = arith.addf %div3A, %add3A_18 : vector<400x128xf32>
    %max3A = arith.constant 0.000000e+00 : f32
    %max3A_20 = vector.broadcast %max3A : f32 to vector<400x128xf32>
    %max3A_21 = arith.maximumf %add3A_19, %max3A_20 : vector<400x128xf32>
    %get3A_22 = arith.constant 0 : index
    %get3A_23 = arith.constant 0 : index
    %get3A_24 = arith.constant 0 : index
    %get3A_25 = vector.load %arg5[%get3A_22, %get3A_23, %get3A_24] : memref<1x1x400xi32, #tpu.memory_space<vmem>>, vector<1x1x400xi32>
    %get3A_26 = vector.shape_cast %get3A_25 : vector<1x1x400xi32> to vector<1x400xi32>
    %iota3A = tpu.iota {dimensions = array<i32: 0>} : vector<16x400xi32>
    %eq3A = vector.broadcast %get3A_26 : vector<1x400xi32> to vector<16x400xi32>
    %eq3A_27 = arith.cmpi eq, %iota3A, %eq3A : vector<16x400xi32>
    %convert_element_type3A = arith.extui %eq3A_27 : vector<16x400xi1> to vector<16x400xi32>
    %convert_element_type3A_28 = arith.sitofp %convert_element_type3A : vector<16x400xi32> to vector<16x400xf32>
    %dot_general3A = arith.constant dense<0.000000e+00> : vector<16x128xf32>
    %dot_general3A_29 = tpu.matmul %convert_element_type3A_28, %max3A_21, %dot_general3A {dimension_numbers = #tpu.dot_dimension_numbers<[1], [0], [0], [1], [0, 0, 1, 1], [], []>, transpose_lhs_hint = false} : vector<16x400xf32>, vector<400x128xf32>, vector<16x128xf32> -> vector<16x128xf32>
    %reduce_sum3A = arith.constant dense<0.000000e+00> : vector<16xf32>
    %reduce_sum3A_30 = vector.multi_reduction <add>, %convert_element_type3A_28, %reduce_sum3A [1] : vector<16x400xf32> to vector<16xf32>
    %broadcast_in_dim3A = vector.shape_cast %reduce_sum3A_30 : vector<16xf32> to vector<16x1xf32>
    %broadcast_in_dim3A_31 = vector.shape_cast %broadcast_in_dim3A : vector<16x1xf32> to vector<16x1xf32>
    %broadcast_in_dim3A_32 = vector.broadcast %broadcast_in_dim3A_31 : vector<16x1xf32> to vector<16x128xf32>
    %eq3A_33 = arith.constant 0 : i32
    %eq3A_34 = arith.cmpi eq, %arg0, %eq3A_33 : i32
    %convert_element_type3A_35 = arith.extui %eq3A_34 : i1 to i32
    %cond3A = arith.constant 0 : i32
    %cond3A_36 = arith.cmpi ne, %convert_element_type3A_35, %cond3A : i32
    scf.if %cond3A_36 {
      %broadcast_in_dim3A_50 = arith.constant 0.000000e+00 : f32
      %broadcast_in_dim3A_51 = vector.broadcast %broadcast_in_dim3A_50 : f32 to vector<16x128xf32>
      %swap3A_52 = arith.constant 0 : index
      %swap3A_53 = arith.constant 0 : index
      %swap3A_54 = vector.load %arg7[%swap3A_52, %swap3A_53] : memref<16x128xf32, #tpu.memory_space<vmem>>, vector<16x128xf32>
      tpu.vector_store %arg7[%swap3A_52, %swap3A_53], %broadcast_in_dim3A_51 {strides = array<i32>} : memref<16x128xf32, #tpu.memory_space<vmem>>, vector<16x128xf32>,
      %broadcast_in_dim3A_55 = arith.constant 0.000000e+00 : f32
      %broadcast_in_dim3A_56 = vector.broadcast %broadcast_in_dim3A_55 : f32 to vector<16x128xf32>
      %swap3A_57 = arith.constant 0 : index
      %swap3A_58 = arith.constant 0 : index
      %swap3A_59 = vector.load %arg8[%swap3A_57, %swap3A_58] : memref<16x128xf32, #tpu.memory_space<vmem>>, vector<16x128xf32>
      tpu.vector_store %arg8[%swap3A_57, %swap3A_58], %broadcast_in_dim3A_56 {strides = array<i32>} : memref<16x128xf32, #tpu.memory_space<vmem>>, vector<16x128xf32>,
    } else {
    }
    %get3A_37 = arith.constant 0 : index
    %get3A_38 = arith.constant 0 : index
    %get3A_39 = vector.load %arg7[%get3A_37, %get3A_38] : memref<16x128xf32, #tpu.memory_space<vmem>>, vector<16x128xf32>
    %add3A_40 = arith.addf %get3A_39, %dot_general3A_29 : vector<16x128xf32>
    %swap3A = arith.constant 0 : index
    %swap3A_41 = arith.constant 0 : index
    %swap3A_42 = vector.load %arg7[%swap3A, %swap3A_41] : memref<16x128xf32, #tpu.memory_space<vmem>>, vector<16x128xf32>
    tpu.vector_store %arg7[%swap3A, %swap3A_41], %add3A_40 {strides = array<i32>} : memref<16x128xf32, #tpu.memory_space<vmem>>, vector<16x128xf32>,
    %get3A_43 = arith.constant 0 : index
    %get3A_44 = arith.constant 0 : index
    %get3A_45 = vector.load %arg8[%get3A_43, %get3A_44] : memref<16x128xf32, #tpu.memory_space<vmem>>, vector<16x128xf32>
    %add3A_46 = arith.addf %get3A_45, %broadcast_in_dim3A_32 : vector<16x128xf32>
    %swap3A_47 = arith.constant 0 : index
    %swap3A_48 = arith.constant 0 : index
    %swap3A_49 = vector.load %arg8[%swap3A_47, %swap3A_48] : memref<16x128xf32, #tpu.memory_space<vmem>>, vector<16x128xf32>
    tpu.vector_store %arg8[%swap3A_47, %swap3A_48], %add3A_46 {strides = array<i32>} : memref<16x128xf32, #tpu.memory_space<vmem>>, vector<16x128xf32>,
    return
  }
  func.func @transform_0(%arg0: i32) -> (i32, i32) {
    %c0_i32 = arith.constant 0 : i32
    %c0_i32_0 = arith.constant 0 : i32
    return %arg0, %c0_i32 : i32, i32
  }
  func.func @transform_1(%arg0: i32) -> (i32, i32) {
    %c0_i32 = arith.constant 0 : i32
    %c0_i32_0 = arith.constant 0 : i32
    return %arg0, %c0_i32 : i32, i32
  }
  func.func @transform_2(%arg0: i32) -> (i32, i32) {
    %c0_i32 = arith.constant 0 : i32
    %c0_i32_0 = arith.constant 0 : i32
    return %arg0, %c0_i32 : i32, i32
  }
  func.func @transform_3(%arg0: i32) -> (i32, i32) {
    %c0_i32 = arith.constant 0 : i32
    %c0_i32_0 = arith.constant 0 : i32
    return %arg0, %c0_i32 : i32, i32
  }
  func.func @transform_4(%arg0: i32) -> (i32, i32, i32) {
    %c0_i32 = arith.constant 0 : i32
    %c0_i32_0 = arith.constant 0 : i32
    %c0_i32_1 = arith.constant 0 : i32
    return %arg0, %c0_i32, %c0_i32_0 : i32, i32, i32
  }
  func.func @transform_5(%arg0: i32) -> (i32, i32) {
    %c0_i32 = arith.constant 0 : i32
    %c0_i32_0 = arith.constant 0 : i32
    %c0_i32_1 = arith.constant 0 : i32
    return %c0_i32, %c0_i32_0 : i32, i32
  }
  func.func @transform_6(%arg0: i32) -> (i32, i32) {
    %c0_i32 = arith.constant 0 : i32
    %c0_i32_0 = arith.constant 0 : i32
    %c0_i32_1 = arith.constant 0 : i32
    return %c0_i32, %c0_i32_0 : i32, i32
  }
  func.func @transform_7(%arg0: i32) -> (i32, i32) {
    %c0_i32 = arith.constant 0 : i32
    %c0_i32_0 = arith.constant 0 : i32
    %c0_i32_1 = arith.constant 0 : i32
    return %c0_i32, %c0_i32_0 : i32, i32
  }
}

</mosaic_0001>

<sc_bundles>
// kernel: kernel.12.cloned.1.call-start
scs
__scs_entry_jumppad:
0x0: {  	(pc) =	sbr.rel $0x88, $3  }
0x1: {  	(tag) =	ssettag $0x0;
	lr =	simm.s32 $0x1  }
0x2: {  	[smem:$0x3F96] =	sst lr;
	_ =	strace $0xD0000000  }
0x3: {  	_ = 	snop  }
0x4: {  	_ = 	snop  }
0x5: {  	_ = 	snop  }
0x6: {  	_ = 	snop  }
0x7: {  	_ = 	snop  }
__scs_overlays_trampoline_lowered:
0x8: {  	[smem:$0x3FA5] =	sst s0  }
0x9: {  	[smem:$0x3FA6] =	sst s1  }
0xa: {  	[smem:$0x3FA7] =	sst s2  }
0xb: {  	[smem:$0x3FA8] =	sst s3  }
0xc: {  	[smem:$0x3FA9] =	sst s4  }
0xd: {  	[smem:$0x3FAA] =	sst s5  }
0xe: {  	[smem:$0x3FAB] =	sst s6  }
0xf: {  	[smem:$0x3FAC] =	sst s7  }
0x10: {  	[smem:$0x3FAD] =	sst s8  }
0x11: {  	[smem:$0x3FAE] =	sst s9;
	s0 =	simm.s32 @!p0 $0x0  }
0x12: {  	s1 =	sld [smem:$0x3F94];
	s0 =	simm.s32 @p0 $0x1  }
0x13: {  	[smem:$0x3FAF] =	sst s0;
	s0 =	simm.s32 @!p1 $0x0  }
0x14: {  	s2 =	sld [smem:$0x3F93];
	s0 =	simm.s32 @p1 $0x1  }
0x15: {  	[smem:$0x3FB0] =	sst s0;
	s0 =	simm.s32 @!p2 $0x0  }
0x16: {  	s3 =	sld [smem:$0x3FDB];
	s0 =	simm.s32 @p2 $0x1  }
0x17: {  	s4 =	simm.s32 $0x1BF5;
	[smem:$0x3FB2] =	sst s0  }
0x18: {  	s0 =	sld [smem:$0x3F95];
	_ =	swait.ge [sflag:s4], $0x0  }
0x19: {  	s7 =	sld [smem:$0x3F96]  }
0x1a: {  	s8 =	sadd.s32 $0xFFFFE003, lr  }
0x1b: {  	s9 =	sadd.s32 $0xFFFFFEF7, lr;
	s5 =	simm.s32 $0xFFFFFFFF;
	p2 =	slt.u32 s8, $0xFFFFF086  }
0x1c: {  	p1 =	slt.u32 s9, $0xF7A;
	s5 =	simm.s32 @!p2 $0x0  }
0x1d: {  	s5 =	simm.s32 @p1 $0x1;
	p0 =	seq.s32 s7, s2  }
0x1e: {  	s7 =	smul.u32 @!p0 $0xF7A, s2;
	p2 =	seq.s32 @!p0 s5, $0x0  }
0x1f: {  	s9 =	smul.u32 $0xF7A, s1;
	s8 =	simm.s32 @!p0 $0x1BF5;
	p2 =	por !p2, p0  }
0x20: {  	[sflag:s8] =	ssyncset.s32 @!p0 $0xFFFFF086;
	s6 =	sadd.s32 @!p0 s3, s7;
	s7 =	simm.s32 @!p0 $0x108  }
0x21: {  	s3 =	sadd.s32 s3, s9;
	s6 =	sadd.s32 @!p0 $0x88, s6;
	s7 =	simm.s32 @p2 $0x1082  }
0x22: {  	[simem:s7], [sflag:s8] =	dma.local @!p0 [hbm:s6], $0xF7A  }
0x23: {  	s9 =	sor.u32 $0xD0000000, s2;
	s6 =	simm.s32 $0x108;
	_ =	swait.ge @!p0 [sflag:s8], $0x0  }
0x24: {  	s3 =	sadd.s32 $0x88, s3;
	s6 =	simm.s32 @!p1 $0x1082;
	[sflag:s4] =	ssyncset.s32 $0xFFFFF086  }
0x25: {  	[simem:s6], [sflag:s4] =	dma.local [hbm:s3], $0xF7A  }
0x26: {  	[smem:$0x3F96] =	sst s1;
	(tag) =	ssettag s2;
	_ =	strace s9  }
0x27: {  	s1 =	sld [smem:$0x3FA6]  }
0x28: {  	s2 =	sld [smem:$0x3FA7]  }
0x29: {  	s4 =	sld [smem:$0x3FA9]  }
0x2a: {  	p0 =	seq.s32 s5, $0x0;
	s5 =	sld [smem:$0x3FAA]  }
0x2b: {  	s6 =	sld [smem:$0x3FAB]  }
0x2c: {  	s7 =	sld [smem:$0x3FAC]  }
0x2d: {  	s3 =	simm.s32 $0x108;
	s8 =	sld [smem:$0x3FAD]  }
0x2e: {  	s3 =	simm.s32 @!p0 $0x1082;
	s9 =	sld [smem:$0x3FAE]  }
0x2f: {  	lr =	sadd.s32 s0, s3;
	s0 =	sld [smem:$0x3FA5]  }
0x30: {  	s3 =	sld [smem:$0x3FA8]  }
0x31: {  	[smem:$0x3FB1] =	sst s10  }
0x32: {  	s10 =	sld [smem:$0x3FAF];
	_ =	sdelay $0x3  }
0x33: {  	p0 =	seq.s32 s10, $0x1;
	s10 =	sld [smem:$0x3FB1];
	_ =	sdelay $0x3  }
0x34: {  	[smem:$0x3FB1] =	sst s10  }
0x35: {  	s10 =	sld [smem:$0x3FB0];
	_ =	sdelay $0x3  }
0x36: {  	p1 =	seq.s32 s10, $0x1;
	s10 =	sld [smem:$0x3FB1];
	_ =	sdelay $0x3  }
0x37: {  	[smem:$0x3FB1] =	sst s10  }
0x38: {  	s10 =	sld [smem:$0x3FB2]  }
0x39: {  	_ = 	snop;
	(pc) =	sbr.ind lr, $3  }
0x3a: {  	_ = 	snop  }
0x3b: {  	_ = 	snop  }
0x3c: {  	p2 =	seq.s32 s10, $0x1;
	s10 =	sld [smem:$0x3FB1]  }
0x3d: {  	_ =	shalt  }
0x3e: {  	_ =	shalt  }
0x3f: {  	_ =	shalt  }
0x40: {  	_ =	shalt  }
0x41: {  	_ =	shalt  }
0x42: {  	_ =	shalt  }
0x43: {  	_ =	shalt  }
0x44: {  	_ =	shalt  }
0x45: {  	_ =	shalt  }
0x46: {  	_ =	shalt  }
0x47: {  	_ =	shalt  }
0x48: {  	_ =	shalt  }
0x49: {  	_ =	shalt  }
0x4a: {  	_ =	shalt  }
0x4b: {  	_ =	shalt  }
0x4c: {  	_ =	shalt  }
0x4d: {  	_ =	shalt  }
0x4e: {  	_ =	shalt  }
0x4f: {  	_ =	shalt  }
0x50: {  	_ =	shalt  }
0x51: {  	_ =	shalt  }
0x52: {  	_ =	shalt  }
0x53: {  	_ =	shalt  }
0x54: {  	_ =	shalt  }
0x55: {  	_ =	shalt  }
0x56: {  	_ =	shalt  }
0x57: {  	_ =	shalt  }
0x58: {  	_ =	shalt  }
0x59: {  	_ =	shalt  }
0x5a: {  	_ =	shalt  }
0x5b: {  	_ =	shalt  }
0x5c: {  	_ =	shalt  }
0x5d: {  	_ =	shalt  }
0x5e: {  	_ =	shalt  }
0x5f: {  	_ =	shalt  }
0x60: {  	_ =	shalt  }
0x61: {  	_ =	shalt  }
0x62: {  	_ =	shalt  }
0x63: {  	_ =	shalt  }
0x64: {  	_ =	shalt  }
0x65: {  	_ =	shalt  }
0x66: {  	_ =	shalt  }
0x67: {  	_ =	shalt  }
0x68: {  	_ =	shalt  }
0x69: {  	_ =	shalt  }
0x6a: {  	_ =	shalt  }
0x6b: {  	_ =	shalt  }
0x6c: {  	_ =	shalt  }
0x6d: {  	_ =	shalt  }
0x6e: {  	_ =	shalt  }
0x6f: {  	_ =	shalt  }
0x70: {  	_ =	shalt  }
0x71: {  	_ =	shalt  }
0x72: {  	_ =	shalt  }
0x73: {  	_ =	shalt  }
0x74: {  	_ =	shalt  }
0x75: {  	_ =	shalt  }
0x76: {  	_ =	shalt  }
0x77: {  	_ =	shalt  }
0x78: {  	_ =	shalt  }
0x79: {  	_ =	shalt  }
0x7a: {  	_ =	shalt  }
0x7b: {  	_ =	shalt  }
0x7c: {  	_ =	shalt  }
0x7d: {  	_ =	shalt  }
0x7e: {  	_ =	shalt  }
0x7f: {  	_ =	shalt  }
0x80: {  	_ =	shalt  }
0x81: {  	_ =	shalt  }
0x82: {  	_ =	shalt  }
0x83: {  	_ =	shalt  }
0x84: {  	_ =	shalt  }
0x85: {  	_ =	shalt  }
0x86: {  	_ =	shalt  }
0x87: {  	_ =	shalt  }
.Lfunc_end0:
.L_simem_size_0:
called_computation.1_lowered:
.L_overlay_start_0:
0x88: {  	s2 =	sld [smem:$0x3FD9]  }
0x89: {  	s3 =	sld [smem:$0x3FFE];
	_ =	sdelay $0x1  }
0x8a: {  	s1 =	srdreg.scid  }
0x8b: {  	s0 =	sand.u32 $0x1, s1  }
0x8c: {  	s17 =	sshll.u32 s0, $0xA;
	s2 =	sadd.s32 s3, s2  }
0x8d: {  	s2 =	sadd.s32 s2, s17  }
0x8e: {  	[smem:$0x3FBD] =	sst s2  }
0x8f: {  	_ = 	snop  }
0x90: {  	(tm) =	ssettm $0x1  }
0x91: {  	s18 =	sld [smem:$0x3FFB];
	_ =	sdelay $0x3  }
0x92: {  	_ =	strace s18  }
0x93: {  	s2 =	sld [smem:$0x3FFC];
	_ =	sdelay $0x3  }
0x94: {  	_ =	strace s2  }
0x95: {  	s2 =	sld [smem:$0x3FFD];
	_ =	sdelay $0x3  }
0x96: {  	_ =	strace s2  }
0x97: {  	_ =	strace $0x8FFFFFFF  }
0x98: {  	s19 =	sld [smem:$0x3FDB];
	_ =	sdelay $0x1  }
0x99: {  	s20 =	simm.s32 $_scs_section_size  }
0x9a: {  	s4 =	simm.s32 $_size__tile_overlayer_lowered;
	s5 =	simm.s32 $_tile_overlayer_lowered  }
0x9b: {  	s6 =	simm.s32 $0x1BFF;
	s21 =	sshll.u32 s5, $0x1;
	s3 =	sadd.s32 s20, s19  }
0x9c: {  	s22 =	simm.s32 $0x0;
	s4 =	sshll.u32 s4, $0x1;
	s5 =	sadd.s32 s21, s3  }
0x9d: {  	[timem:s22], [sflag:s6] =	dma.local [hbm:s5], s4  }
0x9e: {  	_ =	swait.ge [sflag:s6], s4  }
0x9f: {  	s4 =	ssub.s32 $0x0, s4;
	[sflag:s6] =	ssyncset.done $0x0  }
0xa0: {  	[sflag:s6] =	ssyncadd.s32 s4;
	_ =	sdelay $0x1  }
0xa1: {  	s23 =	simm.s32 $0x1B8B  }
0xa2: {  	_ =	swait.ge [sflag:s23], $0x1  }
0xa3: {  	[sflag:s23] =	ssyncset.done $0x0  }
0xa4: {  	[sflag:s23] =	ssyncadd.s32 $0xFFFFFFFF  }
0xa5: {  	s4 =	sld [smem:$0x0]  }
0xa6: {  	s5 =	sand.u32 $0xFFFFFFFE, s1  }
0xa7: {  	p0 =	sne.s32 s1, s5  }
0xa8: {  	s5 =	sshll.u32 @p0 s5, $0xE  }
0xa9: {  	s5 =	sadd.s32 @p0 $0x11B8D, s5;
	s6 =	sshll.u32 @p0 s4, $0x11  }
0xaa: {  	s5 =	sor.u32 @p0 s6, s5  }
0xab: {  	[sflag:s5] =	ssyncadd.remote.s32 @p0 $0x1;
	_ =	sdelay $0x1  }
0xac: {  	s5 =	simm.s32 @p0 $0x1B8D  }
0xad: {  	_ =	swait.eq @p0 [sflag:s5], $0x1  }
0xae: {  	[sflag:s5] =	ssyncadd.s32 @p0 $0xFFFFFFFF  }
0xaf: {  	s6 =	sshll.u32 @!p0 s1, $0xE  }
0xb0: {  	s6 =	sor.u32 @!p0 $0x4000, s6;
	s5 =	simm.s32 @!p0 $0x1B8D  }
0xb1: {  	s4 =	sshll.u32 @!p0 s4, $0x11;
	s6 =	sadd.s32 @!p0 $0x11B8D, s6;
	_ =	swait.eq @!p0 [sflag:s5], $0x1  }
0xb2: {  	s4 =	sor.u32 @!p0 s4, s6;
	[sflag:s5] =	ssyncadd.s32 @!p0 $0xFFFFFFFF  }
0xb3: {  	s25 =	simm.s32 $0x1B8E;
	s24 =	sld [smem:$0x3FFE];
	[sflag:s4] =	ssyncadd.remote.s32 @!p0 $0x1  }
0xb4: {  	s26 =	simm.s32 $execute0_lowered;
	[smem:$0x3FD2] =	sst s25  }
0xb5: {  	s5 =	sshll.u32 s26, $0x1;
	_ =	strace $0x80000049;
	[dreg:$0x1] =	wrdreg $0xFFFFFFFF  }
0xb6: {  	s28 =	simm.s32 $_size_execute0_lowered;
	s3 =	sadd.s32 s3, s5;
	[dreg:$0x0] =	wrdreg $0x0  }
0xb7: {  	s5 =	sshll.u32 s28, $0x1;
	[dreg:$0x2] =	wrdreg s3  }
0xb8: {  	[dreg:$0x3] =	wrdreg s5  }
0xb9: {  	[dreg:$0x4] =	wrdreg $0xC0  }
0xba: {  	_ =	task [dreg:s22], $0x5FFFF  }
0xbb: {  	[dreg:$0x1] =	wrdreg $0xFFFFFFFF  }
0xbc: {  	[dreg:$0x0] =	wrdreg $0x60  }
0xbd: {  	[dreg:$0x2] =	wrdreg s24  }
0xbe: {  	[dreg:$0x3] =	wrdreg $0xA  }
0xbf: {  	_ =	task.clear_ibuf [dreg:s22], $0x4FFFF;
	_ =	strace $0x90000049  }
0xc0: {  	s29 =	simm.s32 $0xA;
	_ =	strace $0x8000004B  }
0xc1: {  	_ =	swait.ge [sflag:s29], $0x1  }
0xc2: {  	[sflag:s29] =	ssyncadd.s32 $0xFFFFFFFF  }
0xc3: {  	_ =	strace $0x9000004B  }
0xc4: {  	_ =	sfence  }
0xc5: {  	s30 =	sld [smem:$0x0];
	_ =	sdelay $0x2  }
0xc6: {  	s31 =	sshll.u32 s1, $0xD;
	s1 =	sshrl.u32 s1, $0x2  }
0xc7: {  	s4 =	sand.u32 $0x4000, s31;
	s1 =	sadd.s32 s1, s30  }
0xc8: {  	s0 =	sor.u32 s4, s0;
	s1 =	sshll.u32 s1, $0x11  }
0xc9: {  	s0 =	sor.u32 s1, s0  }
0xca: {  	s0 =	sadd.s32 $0x8F2B, s0  }
0xcb: {  	[sflag:s0] =	ssyncadd.remote.s32 $0x1  }
0xcc: {  	_ =	sfence.sel $0xFFFF  }
0xcd: {  	[dreg:$0x0] =	wrdreg $0xFFFFFFFF;
	(pc) =	sbr.abs _section_cstart, $3  }
0xce: {  	[dreg:$0x1] =	wrdreg $0xFFFFFFFF  }
0xcf: {  	_ =	task.clear_ibuf [dreg:s22], $0x2FFFF;
	_ =	strace $0x9FFFFFFF  }
0xd0: {  	(tm) =	ssettm $0x7FFFFFFF  }
0xd1: {  	_ =	shalt  }
tec
execute0_lowered:
.L_overlay_start_1:
0x0: {  	(tag) =	ssettag $0x1  }
0x1: {  	s0 =	srdreg.scid  }
0x2: {  	s10 =	stileid.u32;
	s1 =	rddreg [dreg:$0x0];
	s2 =	simm.s32 $0x0  }
0x3: {  	s16 =	simm.s32 $0x80;
	s17 =	simm.s32 $0x5800;
	s18 =	simm.s32 $0x11800  }
0x4: {  	s19 =	simm.s32 $0x9800;
	s28 =	simm.s32 $0x5;
	s29 =	simm.s32 $0x3  }
0x5: {  	s30 =	simm.s32 $0x6;
	s0 =	sand.u32 $0x1, s0;
	s6 =	smul.u32 $0x2A0000, s10  }
0x6: {  	s3 =	sshll.u32 s10, $0x1;
	s4 =	sadd.s32 $0x586E00, s1;
	s25 =	smul.u32 $0x54000, s10  }
0x7: {  	[smem:$0x7FF] =	sst s2;
	s13 =	sadd.s32 $0xF06400, s1;
	s7 =	smul.u32 $0x150000, s0  }
0x8: {  	s3 =	sor.u32 s0, s3;
	s8 =	ssub.s32 $0x2, s0;
	s0 =	smul.u32 $0x2A000, s0  }
0x9: {  	s20 =	simm.s32 $0xB;
	_ =	strace $0x8000004A;
	s5 =	smul.u32 $0x580, s3  }
0xa: {  	s3 =	sadd.s32 $0x55FC00, s1;
	s9 =	sshrl.u32 s8, $0x1;
	s31 =	sadd.s32 s25, s13  }
0xb: {  	s6 =	sadd.s32 s7, s6;
	s21 =	ssub.s32 s8, s9;
	s10 =	sadd.s32 s0, s31  }
0xc: {  	s5 =	sadd.s32 s5, s1;
	s1 =	sadd.s32 $0x1446400, s1;
	s22 =	sor.u32 $0x4000, s6  }
0xd: {  	s7 =	smax.u32 s21, $0x1;
	s26 =	sor.u32 $0x8000, s6;
	s21 =	simm.s32 $0x15800  }
0xe: {  	s23 =	sadd.s32 $0x3800, s5;
	s5 =	sadd.s32 $0x554C00, s5;
	s24 =	sshrl.u32 s22, $0x3  }
0xf: {  	[dreg:$0x4] =	wrdreg s7;
	s7 =	sadd.s32 s25, s1;
	s22 =	simm.s32 $0x1  }
.Ltmp0:
0x10: {  	s25 =	simm.s32 $0x19800;
	[dreg:$0x2] =	wrdreg s23;
	(pc) =	sbr.rel .LBB2_1-.Ltmp0, $4  }
0x11: {  	[dreg:$0x3] =	wrdreg s5;
	s8 =	sadd.s32 s24, s1;
	s9 =	sadd.s32 s24, s13  }
0x12: {  	s5 =	sshrl.u32 s26, $0x3;
	s11 =	sadd.s32 s0, s7;
	s23 =	simm.s32 $0x4  }
0x13: {  	s24 =	simm.s32 $0xD800;
	s26 =	simm.s32 $0x2;
	s0 =	simm.s32 $0x8  }
0x14: {  	s7 =	simm.s32 $0x0;
	s12 =	sadd.s32 s5, s1;
	s13 =	sadd.s32 s5, s13  }
.LBB2_4:
0x15: {  	s1 =	simm.s32 $0x7  }
0x16: {  	_ =	swait.ge [sflag:s1], $0x4000  }
0x17: {  	[sflag:s1] =	ssyncset.done $0x0  }
0x18: {  	s14 =	simm.s32 $0xA;
	[sflag:s1] =	ssyncadd.s32 $0xFFFFC000  }
0x19: {  	_ =	swait.ge [sflag:s14], $0x4000  }
0x1a: {  	[sflag:s14] =	ssyncset.done $0x0  }
0x1b: {  	[sflag:s14] =	ssyncadd.s32 $0xFFFFC000  }
0x1c: {  	_ =	swait.ge [sflag:s0], $0x4000  }
0x1d: {  	[sflag:s0] =	ssyncset.done $0x0  }
0x1e: {  	[sflag:s0] =	ssyncadd.s32 $0xFFFFC000  }
0x1f: {  	_ =	swait.ge [sflag:s20], $0x4000  }
0x20: {  	[sflag:s20] =	ssyncset.done $0x0  }
0x21: {  	s15 =	simm.s32 $0x9;
	[sflag:s20] =	ssyncadd.s32 $0xFFFFC000  }
0x22: {  	_ =	swait.ge [sflag:s15], $0x4000  }
0x23: {  	[sflag:s15] =	ssyncset.done $0x0  }
0x24: {  	s5 =	simm.s32 $0xC;
	[sflag:s15] =	ssyncadd.s32 $0xFFFFC000  }
0x25: {  	_ =	swait.ge [sflag:s5], $0x4000  }
0x26: {  	s7 =	sadd.s32 $0x1, s7;
	s31 =	rddreg [dreg:$0x4]  }
0x27: {  	p0 =	sne.s32 s7, s31  }
.Ltmp1:
0x28: {  	_ = 	snop;
	(pc) =	sbr.rel @!p0 .LBB2_5-.Ltmp1, $3  }
0x29: {  	_ =	sdelay $0x1  }
0x2a: {  	[sflag:s5] =	ssyncset.done $0x0  }
0x2b: {  	[sflag:s5] =	ssyncadd.s32 $0xFFFFC000  }
.LBB2_1:
0x2c: {  	s1 =	rddreg [dreg:$0x2];
	s5 =	simm.s32 $0xD  }
0x2d: {  	[tilespmem:s2], [sflag:$0xD] =	stream.linear.gather [hbm4b:s1+s2], $0x2A00, $0x38;
	[tilespmem:$0x1D800] =	vst v63  }
0x2e: {  	_ =	swait.ge [sflag:s5], $0x2A00  }
0x2f: {  	[sflag:s5] =	ssyncset.done $0x0  }
0x30: {  	s6 =	simm.s32 $0x2C00;
	s14 =	rddreg [dreg:$0x3];
	[sflag:s5] =	ssyncadd.s32 $0xFFFFD600  }
0x31: {  	[tilespmem:s6], [sflag:$0xD] =	stream.linear.gather [hbm4b:s14+s2], $0x2A00, $0x38;
	[tilespmem:$0x1D800] =	vst v63  }
0x32: {  	_ =	swait.ge [sflag:s5], $0x2A00  }
0x33: {  	[sflag:s5] =	ssyncset.done $0x0  }
0x34: {  	[sflag:s5] =	ssyncadd.s32 $0xFFFFD600  }
0x35: {  	[tilespmem:s17], [sflag:$0x1] =	stream.indirect.gather [hbm4b:s3+s16], $0x80, s2, s16, $0xb8;
	[tilespmem:$0x1D800] =	vst v63  }
0x36: {  	_ = 	snop  }
0x37: {  	[tilespmem:s18], [sflag:$0x4] =	stream.indirect.gather [hbm4b:s4+s16], $0x80, s6, s16, $0xb8;
	[tilespmem:$0x1D800] =	vst v63  }
0x38: {  	_ = 	snop  }
0x39: {  	[tilespmem:s19], [sflag:$0x2] =	stream.indirect.gather [hbm4b:s3+s16], $0x80, s16, s16, $0xb8;
	[tilespmem:$0x1D800] =	vst v63  }
0x3a: {  	s15 =	simm.s32 $0x2C80  }
0x3b: {  	[tilespmem:s21], [sflag:$0x5] =	stream.indirect.gather [hbm4b:s4+s16], $0x80, s15, s16, $0xb8;
	[tilespmem:$0x1D800] =	vst v63  }
0x3c: {  	s31 =	simm.s32 $0x200;
	s1 =	simm.s32 $0x0;
	s15 =	simm.s32 $0x2E00  }
.LBB2_2:
0x3d: {  	_ =	swait.ge [sflag:s22], $0x4000  }
0x3e: {  	[sflag:s22] =	ssyncset.done $0x0  }
0x3f: {  	[sflag:s22] =	ssyncadd.s32 $0xFFFFC000  }
0x40: {  	_ =	swait.ge [sflag:s23], $0x4000  }
0x41: {  	[sflag:s23] =	ssyncset.done $0x0  }
0x42: {  	s5 =	sadd.s32 s1, s10;
	p0 =	seq.s32 s1, $0x0;
	[sflag:s23] =	ssyncadd.s32 $0xFFFFC000  }
0x43: {  	[hbm4b:s5+s2] =	stream.linear.scatter [tilespmem:s17], [sflag:$0x7], $0x4000, $0x38;
	[tilespmem:$0x1D800] =	vst v63  }
0x44: {  	s14 =	sadd.s32 s1, s11;
	s5 =	simm.s32 @!p0 $0x9  }
0x45: {  	[hbm4b:s14+s2] =	stream.linear.scatter [tilespmem:s18], [sflag:$0xA], $0x4000, $0x38;
	[tilespmem:$0x1D800] =	vst v63  }
0x46: {  	_ =	swait.ge @!p0 [sflag:s5], $0x4000  }
0x47: {  	[sflag:s5] =	ssyncset.done @!p0 $0x0  }
0x48: {  	[sflag:s5] =	ssyncadd.s32 @!p0 $0xFFFFC000;
	s5 =	simm.s32 @!p0 $0xC  }
0x49: {  	_ =	swait.ge @!p0 [sflag:s5], $0x4000  }
0x4a: {  	[sflag:s5] =	ssyncset.done @!p0 $0x0  }
0x4b: {  	s6 =	sadd.s32 $0xFFFFFF00, s31;
	[sflag:s5] =	ssyncadd.s32 @!p0 $0xFFFFC000  }
0x4c: {  	[tilespmem:s24], [sflag:$0x3] =	stream.indirect.gather [hbm4b:s3+s16], $0x80, s6, s16, $0xb8;
	[tilespmem:$0x1D800] =	vst v63  }
0x4d: {  	s14 =	sadd.s32 $0xFFFFFF00, s15  }
0x4e: {  	[tilespmem:s25], [sflag:$0x6] =	stream.indirect.gather [hbm4b:s4+s16], $0x80, s14, s16, $0xb8;
	[tilespmem:$0x1D800] =	vst v63  }
0x4f: {  	_ =	swait.ge [sflag:s26], $0x4000  }
0x50: {  	[sflag:s26] =	ssyncset.done $0x0  }
0x51: {  	[sflag:s26] =	ssyncadd.s32 $0xFFFFC000  }
0x52: {  	_ =	swait.ge [sflag:s28], $0x4000  }
0x53: {  	[sflag:s28] =	ssyncset.done $0x0  }
0x54: {  	p0 =	seq.s32 s1, $0x28800;
	s6 =	sadd.s32 s1, s9;
	[sflag:s28] =	ssyncadd.s32 $0xFFFFC000  }
0x55: {  	[hbm4b:s6+s2] =	stream.linear.scatter [tilespmem:s19], [sflag:$0x8], $0x4000, $0x38;
	[tilespmem:$0x1D800] =	vst v63  }
0x56: {  	s5 =	simm.s32 @!p0 $0x7;
	s14 =	sadd.s32 s1, s8  }
0x57: {  	[hbm4b:s14+s2] =	stream.linear.scatter [tilespmem:s21], [sflag:$0xB], $0x4000, $0x38;
	[tilespmem:$0x1D800] =	vst v63  }
0x58: {  	_ =	swait.ge @!p0 [sflag:s5], $0x4000  }
0x59: {  	[sflag:s5] =	ssyncset.done @!p0 $0x0  }
0x5a: {  	[sflag:s5] =	ssyncadd.s32 @!p0 $0xFFFFC000;
	s5 =	simm.s32 @!p0 $0xA  }
0x5b: {  	_ =	swait.ge @!p0 [sflag:s5], $0x4000  }
0x5c: {  	s6 =	simm.s32 @!p0 $0x80;
	[sflag:s5] =	ssyncset.done @!p0 $0x0  }
0x5d: {  	s14 =	simm.s32 @!p0 $0x5800;
	[sflag:s5] =	ssyncadd.s32 @!p0 $0xFFFFC000;
	s5 =	sadd.s32 @!p0 $0xFFFFFF80, s31  }
0x5e: {  	[tilespmem:s14], [sflag:$0x1] =	stream.indirect.gather @!p0 [hbm4b:s3+s6], $0x80, s5, s6, $0xb8;
	[tilespmem:$0x1D800] =	vst v63  }
0x5f: {  	s5 =	sadd.s32 @!p0 $0xFFFFFF80, s15;
	s14 =	simm.s32 @!p0 $0x11800  }
0x60: {  	[tilespmem:s14], [sflag:$0x4] =	stream.indirect.gather @!p0 [hbm4b:s4+s6], $0x80, s5, s6, $0xb8;
	[tilespmem:$0x1D800] =	vst v63  }
0x61: {  	_ =	swait.ge [sflag:s29], $0x4000  }
0x62: {  	[sflag:s29] =	ssyncset.done $0x0  }
0x63: {  	[sflag:s29] =	ssyncadd.s32 $0xFFFFC000  }
0x64: {  	_ =	swait.ge [sflag:s30], $0x4000  }
.Ltmp2:
0x65: {  	[sflag:s30] =	ssyncset.done $0x0;
	(pc) =	sbr.rel @p0 .LBB2_4-.Ltmp2, $4  }
0x66: {  	s6 =	sadd.s32 s1, s13;
	[sflag:s30] =	ssyncadd.s32 $0xFFFFC000  }
0x67: {  	[hbm4b:s6+s2] =	stream.linear.scatter [tilespmem:s24], [sflag:$0x9], $0x4000, $0x38;
	[tilespmem:$0x1D800] =	vst v63  }
0x68: {  	s14 =	sadd.s32 s1, s12  }
0x69: {  	[hbm4b:s14+s2] =	stream.linear.scatter [tilespmem:s25], [sflag:$0xC], $0x4000, $0x38;
	[tilespmem:$0x1D800] =	vst v63  }
0x6a: {  	_ =	swait.ge [sflag:s0], $0x4000  }
0x6b: {  	[sflag:s0] =	ssyncset.done $0x0  }
0x6c: {  	[sflag:s0] =	ssyncadd.s32 $0xFFFFC000  }
0x6d: {  	_ =	swait.ge [sflag:s20], $0x4000  }
0x6e: {  	[sflag:s20] =	ssyncset.done $0x0  }
.Ltmp3:
0x6f: {  	[sflag:s20] =	ssyncadd.s32 $0xFFFFC000;
	(pc) =	sbr.rel .LBB2_2-.Ltmp3, $4  }
0x70: {  	[tilespmem:s19], [sflag:$0x2] =	stream.indirect.gather [hbm4b:s3+s16], $0x80, s31, s16, $0xb8;
	[tilespmem:$0x1D800] =	vst v63  }
0x71: {  	_ = 	snop  }
0x72: {  	[tilespmem:s21], [sflag:$0x5] =	stream.indirect.gather [hbm4b:s4+s16], $0x80, s15, s16, $0xb8;
	[tilespmem:$0x1D800] =	vst v63  }
0x73: {  	s1 =	sadd.s32 $0x1800, s1;
	s31 =	sadd.s32 $0x180, s31;
	s15 =	sadd.s32 $0x180, s15  }
.LBB2_5:
0x74: {  	_ =	sfence.sel $0x180000  }
0x75: {  	[bflag:$0x0] =	sbarrier.arrive $0xFFFF  }
0x76: {  	_ =	strace $0x9000004A  }
0x77: {  	s0 =	stileid.u32;
	[bflag:$0x2] =	sbarrier.arrive $0xFFFF  }
0x78: {  	p0 =	sne.s32 s0, $0x0;
	s0 =	rddreg [dreg:$0x1]  }
0x79: {  	s0 =	sadd.s32 @!p0 $0x100000, s0  }
0x7a: {  	[sflag:s0] =	ssyncadd.tile.s32 @!p0 $0x1;
	_ =	shalt  }
.Lfunc_end2:
_tile_overlayer_lowered:
.L_overlay_start_2:
0x7b: {  	(tag) =	ssettag $0x2  }
0x7c: {  	s0 =	rddreg [dreg:$0x0];
	s2 =	stileid.u32  }
0x7d: {  	s1 =	rddreg [dreg:$0x1];
	p0 =	sne.s32 s2, $0x0  }
0x7e: {  	s3 =	rddreg [dreg:$0x2];
	[bflag:$0x3] =	sbarrier.arrive $0xFFFF;
	s2 =	simm.s32 @!p0 $0x1C0D  }
0x7f: {  	[timem:s3], [sflag:s2] =	dma.local @!p0 [hbm:s0], s1  }
0x80: {  	s0 =	simm.s32 @!p0 $0xD  }
0x81: {  	_ =	swait.ge @!p0 [sflag:s0], s1  }
0x82: {  	s1 =	ssub.s32 @!p0 $0x0, s1;
	[sflag:s0] =	ssyncset.done @!p0 $0x0  }
0x83: {  	[sflag:s0] =	ssyncadd.s32 @!p0 s1  }
0x84: {  	[bflag:$0x3] =	sbarrier.arrive $0xFFFF  }
0x85: {  	_ =	shalt  }

// kernel: kernel.15.cloned.1.call-start
scs
__scs_entry_jumppad:
0x0: {  	(pc) =	sbr.rel $0x88, $3  }
0x1: {  	(tag) =	ssettag $0x0;
	lr =	simm.s32 $0x1  }
0x2: {  	[smem:$0x3F96] =	sst lr;
	_ =	strace $0xD0000000  }
0x3: {  	_ = 	snop  }
0x4: {  	_ = 	snop  }
0x5: {  	_ = 	snop  }
0x6: {  	_ = 	snop  }
0x7: {  	_ = 	snop  }
__scs_overlays_trampoline_lowered:
0x8: {  	[smem:$0x3FA5] =	sst s0  }
0x9: {  	[smem:$0x3FA6] =	sst s1  }
0xa: {  	[smem:$0x3FA7] =	sst s2  }
0xb: {  	[smem:$0x3FA8] =	sst s3  }
0xc: {  	[smem:$0x3FA9] =	sst s4  }
0xd: {  	[smem:$0x3FAA] =	sst s5  }
0xe: {  	[smem:$0x3FAB] =	sst s6  }
0xf: {  	[smem:$0x3FAC] =	sst s7  }
0x10: {  	[smem:$0x3FAD] =	sst s8  }
0x11: {  	[smem:$0x3FAE] =	sst s9;
	s0 =	simm.s32 @!p0 $0x0  }
0x12: {  	s1 =	sld [smem:$0x3F94];
	s0 =	simm.s32 @p0 $0x1  }
0x13: {  	[smem:$0x3FAF] =	sst s0;
	s0 =	simm.s32 @!p1 $0x0  }
0x14: {  	s2 =	sld [smem:$0x3F93];
	s0 =	simm.s32 @p1 $0x1  }
0x15: {  	[smem:$0x3FB0] =	sst s0;
	s0 =	simm.s32 @!p2 $0x0  }
0x16: {  	s3 =	sld [smem:$0x3FDB];
	s0 =	simm.s32 @p2 $0x1  }
0x17: {  	s4 =	simm.s32 $0x1BF5;
	[smem:$0x3FB2] =	sst s0  }
0x18: {  	s0 =	sld [smem:$0x3F95];
	_ =	swait.ge [sflag:s4], $0x0  }
0x19: {  	s7 =	sld [smem:$0x3F96]  }
0x1a: {  	s8 =	sadd.s32 $0xFFFFE003, lr  }
0x1b: {  	s9 =	sadd.s32 $0xFFFFFEF7, lr;
	s5 =	simm.s32 $0xFFFFFFFF;
	p2 =	slt.u32 s8, $0xFFFFF086  }
0x1c: {  	p1 =	slt.u32 s9, $0xF7A;
	s5 =	simm.s32 @!p2 $0x0  }
0x1d: {  	s5 =	simm.s32 @p1 $0x1;
	p0 =	seq.s32 s7, s2  }
0x1e: {  	s7 =	smul.u32 @!p0 $0xF7A, s2;
	p2 =	seq.s32 @!p0 s5, $0x0  }
0x1f: {  	s9 =	smul.u32 $0xF7A, s1;
	s8 =	simm.s32 @!p0 $0x1BF5;
	p2 =	por !p2, p0  }
0x20: {  	[sflag:s8] =	ssyncset.s32 @!p0 $0xFFFFF086;
	s6 =	sadd.s32 @!p0 s3, s7;
	s7 =	simm.s32 @!p0 $0x108  }
0x21: {  	s3 =	sadd.s32 s3, s9;
	s6 =	sadd.s32 @!p0 $0x88, s6;
	s7 =	simm.s32 @p2 $0x1082  }
0x22: {  	[simem:s7], [sflag:s8] =	dma.local @!p0 [hbm:s6], $0xF7A  }
0x23: {  	s9 =	sor.u32 $0xD0000000, s2;
	s6 =	simm.s32 $0x108;
	_ =	swait.ge @!p0 [sflag:s8], $0x0  }
0x24: {  	s3 =	sadd.s32 $0x88, s3;
	s6 =	simm.s32 @!p1 $0x1082;
	[sflag:s4] =	ssyncset.s32 $0xFFFFF086  }
0x25: {  	[simem:s6], [sflag:s4] =	dma.local [hbm:s3], $0xF7A  }
0x26: {  	[smem:$0x3F96] =	sst s1;
	(tag) =	ssettag s2;
	_ =	strace s9  }
0x27: {  	s1 =	sld [smem:$0x3FA6]  }
0x28: {  	s2 =	sld [smem:$0x3FA7]  }
0x29: {  	s4 =	sld [smem:$0x3FA9]  }
0x2a: {  	p0 =	seq.s32 s5, $0x0;
	s5 =	sld [smem:$0x3FAA]  }
0x2b: {  	s6 =	sld [smem:$0x3FAB]  }
0x2c: {  	s7 =	sld [smem:$0x3FAC]  }
0x2d: {  	s3 =	simm.s32 $0x108;
	s8 =	sld [smem:$0x3FAD]  }
0x2e: {  	s3 =	simm.s32 @!p0 $0x1082;
	s9 =	sld [smem:$0x3FAE]  }
0x2f: {  	lr =	sadd.s32 s0, s3;
	s0 =	sld [smem:$0x3FA5]  }
0x30: {  	s3 =	sld [smem:$0x3FA8]  }
0x31: {  	[smem:$0x3FB1] =	sst s10  }
0x32: {  	s10 =	sld [smem:$0x3FAF];
	_ =	sdelay $0x3  }
0x33: {  	p0 =	seq.s32 s10, $0x1;
	s10 =	sld [smem:$0x3FB1];
	_ =	sdelay $0x3  }
0x34: {  	[smem:$0x3FB1] =	sst s10  }
0x35: {  	s10 =	sld [smem:$0x3FB0];
	_ =	sdelay $0x3  }
0x36: {  	p1 =	seq.s32 s10, $0x1;
	s10 =	sld [smem:$0x3FB1];
	_ =	sdelay $0x3  }
0x37: {  	[smem:$0x3FB1] =	sst s10  }
0x38: {  	s10 =	sld [smem:$0x3FB2]  }
0x39: {  	_ = 	snop;
	(pc) =	sbr.ind lr, $3  }
0x3a: {  	_ = 	snop  }
0x3b: {  	_ = 	snop  }
0x3c: {  	p2 =	seq.s32 s10, $0x1;
	s10 =	sld [smem:$0x3FB1]  }
0x3d: {  	_ =	shalt  }
0x3e: {  	_ =	shalt  }
0x3f: {  	_ =	shalt  }
0x40: {  	_ =	shalt  }
0x41: {  	_ =	shalt  }
0x42: {  	_ =	shalt  }
0x43: {  	_ =	shalt  }
0x44: {  	_ =	shalt  }
0x45: {  	_ =	shalt  }
0x46: {  	_ =	shalt  }
0x47: {  	_ =	shalt  }
0x48: {  	_ =	shalt  }
0x49: {  	_ =	shalt  }
0x4a: {  	_ =	shalt  }
0x4b: {  	_ =	shalt  }
0x4c: {  	_ =	shalt  }
0x4d: {  	_ =	shalt  }
0x4e: {  	_ =	shalt  }
0x4f: {  	_ =	shalt  }
0x50: {  	_ =	shalt  }
0x51: {  	_ =	shalt  }
0x52: {  	_ =	shalt  }
0x53: {  	_ =	shalt  }
0x54: {  	_ =	shalt  }
0x55: {  	_ =	shalt  }
0x56: {  	_ =	shalt  }
0x57: {  	_ =	shalt  }
0x58: {  	_ =	shalt  }
0x59: {  	_ =	shalt  }
0x5a: {  	_ =	shalt  }
0x5b: {  	_ =	shalt  }
0x5c: {  	_ =	shalt  }
0x5d: {  	_ =	shalt  }
0x5e: {  	_ =	shalt  }
0x5f: {  	_ =	shalt  }
0x60: {  	_ =	shalt  }
0x61: {  	_ =	shalt  }
0x62: {  	_ =	shalt  }
0x63: {  	_ =	shalt  }
0x64: {  	_ =	shalt  }
0x65: {  	_ =	shalt  }
0x66: {  	_ =	shalt  }
0x67: {  	_ =	shalt  }
0x68: {  	_ =	shalt  }
0x69: {  	_ =	shalt  }
0x6a: {  	_ =	shalt  }
0x6b: {  	_ =	shalt  }
0x6c: {  	_ =	shalt  }
0x6d: {  	_ =	shalt  }
0x6e: {  	_ =	shalt  }
0x6f: {  	_ =	shalt  }
0x70: {  	_ =	shalt  }
0x71: {  	_ =	shalt  }
0x72: {  	_ =	shalt  }
0x73: {  	_ =	shalt  }
0x74: {  	_ =	shalt  }
0x75: {  	_ =	shalt  }
0x76: {  	_ =	shalt  }
0x77: {  	_ =	shalt  }
0x78: {  	_ =	shalt  }
0x79: {  	_ =	shalt  }
0x7a: {  	_ =	shalt  }
0x7b: {  	_ =	shalt  }
0x7c: {  	_ =	shalt  }
0x7d: {  	_ =	shalt  }
0x7e: {  	_ =	shalt  }
0x7f: {  	_ =	shalt  }
0x80: {  	_ =	shalt  }
0x81: {  	_ =	shalt  }
0x82: {  	_ =	shalt  }
0x83: {  	_ =	shalt  }
0x84: {  	_ =	shalt  }
0x85: {  	_ =	shalt  }
0x86: {  	_ =	shalt  }
0x87: {  	_ =	shalt  }
.Lfunc_end0:
.L_simem_size_0:
called_computation.2_lowered:
.L_overlay_start_0:
0x88: {  	s2 =	sld [smem:$0x3FD9]  }
0x89: {  	s3 =	sld [smem:$0x3FFE];
	_ =	sdelay $0x1  }
0x8a: {  	s1 =	srdreg.scid  }
0x8b: {  	s0 =	sand.u32 $0x1, s1  }
0x8c: {  	s16 =	sshll.u32 s0, $0xA;
	s2 =	sadd.s32 s3, s2  }
0x8d: {  	s2 =	sadd.s32 s2, s16  }
0x8e: {  	[smem:$0x3FBD] =	sst s2  }
0x8f: {  	_ = 	snop  }
0x90: {  	(tm) =	ssettm $0x1  }
0x91: {  	s17 =	sld [smem:$0x3FFB];
	_ =	sdelay $0x3  }
0x92: {  	_ =	strace s17  }
0x93: {  	s2 =	sld [smem:$0x3FFC];
	_ =	sdelay $0x3  }
0x94: {  	_ =	strace s2  }
0x95: {  	s2 =	sld [smem:$0x3FFD];
	_ =	sdelay $0x3  }
0x96: {  	_ =	strace s2  }
0x97: {  	_ =	strace $0x8FFFFFFF  }
0x98: {  	s18 =	sld [smem:$0x3FDB];
	_ =	sdelay $0x1  }
0x99: {  	s19 =	simm.s32 $_scs_section_size  }
0x9a: {  	s4 =	simm.s32 $_size__tile_overlayer_lowered;
	s5 =	simm.s32 $_tile_overlayer_lowered  }
0x9b: {  	s22 =	simm.s32 $0x1BFF;
	s21 =	sshll.u32 s5, $0x1;
	s2 =	sadd.s32 s19, s18  }
0x9c: {  	s6 =	simm.s32 $0x0;
	s20 =	sshll.u32 s4, $0x1;
	s4 =	sadd.s32 s21, s2  }
0x9d: {  	[timem:s6], [sflag:s22] =	dma.local [hbm:s4], s20  }
0x9e: {  	_ =	swait.ge [sflag:s22], s20  }
0x9f: {  	s3 =	ssub.s32 $0x0, s20;
	[sflag:s22] =	ssyncset.done $0x0  }
0xa0: {  	[sflag:s22] =	ssyncadd.s32 s3;
	_ =	sdelay $0x1  }
0xa1: {  	s23 =	simm.s32 $0x1B8B  }
0xa2: {  	_ =	swait.ge [sflag:s23], $0x1  }
0xa3: {  	[sflag:s23] =	ssyncset.done $0x0  }
0xa4: {  	s25 =	simm.s32 $0x1B8E;
	s24 =	sld [smem:$0x3FFE];
	[sflag:s23] =	ssyncadd.s32 $0xFFFFFFFF  }
0xa5: {  	s26 =	simm.s32 $execute0_lowered;
	[smem:$0x3FD2] =	sst s25  }
0xa6: {  	s4 =	sshll.u32 s26, $0x1;
	_ =	strace $0x8000004C;
	[dreg:$0x1] =	wrdreg $0xFFFFFFFF  }
0xa7: {  	s28 =	simm.s32 $_size_execute0_lowered;
	s2 =	sadd.s32 s2, s4;
	[dreg:$0x0] =	wrdreg $0x0  }
0xa8: {  	s4 =	sshll.u32 s28, $0x1;
	[dreg:$0x2] =	wrdreg s2  }
0xa9: {  	[dreg:$0x3] =	wrdreg s4  }
0xaa: {  	[dreg:$0x4] =	wrdreg $0xC0  }
0xab: {  	_ =	task [dreg:s6], $0x5FFFF  }
0xac: {  	[dreg:$0x1] =	wrdreg $0xFFFFFFFF  }
0xad: {  	[dreg:$0x0] =	wrdreg $0x60  }
0xae: {  	[dreg:$0x2] =	wrdreg s24  }
0xaf: {  	[dreg:$0x3] =	wrdreg $0xAC000  }
0xb0: {  	[dreg:$0x4] =	wrdreg $0x9  }
0xb1: {  	_ =	task.clear_ibuf [dreg:s6], $0x5FFFF;
	_ =	strace $0x9000004C  }
0xb2: {  	s29 =	simm.s32 $0x9;
	_ =	strace $0x8000004E  }
0xb3: {  	_ =	swait.ge [sflag:s29], $0x1  }
0xb4: {  	[sflag:s29] =	ssyncadd.s32 $0xFFFFFFFF  }
0xb5: {  	_ =	strace $0x9000004E  }
0xb6: {  	_ =	sfence  }
0xb7: {  	s30 =	sld [smem:$0x0];
	_ =	sdelay $0x2  }
0xb8: {  	s31 =	sshll.u32 s1, $0xD;
	s1 =	sshrl.u32 s1, $0x2  }
0xb9: {  	s3 =	sand.u32 $0x4000, s31;
	s1 =	sadd.s32 s1, s30  }
0xba: {  	s0 =	sor.u32 s3, s0;
	s1 =	sshll.u32 s1, $0x11  }
0xbb: {  	s0 =	sor.u32 s1, s0  }
0xbc: {  	s0 =	sadd.s32 $0x8F2B, s0  }
0xbd: {  	[sflag:s0] =	ssyncadd.remote.s32 $0x1  }
0xbe: {  	_ =	sfence.sel $0xFFFF  }
0xbf: {  	[dreg:$0x0] =	wrdreg $0xFFFFFFFF;
	(pc) =	sbr.abs _section_cstart, $3  }
0xc0: {  	[dreg:$0x1] =	wrdreg $0xFFFFFFFF  }
0xc1: {  	_ =	task.clear_ibuf [dreg:s6], $0x2FFFF;
	_ =	strace $0x9FFFFFFF  }
0xc2: {  	(tm) =	ssettm $0x7FFFFFFF  }
0xc3: {  	_ =	shalt  }
tec
execute0_lowered:
.L_overlay_start_1:
0x0: {  	(tag) =	ssettag $0x1  }
0x1: {  	s0 =	rddreg [dreg:$0x0];
	s1 =	srdreg.scid  }
0x2: {  	s21 =	stileid.u32;
	s2 =	rddreg [dreg:$0x1]  }
0x3: {  	s3 =	simm.s32 $0x0;
	s22 =	simm.s32 $0x5;
	s23 =	simm.s32 $0x6C00  }
0x4: {  	s28 =	simm.s32 $0x2;
	s29 =	simm.s32 $0x4;
	s5 =	smul.u32 $0x50000, s21  }
0x5: {  	s1 =	sand.u32 $0x1, s1;
	s4 =	sshll.u32 s21, $0x1;
	s9 =	smul.u32 $0x14000, s21  }
0x6: {  	[smem:$0x7FF] =	sst s3;
	s20 =	sadd.s32 $0x1986400, s0;
	s21 =	smul.u32 $0x2A0000, s21  }
0x7: {  	s24 =	sadd.s32 $0x504400, s0;
	s8 =	sor.u32 s1, s4;
	s16 =	smul.u32 $0x140000, s1  }
0x8: {  	_ =	strace $0x8000004D;
	s6 =	ssub.s32 $0x2, s1;
	s1 =	smul.u32 $0x150000, s1  }
0x9: {  	[dreg:$0x3] =	wrdreg s24;
	s24 =	simm.s32 $0x1;
	s4 =	smul.u32 $0x580, s8  }
0xa: {  	s7 =	sshrl.u32 s6, $0x1;
	s5 =	sshrl.u32 s5, $0x2;
	s14 =	sadd.s32 $0x4000, s9  }
0xb: {  	s15 =	sadd.s32 $0x8000, s9;
	s17 =	sadd.s32 $0xC000, s9;
	s10 =	smul.u32 $0x2A000, s8  }
0xc: {  	s19 =	sadd.s32 $0x10000, s9;
	s18 =	ssub.s32 s6, s7;
	s5 =	sadd.s32 s5, s2  }
0xd: {  	s6 =	sadd.s32 s14, s2;
	s7 =	sadd.s32 s15, s2;
	s8 =	sadd.s32 s17, s2  }
0xe: {  	s12 =	sadd.s32 s9, s16;
	s9 =	sadd.s32 s19, s2;
	s14 =	sadd.s32 s16, s14  }
0xf: {  	s15 =	sadd.s32 s16, s15;
	s17 =	sadd.s32 s16, s17;
	s19 =	sadd.s32 s16, s19  }
0x10: {  	s1 =	sadd.s32 s1, s21;
	s21 =	simm.s32 $0x2C00;
	s11 =	sadd.s32 s4, s0  }
0x11: {  	s0 =	sadd.s32 $0x504C00, s0;
	s10 =	sadd.s32 s20, s10;
	s13 =	sshrl.u32 s12, $0x3  }
0x12: {  	s14 =	sshrl.u32 s14, $0x3;
	s15 =	sshrl.u32 s15, $0x3;
	s17 =	sshrl.u32 s17, $0x3  }
0x13: {  	s25 =	sshrl.u32 s19, $0x3;
	s26 =	sor.u32 $0xC000, s1;
	s1 =	sor.u32 $0x8000, s1  }
0x14: {  	s18 =	smax.u32 s18, $0x1;
	s11 =	sadd.s32 $0x554C00, s11;
	s12 =	sadd.s32 $0x800, s10  }
0x15: {  	s13 =	sadd.s32 s0, s13;
	s14 =	sadd.s32 s0, s14;
	s15 =	sadd.s32 s0, s15  }
0x16: {  	s16 =	sadd.s32 s0, s17;
	s17 =	sadd.s32 s0, s25;
	s30 =	sshrl.u32 s26, $0x3  }
0x17: {  	s31 =	sshrl.u32 s1, $0x3;
	s25 =	simm.s32 $0x80;
	s26 =	simm.s32 $0x3  }
0x18: {  	s1 =	simm.s32 $0x0;
	s19 =	sadd.s32 s30, s20;
	s20 =	sadd.s32 s31, s20  }
.LBB2_1:
0x19: {  	s0 =	rddreg [dreg:$0x3]  }
0x1a: {  	[tilespmem:s21], [sflag:$0x5] =	stream.linear.gather [hbm4b:s0+s3], $0x4000, $0x38;
	[tilespmem:$0x1EC00] =	vst v63  }
0x1b: {  	_ =	swait.ge [sflag:s22], $0x4000  }
0x1c: {  	[sflag:s22] =	ssyncset.done $0x0  }
0x1d: {  	[sflag:s22] =	ssyncadd.s32 $0xFFFFC000  }
0x1e: {  	[spmem:s5] =	stream.linear.scatter [tilespmem:s21], [sflag:$0x5], $0x4000, $0x38;
	[tilespmem:$0x1EC00] =	vst v63  }
0x1f: {  	_ =	swait.ge [sflag:s22], $0x4000  }
0x20: {  	[sflag:s22] =	ssyncset.done $0x0  }
0x21: {  	[sflag:s22] =	ssyncadd.s32 $0xFFFFC000  }
0x22: {  	[spmem:s6] =	stream.linear.scatter [tilespmem:s21], [sflag:$0x5], $0x4000, $0x38;
	[tilespmem:$0x1EC00] =	vst v63  }
0x23: {  	_ =	swait.ge [sflag:s22], $0x4000  }
0x24: {  	[sflag:s22] =	ssyncset.done $0x0  }
0x25: {  	[sflag:s22] =	ssyncadd.s32 $0xFFFFC000  }
0x26: {  	[spmem:s7] =	stream.linear.scatter [tilespmem:s21], [sflag:$0x5], $0x4000, $0x38;
	[tilespmem:$0x1EC00] =	vst v63  }
0x27: {  	_ =	swait.ge [sflag:s22], $0x4000  }
0x28: {  	[sflag:s22] =	ssyncset.done $0x0  }
0x29: {  	[sflag:s22] =	ssyncadd.s32 $0xFFFFC000  }
0x2a: {  	[spmem:s8] =	stream.linear.scatter [tilespmem:s21], [sflag:$0x5], $0x4000, $0x38;
	[tilespmem:$0x1EC00] =	vst v63  }
0x2b: {  	_ =	swait.ge [sflag:s22], $0x4000  }
0x2c: {  	[sflag:s22] =	ssyncset.done $0x0  }
0x2d: {  	[sflag:s22] =	ssyncadd.s32 $0xFFFFC000  }
0x2e: {  	[spmem:s9] =	stream.linear.scatter [tilespmem:s21], [sflag:$0x5], $0x4000, $0x38;
	[tilespmem:$0x1EC00] =	vst v63  }
0x2f: {  	_ =	swait.ge [sflag:s22], $0x4000  }
0x30: {  	[sflag:s22] =	ssyncset.done $0x0  }
0x31: {  	[sflag:s22] =	ssyncadd.s32 $0xFFFFC000  }
0x32: {  	[bflag:$0x0] =	sbarrier.arrive $0xFFFF  }
0x33: {  	[tilespmem:s3], [sflag:$0x5] =	stream.linear.gather [hbm4b:s11+s3], $0x2A00, $0x38;
	[tilespmem:$0x1EC00] =	vst v63  }
0x34: {  	_ =	swait.ge [sflag:s22], $0x2A00  }
0x35: {  	[sflag:s22] =	ssyncset.done $0x0  }
0x36: {  	[sflag:s22] =	ssyncadd.s32 $0xFFFFD600  }
0x37: {  	[tilespmem:s21], [sflag:$0x1] =	stream.linear.gather [hbm4b:s10+s3], $0x4000, $0x38;
	[tilespmem:$0x1EC00] =	vst v63  }
0x38: {  	_ = 	snop  }
0x39: {  	[tilespmem:s23], [sflag:$0x2] =	stream.linear.gather [hbm4b:s12+s3], $0x4000, $0x38;
	[tilespmem:$0x1EC00] =	vst v63  }
0x3a: {  	_ =	swait.ge [sflag:s24], $0x4000  }
0x3b: {  	[sflag:s24] =	ssyncset.done $0x0  }
0x3c: {  	s4 =	simm.s32 $0x0;
	[sflag:s24] =	ssyncadd.s32 $0xFFFFC000  }
0x3d: {  	[spmem:s2] =	stream.indirect.scatter.add.f32 [tilespmem:s21], [sflag:$0x3], $0x80, s4, s25, $0xb8;
	[tilespmem:$0x1EC00] =	vst v63  }
0x3e: {  	_ =	swait.ge [sflag:s26], $0x4000  }
0x3f: {  	[sflag:s26] =	ssyncset.done $0x0  }
0x40: {  	s4 =	sadd.s32 $0x0, s20;
	[sflag:s26] =	ssyncadd.s32 $0xFFFFC000  }
0x41: {  	[tilespmem:s21], [sflag:$0x1] =	stream.linear.gather [hbm4b:s4+s3], $0x4000, $0x38;
	[tilespmem:$0x1EC00] =	vst v63  }
0x42: {  	_ =	swait.ge [sflag:s28], $0x4000  }
0x43: {  	[sflag:s28] =	ssyncset.done $0x0  }
0x44: {  	[sflag:s28] =	ssyncadd.s32 $0xFFFFC000  }
0x45: {  	[spmem:s2] =	stream.indirect.scatter.add.f32 [tilespmem:s23], [sflag:$0x4], $0x80, s25, s25, $0xb8;
	[tilespmem:$0x1EC00] =	vst v63  }
0x46: {  	_ =	swait.ge [sflag:s29], $0x4000  }
0x47: {  	s31 =	sadd.s32 $0x0, s19;
	[sflag:s29] =	ssyncset.done $0x0  }
0x48: {  	s30 =	simm.s32 $0x180;
	s0 =	simm.s32 $0x1000;
	[sflag:s29] =	ssyncadd.s32 $0xFFFFC000  }
.LBB2_2:
0x49: {  	[tilespmem:s23], [sflag:$0x2] =	stream.linear.gather [hbm4b:s31+s3], $0x4000, $0x38;
	[tilespmem:$0x1EC00] =	vst v63  }
0x4a: {  	s31 =	smov.u32 s0  }
0x4b: {  	p0 =	sne.s32 s0, $0x28000;
	s0 =	sadd.s32 $0x1000, s0;
	_ =	swait.ge [sflag:s24], $0x4000  }
0x4c: {  	[sflag:s24] =	ssyncset.done $0x0  }
0x4d: {  	s4 =	sadd.s32 $0xFFFFFF80, s30;
	[sflag:s24] =	ssyncadd.s32 $0xFFFFC000  }
0x4e: {  	[spmem:s2] =	stream.indirect.scatter.add.f32 [tilespmem:s21], [sflag:$0x3], $0x80, s4, s25, $0xb8;
	[tilespmem:$0x1EC00] =	vst v63  }
0x4f: {  	_ =	swait.ge [sflag:s26], $0x4000  }
0x50: {  	[sflag:s26] =	ssyncset.done $0x0  }
0x51: {  	s4 =	sadd.s32 s31, s20;
	[sflag:s26] =	ssyncadd.s32 $0xFFFFC000  }
0x52: {  	[tilespmem:s21], [sflag:$0x1] =	stream.linear.gather [hbm4b:s4+s3], $0x4000, $0x38;
	[tilespmem:$0x1EC00] =	vst v63  }
0x53: {  	_ =	swait.ge [sflag:s28], $0x4000  }
0x54: {  	[sflag:s28] =	ssyncset.done $0x0  }
.Ltmp0:
0x55: {  	[sflag:s28] =	ssyncadd.s32 $0xFFFFC000;
	(pc) =	sbr.rel @p0 .LBB2_2-.Ltmp0, $4  }
0x56: {  	[spmem:s2] =	stream.indirect.scatter.add.f32 [tilespmem:s23], [sflag:$0x4], $0x80, s30, s25, $0xb8;
	[tilespmem:$0x1EC00] =	vst v63  }
0x57: {  	_ =	swait.ge [sflag:s29], $0x4000  }
0x58: {  	[sflag:s29] =	ssyncset.done $0x0  }
0x59: {  	s31 =	sadd.s32 s31, s19;
	s30 =	sadd.s32 $0x100, s30;
	[sflag:s29] =	ssyncadd.s32 $0xFFFFC000  }
0x5a: {  	[tilespmem:s23], [sflag:$0x2] =	stream.linear.gather [hbm4b:s31+s3], $0x4000, $0x38;
	[tilespmem:$0x1EC00] =	vst v63  }
0x5b: {  	_ =	swait.ge [sflag:s24], $0x4000  }
0x5c: {  	[sflag:s24] =	ssyncset.done $0x0  }
0x5d: {  	s0 =	simm.s32 $0x2900;
	[sflag:s24] =	ssyncadd.s32 $0xFFFFC000  }
0x5e: {  	[spmem:s2] =	stream.indirect.scatter.add.f32 [tilespmem:s21], [sflag:$0x3], $0x80, s0, s25, $0xb8;
	[tilespmem:$0x1EC00] =	vst v63  }
0x5f: {  	_ =	swait.ge [sflag:s26], $0x4000  }
0x60: {  	[sflag:s26] =	ssyncset.done $0x0  }
0x61: {  	[sflag:s26] =	ssyncadd.s32 $0xFFFFC000  }
0x62: {  	_ =	swait.ge [sflag:s28], $0x4000  }
0x63: {  	[sflag:s28] =	ssyncset.done $0x0  }
0x64: {  	s31 =	simm.s32 $0x2980;
	[sflag:s28] =	ssyncadd.s32 $0xFFFFC000  }
0x65: {  	[spmem:s2] =	stream.indirect.scatter.add.f32 [tilespmem:s23], [sflag:$0x4], $0x80, s31, s25, $0xb8;
	[tilespmem:$0x1EC00] =	vst v63  }
0x66: {  	_ =	swait.ge [sflag:s29], $0x4000  }
0x67: {  	[sflag:s29] =	ssyncset.done $0x0  }
0x68: {  	[sflag:s29] =	ssyncadd.s32 $0xFFFFC000  }
0x69: {  	[bflag:$0x0] =	sbarrier.arrive $0xFFFF  }
0x6a: {  	[tilespmem:s21], [sflag:$0x5] =	stream.linear.gather [spmem:s5], $0x4000, $0x38;
	[tilespmem:$0x1EC00] =	vst v63  }
0x6b: {  	_ =	swait.ge [sflag:s22], $0x4000  }
0x6c: {  	[sflag:s22] =	ssyncset.done $0x0  }
0x6d: {  	[sflag:s22] =	ssyncadd.s32 $0xFFFFC000  }
0x6e: {  	[hbm4b:s13+s3] =	stream.linear.scatter [tilespmem:s21], [sflag:$0x5], $0x4000, $0x38;
	[tilespmem:$0x1EC00] =	vst v63  }
0x6f: {  	_ =	swait.ge [sflag:s22], $0x4000  }
0x70: {  	[sflag:s22] =	ssyncset.done $0x0  }
0x71: {  	[sflag:s22] =	ssyncadd.s32 $0xFFFFC000  }
0x72: {  	[tilespmem:s21], [sflag:$0x5] =	stream.linear.gather [spmem:s6], $0x4000, $0x38;
	[tilespmem:$0x1EC00] =	vst v63  }
0x73: {  	_ =	swait.ge [sflag:s22], $0x4000  }
0x74: {  	[sflag:s22] =	ssyncset.done $0x0  }
0x75: {  	[sflag:s22] =	ssyncadd.s32 $0xFFFFC000  }
0x76: {  	[hbm4b:s14+s3] =	stream.linear.scatter [tilespmem:s21], [sflag:$0x5], $0x4000, $0x38;
	[tilespmem:$0x1EC00] =	vst v63  }
0x77: {  	_ =	swait.ge [sflag:s22], $0x4000  }
0x78: {  	[sflag:s22] =	ssyncset.done $0x0  }
0x79: {  	[sflag:s22] =	ssyncadd.s32 $0xFFFFC000  }
0x7a: {  	[tilespmem:s21], [sflag:$0x5] =	stream.linear.gather [spmem:s7], $0x4000, $0x38;
	[tilespmem:$0x1EC00] =	vst v63  }
0x7b: {  	_ =	swait.ge [sflag:s22], $0x4000  }
0x7c: {  	[sflag:s22] =	ssyncset.done $0x0  }
0x7d: {  	[sflag:s22] =	ssyncadd.s32 $0xFFFFC000  }
0x7e: {  	[hbm4b:s15+s3] =	stream.linear.scatter [tilespmem:s21], [sflag:$0x5], $0x4000, $0x38;
	[tilespmem:$0x1EC00] =	vst v63  }
0x7f: {  	_ =	swait.ge [sflag:s22], $0x4000  }
0x80: {  	[sflag:s22] =	ssyncset.done $0x0  }
0x81: {  	[sflag:s22] =	ssyncadd.s32 $0xFFFFC000  }
0x82: {  	[tilespmem:s21], [sflag:$0x5] =	stream.linear.gather [spmem:s8], $0x4000, $0x38;
	[tilespmem:$0x1EC00] =	vst v63  }
0x83: {  	_ =	swait.ge [sflag:s22], $0x4000  }
0x84: {  	[sflag:s22] =	ssyncset.done $0x0  }
0x85: {  	[sflag:s22] =	ssyncadd.s32 $0xFFFFC000  }
0x86: {  	[hbm4b:s16+s3] =	stream.linear.scatter [tilespmem:s21], [sflag:$0x5], $0x4000, $0x38;
	[tilespmem:$0x1EC00] =	vst v63  }
0x87: {  	_ =	swait.ge [sflag:s22], $0x4000  }
0x88: {  	[sflag:s22] =	ssyncset.done $0x0  }
0x89: {  	[sflag:s22] =	ssyncadd.s32 $0xFFFFC000  }
0x8a: {  	[tilespmem:s21], [sflag:$0x5] =	stream.linear.gather [spmem:s9], $0x4000, $0x38;
	[tilespmem:$0x1EC00] =	vst v63  }
0x8b: {  	s1 =	sadd.s32 $0x1, s1;
	_ =	swait.ge [sflag:s22], $0x4000  }
0x8c: {  	p0 =	sne.s32 s1, s18;
	[sflag:s22] =	ssyncset.done $0x0  }
.Ltmp1:
0x8d: {  	[sflag:s22] =	ssyncadd.s32 $0xFFFFC000;
	(pc) =	sbr.rel @p0 .LBB2_1-.Ltmp1, $4  }
0x8e: {  	[hbm4b:s17+s3] =	stream.linear.scatter [tilespmem:s21], [sflag:$0x5], $0x4000, $0x38;
	[tilespmem:$0x1EC00] =	vst v63  }
0x8f: {  	_ =	swait.ge [sflag:s22], $0x4000  }
0x90: {  	[sflag:s22] =	ssyncset.done $0x0  }
0x91: {  	[sflag:s22] =	ssyncadd.s32 $0xFFFFC000  }
0x92: {  	_ =	sfence.sel $0x180000  }
0x93: {  	[bflag:$0x0] =	sbarrier.arrive $0xFFFF  }
0x94: {  	_ =	strace $0x9000004D  }
0x95: {  	s0 =	stileid.u32;
	[bflag:$0x2] =	sbarrier.arrive $0xFFFF  }
0x96: {  	p0 =	sne.s32 s0, $0x0;
	s0 =	rddreg [dreg:$0x2]  }
0x97: {  	s0 =	sadd.s32 @!p0 $0x100000, s0  }
0x98: {  	[sflag:s0] =	ssyncadd.tile.s32 @!p0 $0x1;
	_ =	shalt  }
.Lfunc_end2:
_tile_overlayer_lowered:
.L_overlay_start_2:
0x99: {  	(tag) =	ssettag $0x2  }
0x9a: {  	s0 =	rddreg [dreg:$0x0];
	s2 =	stileid.u32  }
0x9b: {  	s1 =	rddreg [dreg:$0x1];
	p0 =	sne.s32 s2, $0x0  }
0x9c: {  	s3 =	rddreg [dreg:$0x2];
	[bflag:$0x3] =	sbarrier.arrive $0xFFFF;
	s2 =	simm.s32 @!p0 $0x1C05  }
0x9d: {  	[timem:s3], [sflag:s2] =	dma.local @!p0 [hbm:s0], s1  }
0x9e: {  	s0 =	simm.s32 @!p0 $0x5  }
0x9f: {  	_ =	swait.ge @!p0 [sflag:s0], s1  }
0xa0: {  	s1 =	ssub.s32 @!p0 $0x0, s1;
	[sflag:s0] =	ssyncset.done @!p0 $0x0  }
0xa1: {  	[sflag:s0] =	ssyncadd.s32 @!p0 s1  }
0xa2: {  	[bflag:$0x3] =	sbarrier.arrive $0xFFFF  }
0xa3: {  	_ =	shalt  }

// kernel: kernel.18.cloned.1.call-start
scs
__scs_entry_jumppad:
0x0: {  	(pc) =	sbr.rel $0x88, $3  }
0x1: {  	(tag) =	ssettag $0x0;
	lr =	simm.s32 $0x1  }
0x2: {  	[smem:$0x3F96] =	sst lr;
	_ =	strace $0xD0000000  }
0x3: {  	_ = 	snop  }
0x4: {  	_ = 	snop  }
0x5: {  	_ = 	snop  }
0x6: {  	_ = 	snop  }
0x7: {  	_ = 	snop  }
__scs_overlays_trampoline_lowered:
0x8: {  	[smem:$0x3FA5] =	sst s0  }
0x9: {  	[smem:$0x3FA6] =	sst s1  }
0xa: {  	[smem:$0x3FA7] =	sst s2  }
0xb: {  	[smem:$0x3FA8] =	sst s3  }
0xc: {  	[smem:$0x3FA9] =	sst s4  }
0xd: {  	[smem:$0x3FAA] =	sst s5  }
0xe: {  	[smem:$0x3FAB] =	sst s6  }
0xf: {  	[smem:$0x3FAC] =	sst s7  }
0x10: {  	[smem:$0x3FAD] =	sst s8  }
0x11: {  	[smem:$0x3FAE] =	sst s9;
	s0 =	simm.s32 @!p0 $0x0  }
0x12: {  	s1 =	sld [smem:$0x3F94];
	s0 =	simm.s32 @p0 $0x1  }
0x13: {  	[smem:$0x3FAF] =	sst s0;
	s0 =	simm.s32 @!p1 $0x0  }
0x14: {  	s2 =	sld [smem:$0x3F93];
	s0 =	simm.s32 @p1 $0x1  }
0x15: {  	[smem:$0x3FB0] =	sst s0;
	s0 =	simm.s32 @!p2 $0x0  }
0x16: {  	s3 =	sld [smem:$0x3FDB];
	s0 =	simm.s32 @p2 $0x1  }
0x17: {  	s4 =	simm.s32 $0x1BF5;
	[smem:$0x3FB2] =	sst s0  }
0x18: {  	s0 =	sld [smem:$0x3F95];
	_ =	swait.ge [sflag:s4], $0x0  }
0x19: {  	s7 =	sld [smem:$0x3F96]  }
0x1a: {  	s8 =	sadd.s32 $0xFFFFE003, lr  }
0x1b: {  	s9 =	sadd.s32 $0xFFFFFEF7, lr;
	s5 =	simm.s32 $0xFFFFFFFF;
	p2 =	slt.u32 s8, $0xFFFFF086  }
0x1c: {  	p1 =	slt.u32 s9, $0xF7A;
	s5 =	simm.s32 @!p2 $0x0  }
0x1d: {  	s5 =	simm.s32 @p1 $0x1;
	p0 =	seq.s32 s7, s2  }
0x1e: {  	s7 =	smul.u32 @!p0 $0xF7A, s2;
	p2 =	seq.s32 @!p0 s5, $0x0  }
0x1f: {  	s9 =	smul.u32 $0xF7A, s1;
	s8 =	simm.s32 @!p0 $0x1BF5;
	p2 =	por !p2, p0  }
0x20: {  	[sflag:s8] =	ssyncset.s32 @!p0 $0xFFFFF086;
	s6 =	sadd.s32 @!p0 s3, s7;
	s7 =	simm.s32 @!p0 $0x108  }
0x21: {  	s3 =	sadd.s32 s3, s9;
	s6 =	sadd.s32 @!p0 $0x88, s6;
	s7 =	simm.s32 @p2 $0x1082  }
0x22: {  	[simem:s7], [sflag:s8] =	dma.local @!p0 [hbm:s6], $0xF7A  }
0x23: {  	s9 =	sor.u32 $0xD0000000, s2;
	s6 =	simm.s32 $0x108;
	_ =	swait.ge @!p0 [sflag:s8], $0x0  }
0x24: {  	s3 =	sadd.s32 $0x88, s3;
	s6 =	simm.s32 @!p1 $0x1082;
	[sflag:s4] =	ssyncset.s32 $0xFFFFF086  }
0x25: {  	[simem:s6], [sflag:s4] =	dma.local [hbm:s3], $0xF7A  }
0x26: {  	[smem:$0x3F96] =	sst s1;
	(tag) =	ssettag s2;
	_ =	strace s9  }
0x27: {  	s1 =	sld [smem:$0x3FA6]  }
0x28: {  	s2 =	sld [smem:$0x3FA7]  }
0x29: {  	s4 =	sld [smem:$0x3FA9]  }
0x2a: {  	p0 =	seq.s32 s5, $0x0;
	s5 =	sld [smem:$0x3FAA]  }
0x2b: {  	s6 =	sld [smem:$0x3FAB]  }
0x2c: {  	s7 =	sld [smem:$0x3FAC]  }
0x2d: {  	s3 =	simm.s32 $0x108;
	s8 =	sld [smem:$0x3FAD]  }
0x2e: {  	s3 =	simm.s32 @!p0 $0x1082;
	s9 =	sld [smem:$0x3FAE]  }
0x2f: {  	lr =	sadd.s32 s0, s3;
	s0 =	sld [smem:$0x3FA5]  }
0x30: {  	s3 =	sld [smem:$0x3FA8]  }
0x31: {  	[smem:$0x3FB1] =	sst s10  }
0x32: {  	s10 =	sld [smem:$0x3FAF];
	_ =	sdelay $0x3  }
0x33: {  	p0 =	seq.s32 s10, $0x1;
	s10 =	sld [smem:$0x3FB1];
	_ =	sdelay $0x3  }
0x34: {  	[smem:$0x3FB1] =	sst s10  }
0x35: {  	s10 =	sld [smem:$0x3FB0];
	_ =	sdelay $0x3  }
0x36: {  	p1 =	seq.s32 s10, $0x1;
	s10 =	sld [smem:$0x3FB1];
	_ =	sdelay $0x3  }
0x37: {  	[smem:$0x3FB1] =	sst s10  }
0x38: {  	s10 =	sld [smem:$0x3FB2]  }
0x39: {  	_ = 	snop;
	(pc) =	sbr.ind lr, $3  }
0x3a: {  	_ = 	snop  }
0x3b: {  	_ = 	snop  }
0x3c: {  	p2 =	seq.s32 s10, $0x1;
	s10 =	sld [smem:$0x3FB1]  }
0x3d: {  	_ =	shalt  }
0x3e: {  	_ =	shalt  }
0x3f: {  	_ =	shalt  }
0x40: {  	_ =	shalt  }
0x41: {  	_ =	shalt  }
0x42: {  	_ =	shalt  }
0x43: {  	_ =	shalt  }
0x44: {  	_ =	shalt  }
0x45: {  	_ =	shalt  }
0x46: {  	_ =	shalt  }
0x47: {  	_ =	shalt  }
0x48: {  	_ =	shalt  }
0x49: {  	_ =	shalt  }
0x4a: {  	_ =	shalt  }
0x4b: {  	_ =	shalt  }
0x4c: {  	_ =	shalt  }
0x4d: {  	_ =	shalt  }
0x4e: {  	_ =	shalt  }
0x4f: {  	_ =	shalt  }
0x50: {  	_ =	shalt  }
0x51: {  	_ =	shalt  }
0x52: {  	_ =	shalt  }
0x53: {  	_ =	shalt  }
0x54: {  	_ =	shalt  }
0x55: {  	_ =	shalt  }
0x56: {  	_ =	shalt  }
0x57: {  	_ =	shalt  }
0x58: {  	_ =	shalt  }
0x59: {  	_ =	shalt  }
0x5a: {  	_ =	shalt  }
0x5b: {  	_ =	shalt  }
0x5c: {  	_ =	shalt  }
0x5d: {  	_ =	shalt  }
0x5e: {  	_ =	shalt  }
0x5f: {  	_ =	shalt  }
0x60: {  	_ =	shalt  }
0x61: {  	_ =	shalt  }
0x62: {  	_ =	shalt  }
0x63: {  	_ =	shalt  }
0x64: {  	_ =	shalt  }
0x65: {  	_ =	shalt  }
0x66: {  	_ =	shalt  }
0x67: {  	_ =	shalt  }
0x68: {  	_ =	shalt  }
0x69: {  	_ =	shalt  }
0x6a: {  	_ =	shalt  }
0x6b: {  	_ =	shalt  }
0x6c: {  	_ =	shalt  }
0x6d: {  	_ =	shalt  }
0x6e: {  	_ =	shalt  }
0x6f: {  	_ =	shalt  }
0x70: {  	_ =	shalt  }
0x71: {  	_ =	shalt  }
0x72: {  	_ =	shalt  }
0x73: {  	_ =	shalt  }
0x74: {  	_ =	shalt  }
0x75: {  	_ =	shalt  }
0x76: {  	_ =	shalt  }
0x77: {  	_ =	shalt  }
0x78: {  	_ =	shalt  }
0x79: {  	_ =	shalt  }
0x7a: {  	_ =	shalt  }
0x7b: {  	_ =	shalt  }
0x7c: {  	_ =	shalt  }
0x7d: {  	_ =	shalt  }
0x7e: {  	_ =	shalt  }
0x7f: {  	_ =	shalt  }
0x80: {  	_ =	shalt  }
0x81: {  	_ =	shalt  }
0x82: {  	_ =	shalt  }
0x83: {  	_ =	shalt  }
0x84: {  	_ =	shalt  }
0x85: {  	_ =	shalt  }
0x86: {  	_ =	shalt  }
0x87: {  	_ =	shalt  }
.Lfunc_end0:
.L_simem_size_0:
called_computation.3_lowered:
.L_overlay_start_0:
0x88: {  	s2 =	sld [smem:$0x3FD9]  }
0x89: {  	s3 =	sld [smem:$0x3FFE];
	_ =	sdelay $0x1  }
0x8a: {  	s1 =	srdreg.scid  }
0x8b: {  	s0 =	sand.u32 $0x1, s1  }
0x8c: {  	s16 =	sshll.u32 s0, $0xA;
	s2 =	sadd.s32 s3, s2  }
0x8d: {  	s2 =	sadd.s32 s2, s16  }
0x8e: {  	[smem:$0x3FBD] =	sst s2  }
0x8f: {  	_ = 	snop  }
0x90: {  	(tm) =	ssettm $0x1  }
0x91: {  	s17 =	sld [smem:$0x3FFB];
	_ =	sdelay $0x3  }
0x92: {  	_ =	strace s17  }
0x93: {  	s2 =	sld [smem:$0x3FFC];
	_ =	sdelay $0x3  }
0x94: {  	_ =	strace s2  }
0x95: {  	s2 =	sld [smem:$0x3FFD];
	_ =	sdelay $0x3  }
0x96: {  	_ =	strace s2  }
0x97: {  	_ =	strace $0x8FFFFFFF  }
0x98: {  	s18 =	sld [smem:$0x3FDB];
	_ =	sdelay $0x1  }
0x99: {  	s19 =	simm.s32 $_scs_section_size  }
0x9a: {  	s4 =	simm.s32 $_size__tile_overlayer_lowered;
	s5 =	simm.s32 $_tile_overlayer_lowered  }
0x9b: {  	s22 =	simm.s32 $0x1BFF;
	s21 =	sshll.u32 s5, $0x1;
	s2 =	sadd.s32 s19, s18  }
0x9c: {  	s6 =	simm.s32 $0x0;
	s20 =	sshll.u32 s4, $0x1;
	s4 =	sadd.s32 s21, s2  }
0x9d: {  	[timem:s6], [sflag:s22] =	dma.local [hbm:s4], s20  }
0x9e: {  	_ =	swait.ge [sflag:s22], s20  }
0x9f: {  	s3 =	ssub.s32 $0x0, s20;
	[sflag:s22] =	ssyncset.done $0x0  }
0xa0: {  	[sflag:s22] =	ssyncadd.s32 s3;
	_ =	sdelay $0x1  }
0xa1: {  	s23 =	simm.s32 $0x1B8B  }
0xa2: {  	_ =	swait.ge [sflag:s23], $0x1  }
0xa3: {  	[sflag:s23] =	ssyncset.done $0x0  }
0xa4: {  	s25 =	simm.s32 $0x1B8E;
	s24 =	sld [smem:$0x3FFE];
	[sflag:s23] =	ssyncadd.s32 $0xFFFFFFFF  }
0xa5: {  	s26 =	simm.s32 $execute0_lowered;
	[smem:$0x3FD2] =	sst s25  }
0xa6: {  	s4 =	sshll.u32 s26, $0x1;
	_ =	strace $0x8000004F;
	[dreg:$0x1] =	wrdreg $0xFFFFFFFF  }
0xa7: {  	s28 =	simm.s32 $_size_execute0_lowered;
	s2 =	sadd.s32 s2, s4;
	[dreg:$0x0] =	wrdreg $0x0  }
0xa8: {  	s4 =	sshll.u32 s28, $0x1;
	[dreg:$0x2] =	wrdreg s2  }
0xa9: {  	[dreg:$0x3] =	wrdreg s4  }
0xaa: {  	[dreg:$0x4] =	wrdreg $0xC0  }
0xab: {  	_ =	task [dreg:s6], $0x5FFFF  }
0xac: {  	[dreg:$0x1] =	wrdreg $0xFFFFFFFF  }
0xad: {  	[dreg:$0x0] =	wrdreg $0x60  }
0xae: {  	[dreg:$0x2] =	wrdreg s24  }
0xaf: {  	[dreg:$0x3] =	wrdreg $0xAC000  }
0xb0: {  	[dreg:$0x4] =	wrdreg $0x9  }
0xb1: {  	_ =	task.clear_ibuf [dreg:s6], $0x5FFFF;
	_ =	strace $0x9000004F  }
0xb2: {  	s29 =	simm.s32 $0x9;
	_ =	strace $0x80000051  }
0xb3: {  	_ =	swait.ge [sflag:s29], $0x1  }
0xb4: {  	[sflag:s29] =	ssyncadd.s32 $0xFFFFFFFF  }
0xb5: {  	_ =	strace $0x90000051  }
0xb6: {  	_ =	sfence  }
0xb7: {  	s30 =	sld [smem:$0x0];
	_ =	sdelay $0x2  }
0xb8: {  	s31 =	sshll.u32 s1, $0xD;
	s1 =	sshrl.u32 s1, $0x2  }
0xb9: {  	s3 =	sand.u32 $0x4000, s31;
	s1 =	sadd.s32 s1, s30  }
0xba: {  	s0 =	sor.u32 s3, s0;
	s1 =	sshll.u32 s1, $0x11  }
0xbb: {  	s0 =	sor.u32 s1, s0  }
0xbc: {  	s0 =	sadd.s32 $0x8F2B, s0  }
0xbd: {  	[sflag:s0] =	ssyncadd.remote.s32 $0x1  }
0xbe: {  	_ =	sfence.sel $0xFFFF  }
0xbf: {  	[dreg:$0x0] =	wrdreg $0xFFFFFFFF;
	(pc) =	sbr.abs _section_cstart, $3  }
0xc0: {  	[dreg:$0x1] =	wrdreg $0xFFFFFFFF  }
0xc1: {  	_ =	task.clear_ibuf [dreg:s6], $0x2FFFF;
	_ =	strace $0x9FFFFFFF  }
0xc2: {  	(tm) =	ssettm $0x7FFFFFFF  }
0xc3: {  	_ =	shalt  }
tec
execute0_lowered:
.L_overlay_start_1:
0x0: {  	(tag) =	ssettag $0x1  }
0x1: {  	s0 =	rddreg [dreg:$0x0];
	s1 =	srdreg.scid  }
0x2: {  	s21 =	stileid.u32;
	s2 =	rddreg [dreg:$0x1]  }
0x3: {  	s3 =	simm.s32 $0x0;
	s22 =	simm.s32 $0x5;
	s23 =	simm.s32 $0x6C00  }
0x4: {  	s28 =	simm.s32 $0x2;
	s29 =	simm.s32 $0x4;
	s5 =	smul.u32 $0x50000, s21  }
0x5: {  	s1 =	sand.u32 $0x1, s1;
	s4 =	sshll.u32 s21, $0x1;
	s9 =	smul.u32 $0x14000, s21  }
0x6: {  	[smem:$0x7FF] =	sst s3;
	s20 =	sadd.s32 $0x1EC6400, s0;
	s21 =	smul.u32 $0x2A0000, s21  }
0x7: {  	s24 =	sadd.s32 $0x504400, s0;
	s8 =	sor.u32 s1, s4;
	s16 =	smul.u32 $0x140000, s1  }
0x8: {  	_ =	strace $0x80000050;
	s6 =	ssub.s32 $0x2, s1;
	s1 =	smul.u32 $0x150000, s1  }
0x9: {  	[dreg:$0x3] =	wrdreg s24;
	s24 =	simm.s32 $0x1;
	s4 =	smul.u32 $0x580, s8  }
0xa: {  	s7 =	sshrl.u32 s6, $0x1;
	s5 =	sshrl.u32 s5, $0x2;
	s14 =	sadd.s32 $0x4000, s9  }
0xb: {  	s15 =	sadd.s32 $0x8000, s9;
	s17 =	sadd.s32 $0xC000, s9;
	s10 =	smul.u32 $0x2A000, s8  }
0xc: {  	s19 =	sadd.s32 $0x10000, s9;
	s18 =	ssub.s32 s6, s7;
	s5 =	sadd.s32 s5, s2  }
0xd: {  	s6 =	sadd.s32 s14, s2;
	s7 =	sadd.s32 s15, s2;
	s8 =	sadd.s32 s17, s2  }
0xe: {  	s12 =	sadd.s32 s9, s16;
	s9 =	sadd.s32 s19, s2;
	s14 =	sadd.s32 s16, s14  }
0xf: {  	s15 =	sadd.s32 s16, s15;
	s17 =	sadd.s32 s16, s17;
	s19 =	sadd.s32 s16, s19  }
0x10: {  	s1 =	sadd.s32 s1, s21;
	s21 =	simm.s32 $0x2C00;
	s11 =	sadd.s32 s4, s0  }
0x11: {  	s0 =	sadd.s32 $0x3800, s0;
	s10 =	sadd.s32 s20, s10;
	s13 =	sshrl.u32 s12, $0x3  }
0x12: {  	s14 =	sshrl.u32 s14, $0x3;
	s15 =	sshrl.u32 s15, $0x3;
	s17 =	sshrl.u32 s17, $0x3  }
0x13: {  	s25 =	sshrl.u32 s19, $0x3;
	s26 =	sor.u32 $0xC000, s1;
	s1 =	sor.u32 $0x8000, s1  }
0x14: {  	s18 =	smax.u32 s18, $0x1;
	s11 =	sadd.s32 $0x554C00, s11;
	s12 =	sadd.s32 $0x800, s10  }
0x15: {  	s13 =	sadd.s32 s0, s13;
	s14 =	sadd.s32 s0, s14;
	s15 =	sadd.s32 s0, s15  }
0x16: {  	s16 =	sadd.s32 s0, s17;
	s17 =	sadd.s32 s0, s25;
	s30 =	sshrl.u32 s26, $0x3  }
0x17: {  	s31 =	sshrl.u32 s1, $0x3;
	s25 =	simm.s32 $0x80;
	s26 =	simm.s32 $0x3  }
0x18: {  	s1 =	simm.s32 $0x0;
	s19 =	sadd.s32 s30, s20;
	s20 =	sadd.s32 s31, s20  }
.LBB2_1:
0x19: {  	s0 =	rddreg [dreg:$0x3]  }
0x1a: {  	[tilespmem:s21], [sflag:$0x5] =	stream.linear.gather [hbm4b:s0+s3], $0x4000, $0x38;
	[tilespmem:$0x1EC00] =	vst v63  }
0x1b: {  	_ =	swait.ge [sflag:s22], $0x4000  }
0x1c: {  	[sflag:s22] =	ssyncset.done $0x0  }
0x1d: {  	[sflag:s22] =	ssyncadd.s32 $0xFFFFC000  }
0x1e: {  	[spmem:s5] =	stream.linear.scatter [tilespmem:s21], [sflag:$0x5], $0x4000, $0x38;
	[tilespmem:$0x1EC00] =	vst v63  }
0x1f: {  	_ =	swait.ge [sflag:s22], $0x4000  }
0x20: {  	[sflag:s22] =	ssyncset.done $0x0  }
0x21: {  	[sflag:s22] =	ssyncadd.s32 $0xFFFFC000  }
0x22: {  	[spmem:s6] =	stream.linear.scatter [tilespmem:s21], [sflag:$0x5], $0x4000, $0x38;
	[tilespmem:$0x1EC00] =	vst v63  }
0x23: {  	_ =	swait.ge [sflag:s22], $0x4000  }
0x24: {  	[sflag:s22] =	ssyncset.done $0x0  }
0x25: {  	[sflag:s22] =	ssyncadd.s32 $0xFFFFC000  }
0x26: {  	[spmem:s7] =	stream.linear.scatter [tilespmem:s21], [sflag:$0x5], $0x4000, $0x38;
	[tilespmem:$0x1EC00] =	vst v63  }
0x27: {  	_ =	swait.ge [sflag:s22], $0x4000  }
0x28: {  	[sflag:s22] =	ssyncset.done $0x0  }
0x29: {  	[sflag:s22] =	ssyncadd.s32 $0xFFFFC000  }
0x2a: {  	[spmem:s8] =	stream.linear.scatter [tilespmem:s21], [sflag:$0x5], $0x4000, $0x38;
	[tilespmem:$0x1EC00] =	vst v63  }
0x2b: {  	_ =	swait.ge [sflag:s22], $0x4000  }
0x2c: {  	[sflag:s22] =	ssyncset.done $0x0  }
0x2d: {  	[sflag:s22] =	ssyncadd.s32 $0xFFFFC000  }
0x2e: {  	[spmem:s9] =	stream.linear.scatter [tilespmem:s21], [sflag:$0x5], $0x4000, $0x38;
	[tilespmem:$0x1EC00] =	vst v63  }
0x2f: {  	_ =	swait.ge [sflag:s22], $0x4000  }
0x30: {  	[sflag:s22] =	ssyncset.done $0x0  }
0x31: {  	[sflag:s22] =	ssyncadd.s32 $0xFFFFC000  }
0x32: {  	[bflag:$0x0] =	sbarrier.arrive $0xFFFF  }
0x33: {  	[tilespmem:s3], [sflag:$0x5] =	stream.linear.gather [hbm4b:s11+s3], $0x2A00, $0x38;
	[tilespmem:$0x1EC00] =	vst v63  }
0x34: {  	_ =	swait.ge [sflag:s22], $0x2A00  }
0x35: {  	[sflag:s22] =	ssyncset.done $0x0  }
0x36: {  	[sflag:s22] =	ssyncadd.s32 $0xFFFFD600  }
0x37: {  	[tilespmem:s21], [sflag:$0x1] =	stream.linear.gather [hbm4b:s10+s3], $0x4000, $0x38;
	[tilespmem:$0x1EC00] =	vst v63  }
0x38: {  	_ = 	snop  }
0x39: {  	[tilespmem:s23], [sflag:$0x2] =	stream.linear.gather [hbm4b:s12+s3], $0x4000, $0x38;
	[tilespmem:$0x1EC00] =	vst v63  }
0x3a: {  	_ =	swait.ge [sflag:s24], $0x4000  }
0x3b: {  	[sflag:s24] =	ssyncset.done $0x0  }
0x3c: {  	s4 =	simm.s32 $0x0;
	[sflag:s24] =	ssyncadd.s32 $0xFFFFC000  }
0x3d: {  	[spmem:s2] =	stream.indirect.scatter.add.f32 [tilespmem:s21], [sflag:$0x3], $0x80, s4, s25, $0xb8;
	[tilespmem:$0x1EC00] =	vst v63  }
0x3e: {  	_ =	swait.ge [sflag:s26], $0x4000  }
0x3f: {  	[sflag:s26] =	ssyncset.done $0x0  }
0x40: {  	s4 =	sadd.s32 $0x0, s20;
	[sflag:s26] =	ssyncadd.s32 $0xFFFFC000  }
0x41: {  	[tilespmem:s21], [sflag:$0x1] =	stream.linear.gather [hbm4b:s4+s3], $0x4000, $0x38;
	[tilespmem:$0x1EC00] =	vst v63  }
0x42: {  	_ =	swait.ge [sflag:s28], $0x4000  }
0x43: {  	[sflag:s28] =	ssyncset.done $0x0  }
0x44: {  	[sflag:s28] =	ssyncadd.s32 $0xFFFFC000  }
0x45: {  	[spmem:s2] =	stream.indirect.scatter.add.f32 [tilespmem:s23], [sflag:$0x4], $0x80, s25, s25, $0xb8;
	[tilespmem:$0x1EC00] =	vst v63  }
0x46: {  	_ =	swait.ge [sflag:s29], $0x4000  }
0x47: {  	s31 =	sadd.s32 $0x0, s19;
	[sflag:s29] =	ssyncset.done $0x0  }
0x48: {  	s30 =	simm.s32 $0x180;
	s0 =	simm.s32 $0x1000;
	[sflag:s29] =	ssyncadd.s32 $0xFFFFC000  }
.LBB2_2:
0x49: {  	[tilespmem:s23], [sflag:$0x2] =	stream.linear.gather [hbm4b:s31+s3], $0x4000, $0x38;
	[tilespmem:$0x1EC00] =	vst v63  }
0x4a: {  	s31 =	smov.u32 s0  }
0x4b: {  	p0 =	sne.s32 s0, $0x28000;
	s0 =	sadd.s32 $0x1000, s0;
	_ =	swait.ge [sflag:s24], $0x4000  }
0x4c: {  	[sflag:s24] =	ssyncset.done $0x0  }
0x4d: {  	s4 =	sadd.s32 $0xFFFFFF80, s30;
	[sflag:s24] =	ssyncadd.s32 $0xFFFFC000  }
0x4e: {  	[spmem:s2] =	stream.indirect.scatter.add.f32 [tilespmem:s21], [sflag:$0x3], $0x80, s4, s25, $0xb8;
	[tilespmem:$0x1EC00] =	vst v63  }
0x4f: {  	_ =	swait.ge [sflag:s26], $0x4000  }
0x50: {  	[sflag:s26] =	ssyncset.done $0x0  }
0x51: {  	s4 =	sadd.s32 s31, s20;
	[sflag:s26] =	ssyncadd.s32 $0xFFFFC000  }
0x52: {  	[tilespmem:s21], [sflag:$0x1] =	stream.linear.gather [hbm4b:s4+s3], $0x4000, $0x38;
	[tilespmem:$0x1EC00] =	vst v63  }
0x53: {  	_ =	swait.ge [sflag:s28], $0x4000  }
0x54: {  	[sflag:s28] =	ssyncset.done $0x0  }
.Ltmp0:
0x55: {  	[sflag:s28] =	ssyncadd.s32 $0xFFFFC000;
	(pc) =	sbr.rel @p0 .LBB2_2-.Ltmp0, $4  }
0x56: {  	[spmem:s2] =	stream.indirect.scatter.add.f32 [tilespmem:s23], [sflag:$0x4], $0x80, s30, s25, $0xb8;
	[tilespmem:$0x1EC00] =	vst v63  }
0x57: {  	_ =	swait.ge [sflag:s29], $0x4000  }
0x58: {  	[sflag:s29] =	ssyncset.done $0x0  }
0x59: {  	s31 =	sadd.s32 s31, s19;
	s30 =	sadd.s32 $0x100, s30;
	[sflag:s29] =	ssyncadd.s32 $0xFFFFC000  }
0x5a: {  	[tilespmem:s23], [sflag:$0x2] =	stream.linear.gather [hbm4b:s31+s3], $0x4000, $0x38;
	[tilespmem:$0x1EC00] =	vst v63  }
0x5b: {  	_ =	swait.ge [sflag:s24], $0x4000  }
0x5c: {  	[sflag:s24] =	ssyncset.done $0x0  }
0x5d: {  	s0 =	simm.s32 $0x2900;
	[sflag:s24] =	ssyncadd.s32 $0xFFFFC000  }
0x5e: {  	[spmem:s2] =	stream.indirect.scatter.add.f32 [tilespmem:s21], [sflag:$0x3], $0x80, s0, s25, $0xb8;
	[tilespmem:$0x1EC00] =	vst v63  }
0x5f: {  	_ =	swait.ge [sflag:s26], $0x4000  }
0x60: {  	[sflag:s26] =	ssyncset.done $0x0  }
0x61: {  	[sflag:s26] =	ssyncadd.s32 $0xFFFFC000  }
0x62: {  	_ =	swait.ge [sflag:s28], $0x4000  }
0x63: {  	[sflag:s28] =	ssyncset.done $0x0  }
0x64: {  	s31 =	simm.s32 $0x2980;
	[sflag:s28] =	ssyncadd.s32 $0xFFFFC000  }
0x65: {  	[spmem:s2] =	stream.indirect.scatter.add.f32 [tilespmem:s23], [sflag:$0x4], $0x80, s31, s25, $0xb8;
	[tilespmem:$0x1EC00] =	vst v63  }
0x66: {  	_ =	swait.ge [sflag:s29], $0x4000  }
0x67: {  	[sflag:s29] =	ssyncset.done $0x0  }
0x68: {  	[sflag:s29] =	ssyncadd.s32 $0xFFFFC000  }
0x69: {  	[bflag:$0x0] =	sbarrier.arrive $0xFFFF  }
0x6a: {  	[tilespmem:s21], [sflag:$0x5] =	stream.linear.gather [spmem:s5], $0x4000, $0x38;
	[tilespmem:$0x1EC00] =	vst v63  }
0x6b: {  	_ =	swait.ge [sflag:s22], $0x4000  }
0x6c: {  	[sflag:s22] =	ssyncset.done $0x0  }
0x6d: {  	[sflag:s22] =	ssyncadd.s32 $0xFFFFC000  }
0x6e: {  	[hbm4b:s13+s3] =	stream.linear.scatter [tilespmem:s21], [sflag:$0x5], $0x4000, $0x38;
	[tilespmem:$0x1EC00] =	vst v63  }
0x6f: {  	_ =	swait.ge [sflag:s22], $0x4000  }
0x70: {  	[sflag:s22] =	ssyncset.done $0x0  }
0x71: {  	[sflag:s22] =	ssyncadd.s32 $0xFFFFC000  }
0x72: {  	[tilespmem:s21], [sflag:$0x5] =	stream.linear.gather [spmem:s6], $0x4000, $0x38;
	[tilespmem:$0x1EC00] =	vst v63  }
0x73: {  	_ =	swait.ge [sflag:s22], $0x4000  }
0x74: {  	[sflag:s22] =	ssyncset.done $0x0  }
0x75: {  	[sflag:s22] =	ssyncadd.s32 $0xFFFFC000  }
0x76: {  	[hbm4b:s14+s3] =	stream.linear.scatter [tilespmem:s21], [sflag:$0x5], $0x4000, $0x38;
	[tilespmem:$0x1EC00] =	vst v63  }
0x77: {  	_ =	swait.ge [sflag:s22], $0x4000  }
0x78: {  	[sflag:s22] =	ssyncset.done $0x0  }
0x79: {  	[sflag:s22] =	ssyncadd.s32 $0xFFFFC000  }
0x7a: {  	[tilespmem:s21], [sflag:$0x5] =	stream.linear.gather [spmem:s7], $0x4000, $0x38;
	[tilespmem:$0x1EC00] =	vst v63  }
0x7b: {  	_ =	swait.ge [sflag:s22], $0x4000  }
0x7c: {  	[sflag:s22] =	ssyncset.done $0x0  }
0x7d: {  	[sflag:s22] =	ssyncadd.s32 $0xFFFFC000  }
0x7e: {  	[hbm4b:s15+s3] =	stream.linear.scatter [tilespmem:s21], [sflag:$0x5], $0x4000, $0x38;
	[tilespmem:$0x1EC00] =	vst v63  }
0x7f: {  	_ =	swait.ge [sflag:s22], $0x4000  }
0x80: {  	[sflag:s22] =	ssyncset.done $0x0  }
0x81: {  	[sflag:s22] =	ssyncadd.s32 $0xFFFFC000  }
0x82: {  	[tilespmem:s21], [sflag:$0x5] =	stream.linear.gather [spmem:s8], $0x4000, $0x38;
	[tilespmem:$0x1EC00] =	vst v63  }
0x83: {  	_ =	swait.ge [sflag:s22], $0x4000  }
0x84: {  	[sflag:s22] =	ssyncset.done $0x0  }
0x85: {  	[sflag:s22] =	ssyncadd.s32 $0xFFFFC000  }
0x86: {  	[hbm4b:s16+s3] =	stream.linear.scatter [tilespmem:s21], [sflag:$0x5], $0x4000, $0x38;
	[tilespmem:$0x1EC00] =	vst v63  }
0x87: {  	_ =	swait.ge [sflag:s22], $0x4000  }
0x88: {  	[sflag:s22] =	ssyncset.done $0x0  }
0x89: {  	[sflag:s22] =	ssyncadd.s32 $0xFFFFC000  }
0x8a: {  	[tilespmem:s21], [sflag:$0x5] =	stream.linear.gather [spmem:s9], $0x4000, $0x38;
	[tilespmem:$0x1EC00] =	vst v63  }
0x8b: {  	s1 =	sadd.s32 $0x1, s1;
	_ =	swait.ge [sflag:s22], $0x4000  }
0x8c: {  	p0 =	sne.s32 s1, s18;
	[sflag:s22] =	ssyncset.done $0x0  }
.Ltmp1:
0x8d: {  	[sflag:s22] =	ssyncadd.s32 $0xFFFFC000;
	(pc) =	sbr.rel @p0 .LBB2_1-.Ltmp1, $4  }
0x8e: {  	[hbm4b:s17+s3] =	stream.linear.scatter [tilespmem:s21], [sflag:$0x5], $0x4000, $0x38;
	[tilespmem:$0x1EC00] =	vst v63  }
0x8f: {  	_ =	swait.ge [sflag:s22], $0x4000  }
0x90: {  	[sflag:s22] =	ssyncset.done $0x0  }
0x91: {  	[sflag:s22] =	ssyncadd.s32 $0xFFFFC000  }
0x92: {  	_ =	sfence.sel $0x180000  }
0x93: {  	[bflag:$0x0] =	sbarrier.arrive $0xFFFF  }
0x94: {  	_ =	strace $0x90000050  }
0x95: {  	s0 =	stileid.u32;
	[bflag:$0x2] =	sbarrier.arrive $0xFFFF  }
0x96: {  	p0 =	sne.s32 s0, $0x0;
	s0 =	rddreg [dreg:$0x2]  }
0x97: {  	s0 =	sadd.s32 @!p0 $0x100000, s0  }
0x98: {  	[sflag:s0] =	ssyncadd.tile.s32 @!p0 $0x1;
	_ =	shalt  }
.Lfunc_end2:
_tile_overlayer_lowered:
.L_overlay_start_2:
0x99: {  	(tag) =	ssettag $0x2  }
0x9a: {  	s0 =	rddreg [dreg:$0x0];
	s2 =	stileid.u32  }
0x9b: {  	s1 =	rddreg [dreg:$0x1];
	p0 =	sne.s32 s2, $0x0  }
0x9c: {  	s3 =	rddreg [dreg:$0x2];
	[bflag:$0x3] =	sbarrier.arrive $0xFFFF;
	s2 =	simm.s32 @!p0 $0x1C05  }
0x9d: {  	[timem:s3], [sflag:s2] =	dma.local @!p0 [hbm:s0], s1  }
0x9e: {  	s0 =	simm.s32 @!p0 $0x5  }
0x9f: {  	_ =	swait.ge @!p0 [sflag:s0], s1  }
0xa0: {  	s1 =	ssub.s32 @!p0 $0x0, s1;
	[sflag:s0] =	ssyncset.done @!p0 $0x0  }
0xa1: {  	[sflag:s0] =	ssyncadd.s32 @!p0 s1  }
0xa2: {  	[bflag:$0x3] =	sbarrier.arrive $0xFFFF  }
0xa3: {  	_ =	shalt  }

// kernel: kernel.9.cloned.1.call-start
scs
__scs_entry_jumppad:
0x0: {  	(pc) =	sbr.rel $0x88, $3  }
0x1: {  	(tag) =	ssettag $0x0;
	lr =	simm.s32 $0x1  }
0x2: {  	[smem:$0x3F96] =	sst lr;
	_ =	strace $0xD0000000  }
0x3: {  	_ = 	snop  }
0x4: {  	_ = 	snop  }
0x5: {  	_ = 	snop  }
0x6: {  	_ = 	snop  }
0x7: {  	_ = 	snop  }
__scs_overlays_trampoline_lowered:
0x8: {  	[smem:$0x3FA5] =	sst s0  }
0x9: {  	[smem:$0x3FA6] =	sst s1  }
0xa: {  	[smem:$0x3FA7] =	sst s2  }
0xb: {  	[smem:$0x3FA8] =	sst s3  }
0xc: {  	[smem:$0x3FA9] =	sst s4  }
0xd: {  	[smem:$0x3FAA] =	sst s5  }
0xe: {  	[smem:$0x3FAB] =	sst s6  }
0xf: {  	[smem:$0x3FAC] =	sst s7  }
0x10: {  	[smem:$0x3FAD] =	sst s8  }
0x11: {  	[smem:$0x3FAE] =	sst s9;
	s0 =	simm.s32 @!p0 $0x0  }
0x12: {  	s1 =	sld [smem:$0x3F94];
	s0 =	simm.s32 @p0 $0x1  }
0x13: {  	[smem:$0x3FAF] =	sst s0;
	s0 =	simm.s32 @!p1 $0x0  }
0x14: {  	s2 =	sld [smem:$0x3F93];
	s0 =	simm.s32 @p1 $0x1  }
0x15: {  	[smem:$0x3FB0] =	sst s0;
	s0 =	simm.s32 @!p2 $0x0  }
0x16: {  	s3 =	sld [smem:$0x3FDB];
	s0 =	simm.s32 @p2 $0x1  }
0x17: {  	s4 =	simm.s32 $0x1BF5;
	[smem:$0x3FB2] =	sst s0  }
0x18: {  	s0 =	sld [smem:$0x3F95];
	_ =	swait.ge [sflag:s4], $0x0  }
0x19: {  	s7 =	sld [smem:$0x3F96]  }
0x1a: {  	s8 =	sadd.s32 $0xFFFFE003, lr  }
0x1b: {  	s9 =	sadd.s32 $0xFFFFFEF7, lr;
	s5 =	simm.s32 $0xFFFFFFFF;
	p2 =	slt.u32 s8, $0xFFFFF086  }
0x1c: {  	p1 =	slt.u32 s9, $0xF7A;
	s5 =	simm.s32 @!p2 $0x0  }
0x1d: {  	s5 =	simm.s32 @p1 $0x1;
	p0 =	seq.s32 s7, s2  }
0x1e: {  	s7 =	smul.u32 @!p0 $0xF7A, s2;
	p2 =	seq.s32 @!p0 s5, $0x0  }
0x1f: {  	s9 =	smul.u32 $0xF7A, s1;
	s8 =	simm.s32 @!p0 $0x1BF5;
	p2 =	por !p2, p0  }
0x20: {  	[sflag:s8] =	ssyncset.s32 @!p0 $0xFFFFF086;
	s6 =	sadd.s32 @!p0 s3, s7;
	s7 =	simm.s32 @!p0 $0x108  }
0x21: {  	s3 =	sadd.s32 s3, s9;
	s6 =	sadd.s32 @!p0 $0x88, s6;
	s7 =	simm.s32 @p2 $0x1082  }
0x22: {  	[simem:s7], [sflag:s8] =	dma.local @!p0 [hbm:s6], $0xF7A  }
0x23: {  	s9 =	sor.u32 $0xD0000000, s2;
	s6 =	simm.s32 $0x108;
	_ =	swait.ge @!p0 [sflag:s8], $0x0  }
0x24: {  	s3 =	sadd.s32 $0x88, s3;
	s6 =	simm.s32 @!p1 $0x1082;
	[sflag:s4] =	ssyncset.s32 $0xFFFFF086  }
0x25: {  	[simem:s6], [sflag:s4] =	dma.local [hbm:s3], $0xF7A  }
0x26: {  	[smem:$0x3F96] =	sst s1;
	(tag) =	ssettag s2;
	_ =	strace s9  }
0x27: {  	s1 =	sld [smem:$0x3FA6]  }
0x28: {  	s2 =	sld [smem:$0x3FA7]  }
0x29: {  	s4 =	sld [smem:$0x3FA9]  }
0x2a: {  	p0 =	seq.s32 s5, $0x0;
	s5 =	sld [smem:$0x3FAA]  }
0x2b: {  	s6 =	sld [smem:$0x3FAB]  }
0x2c: {  	s7 =	sld [smem:$0x3FAC]  }
0x2d: {  	s3 =	simm.s32 $0x108;
	s8 =	sld [smem:$0x3FAD]  }
0x2e: {  	s3 =	simm.s32 @!p0 $0x1082;
	s9 =	sld [smem:$0x3FAE]  }
0x2f: {  	lr =	sadd.s32 s0, s3;
	s0 =	sld [smem:$0x3FA5]  }
0x30: {  	s3 =	sld [smem:$0x3FA8]  }
0x31: {  	[smem:$0x3FB1] =	sst s10  }
0x32: {  	s10 =	sld [smem:$0x3FAF];
	_ =	sdelay $0x3  }
0x33: {  	p0 =	seq.s32 s10, $0x1;
	s10 =	sld [smem:$0x3FB1];
	_ =	sdelay $0x3  }
0x34: {  	[smem:$0x3FB1] =	sst s10  }
0x35: {  	s10 =	sld [smem:$0x3FB0];
	_ =	sdelay $0x3  }
0x36: {  	p1 =	seq.s32 s10, $0x1;
	s10 =	sld [smem:$0x3FB1];
	_ =	sdelay $0x3  }
0x37: {  	[smem:$0x3FB1] =	sst s10  }
0x38: {  	s10 =	sld [smem:$0x3FB2]  }
0x39: {  	_ = 	snop;
	(pc) =	sbr.ind lr, $3  }
0x3a: {  	_ = 	snop  }
0x3b: {  	_ = 	snop  }
0x3c: {  	p2 =	seq.s32 s10, $0x1;
	s10 =	sld [smem:$0x3FB1]  }
0x3d: {  	_ =	shalt  }
0x3e: {  	_ =	shalt  }
0x3f: {  	_ =	shalt  }
0x40: {  	_ =	shalt  }
0x41: {  	_ =	shalt  }
0x42: {  	_ =	shalt  }
0x43: {  	_ =	shalt  }
0x44: {  	_ =	shalt  }
0x45: {  	_ =	shalt  }
0x46: {  	_ =	shalt  }
0x47: {  	_ =	shalt  }
0x48: {  	_ =	shalt  }
0x49: {  	_ =	shalt  }
0x4a: {  	_ =	shalt  }
0x4b: {  	_ =	shalt  }
0x4c: {  	_ =	shalt  }
0x4d: {  	_ =	shalt  }
0x4e: {  	_ =	shalt  }
0x4f: {  	_ =	shalt  }
0x50: {  	_ =	shalt  }
0x51: {  	_ =	shalt  }
0x52: {  	_ =	shalt  }
0x53: {  	_ =	shalt  }
0x54: {  	_ =	shalt  }
0x55: {  	_ =	shalt  }
0x56: {  	_ =	shalt  }
0x57: {  	_ =	shalt  }
0x58: {  	_ =	shalt  }
0x59: {  	_ =	shalt  }
0x5a: {  	_ =	shalt  }
0x5b: {  	_ =	shalt  }
0x5c: {  	_ =	shalt  }
0x5d: {  	_ =	shalt  }
0x5e: {  	_ =	shalt  }
0x5f: {  	_ =	shalt  }
0x60: {  	_ =	shalt  }
0x61: {  	_ =	shalt  }
0x62: {  	_ =	shalt  }
0x63: {  	_ =	shalt  }
0x64: {  	_ =	shalt  }
0x65: {  	_ =	shalt  }
0x66: {  	_ =	shalt  }
0x67: {  	_ =	shalt  }
0x68: {  	_ =	shalt  }
0x69: {  	_ =	shalt  }
0x6a: {  	_ =	shalt  }
0x6b: {  	_ =	shalt  }
0x6c: {  	_ =	shalt  }
0x6d: {  	_ =	shalt  }
0x6e: {  	_ =	shalt  }
0x6f: {  	_ =	shalt  }
0x70: {  	_ =	shalt  }
0x71: {  	_ =	shalt  }
0x72: {  	_ =	shalt  }
0x73: {  	_ =	shalt  }
0x74: {  	_ =	shalt  }
0x75: {  	_ =	shalt  }
0x76: {  	_ =	shalt  }
0x77: {  	_ =	shalt  }
0x78: {  	_ =	shalt  }
0x79: {  	_ =	shalt  }
0x7a: {  	_ =	shalt  }
0x7b: {  	_ =	shalt  }
0x7c: {  	_ =	shalt  }
0x7d: {  	_ =	shalt  }
0x7e: {  	_ =	shalt  }
0x7f: {  	_ =	shalt  }
0x80: {  	_ =	shalt  }
0x81: {  	_ =	shalt  }
0x82: {  	_ =	shalt  }
0x83: {  	_ =	shalt  }
0x84: {  	_ =	shalt  }
0x85: {  	_ =	shalt  }
0x86: {  	_ =	shalt  }
0x87: {  	_ =	shalt  }
.Lfunc_end0:
.L_simem_size_0:
called_computation_lowered:
.L_overlay_start_0:
0x88: {  	s2 =	sld [smem:$0x3FD9]  }
0x89: {  	s3 =	sld [smem:$0x3FFE];
	_ =	sdelay $0x1  }
0x8a: {  	s1 =	srdreg.scid  }
0x8b: {  	s0 =	sand.u32 $0x1, s1  }
0x8c: {  	s16 =	sshll.u32 s0, $0xA;
	s2 =	sadd.s32 s3, s2  }
0x8d: {  	s2 =	sadd.s32 s2, s16  }
0x8e: {  	[smem:$0x3FBD] =	sst s2  }
0x8f: {  	_ = 	snop  }
0x90: {  	(tm) =	ssettm $0x1  }
0x91: {  	s17 =	sld [smem:$0x3FFB];
	_ =	sdelay $0x3  }
0x92: {  	_ =	strace s17  }
0x93: {  	s2 =	sld [smem:$0x3FFC];
	_ =	sdelay $0x3  }
0x94: {  	_ =	strace s2  }
0x95: {  	s2 =	sld [smem:$0x3FFD];
	_ =	sdelay $0x3  }
0x96: {  	_ =	strace s2  }
0x97: {  	_ =	strace $0x8FFFFFFF  }
0x98: {  	s18 =	sld [smem:$0x3FDB];
	_ =	sdelay $0x1  }
0x99: {  	s19 =	simm.s32 $_scs_section_size  }
0x9a: {  	s4 =	simm.s32 $_size__tile_overlayer_lowered;
	s5 =	simm.s32 $_tile_overlayer_lowered  }
0x9b: {  	s22 =	simm.s32 $0x1BFF;
	s21 =	sshll.u32 s5, $0x1;
	s2 =	sadd.s32 s19, s18  }
0x9c: {  	s6 =	simm.s32 $0x0;
	s20 =	sshll.u32 s4, $0x1;
	s4 =	sadd.s32 s21, s2  }
0x9d: {  	[timem:s6], [sflag:s22] =	dma.local [hbm:s4], s20  }
0x9e: {  	_ =	swait.ge [sflag:s22], s20  }
0x9f: {  	s3 =	ssub.s32 $0x0, s20;
	[sflag:s22] =	ssyncset.done $0x0  }
0xa0: {  	[sflag:s22] =	ssyncadd.s32 s3;
	_ =	sdelay $0x1  }
0xa1: {  	s23 =	simm.s32 $0x1B8B  }
0xa2: {  	_ =	swait.ge [sflag:s23], $0x1  }
0xa3: {  	[sflag:s23] =	ssyncset.done $0x0  }
0xa4: {  	s25 =	simm.s32 $0x1B8E;
	s24 =	sld [smem:$0x3FFE];
	[sflag:s23] =	ssyncadd.s32 $0xFFFFFFFF  }
0xa5: {  	s26 =	simm.s32 $execute0_lowered;
	[smem:$0x3FD2] =	sst s25  }
0xa6: {  	s4 =	sshll.u32 s26, $0x1;
	_ =	strace $0x80000046;
	[dreg:$0x1] =	wrdreg $0xFFFFFFFF  }
0xa7: {  	s28 =	simm.s32 $_size_execute0_lowered;
	s2 =	sadd.s32 s2, s4;
	[dreg:$0x0] =	wrdreg $0x0  }
0xa8: {  	s4 =	sshll.u32 s28, $0x1;
	[dreg:$0x2] =	wrdreg s2  }
0xa9: {  	[dreg:$0x3] =	wrdreg s4  }
0xaa: {  	[dreg:$0x4] =	wrdreg $0xC0  }
0xab: {  	_ =	task [dreg:s6], $0x5FFFF  }
0xac: {  	[dreg:$0x1] =	wrdreg $0xFFFFFFFF  }
0xad: {  	[dreg:$0x0] =	wrdreg $0x60  }
0xae: {  	[dreg:$0x2] =	wrdreg s24  }
0xaf: {  	[dreg:$0x3] =	wrdreg $0xAC000  }
0xb0: {  	[dreg:$0x4] =	wrdreg $0x9  }
0xb1: {  	_ =	task.clear_ibuf [dreg:s6], $0x5FFFF;
	_ =	strace $0x90000046  }
0xb2: {  	s29 =	simm.s32 $0x9;
	_ =	strace $0x80000048  }
0xb3: {  	_ =	swait.ge [sflag:s29], $0x1  }
0xb4: {  	[sflag:s29] =	ssyncadd.s32 $0xFFFFFFFF  }
0xb5: {  	_ =	strace $0x90000048  }
0xb6: {  	_ =	sfence  }
0xb7: {  	s30 =	sld [smem:$0x0];
	_ =	sdelay $0x2  }
0xb8: {  	s31 =	sshll.u32 s1, $0xD;
	s1 =	sshrl.u32 s1, $0x2  }
0xb9: {  	s3 =	sand.u32 $0x4000, s31;
	s1 =	sadd.s32 s1, s30  }
0xba: {  	s0 =	sor.u32 s3, s0;
	s1 =	sshll.u32 s1, $0x11  }
0xbb: {  	s0 =	sor.u32 s1, s0  }
0xbc: {  	s0 =	sadd.s32 $0x8F2B, s0  }
0xbd: {  	[sflag:s0] =	ssyncadd.remote.s32 $0x1  }
0xbe: {  	_ =	sfence.sel $0xFFFF  }
0xbf: {  	[dreg:$0x0] =	wrdreg $0xFFFFFFFF;
	(pc) =	sbr.abs _section_cstart, $3  }
0xc0: {  	[dreg:$0x1] =	wrdreg $0xFFFFFFFF  }
0xc1: {  	_ =	task.clear_ibuf [dreg:s6], $0x2FFFF;
	_ =	strace $0x9FFFFFFF  }
0xc2: {  	(tm) =	ssettm $0x7FFFFFFF  }
0xc3: {  	_ =	shalt  }
tec
execute0_lowered:
.L_overlay_start_1:
0x0: {  	(tag) =	ssettag $0x1  }
0x1: {  	s0 =	rddreg [dreg:$0x0];
	s1 =	srdreg.scid  }
0x2: {  	s13 =	stileid.u32;
	s2 =	rddreg [dreg:$0x1]  }
0x3: {  	s3 =	simm.s32 $0x0;
	s28 =	simm.s32 $0x3;
	s29 =	simm.s32 $0x2  }
0x4: {  	s30 =	simm.s32 $0x4;
	s1 =	sand.u32 $0x1, s1;
	s7 =	smul.u32 $0x50000, s13  }
0x5: {  	[smem:$0x7FF] =	sst s3;
	s8 =	sadd.s32 $0x504400, s0;
	s14 =	smul.u32 $0x14000, s13  }
0x6: {  	s4 =	sshll.u32 s13, $0x1;
	s21 =	smul.u32 $0x290000, s13;
	_ =	strace $0x80000047  }
0x7: {  	s5 =	sor.u32 s1, s4;
	s4 =	sadd.s32 $0x9E6400, s0;
	s20 =	smul.u32 $0x140000, s1  }
0x8: {  	s24 =	ssub.s32 $0x2, s1;
	[dreg:$0x3] =	wrdreg s8;
	s1 =	smul.u32 $0x148000, s1  }
0x9: {  	s6 =	smul.u32 $0x580, s5;
	s25 =	sshrl.u32 s24, $0x1;
	s26 =	sshrl.u32 s7, $0x2  }
0xa: {  	s15 =	sadd.s32 $0x4000, s14;
	s16 =	sadd.s32 $0x8000, s14;
	s5 =	smul.u32 $0x29000, s5  }
0xb: {  	s17 =	sadd.s32 $0xC000, s14;
	s18 =	sadd.s32 $0x10000, s14;
	s19 =	ssub.s32 s24, s25  }
0xc: {  	s7 =	sadd.s32 s15, s2;
	s8 =	sadd.s32 s16, s2;
	s9 =	sadd.s32 s17, s2  }
0xd: {  	s10 =	sadd.s32 s18, s2;
	s14 =	sadd.s32 s14, s20;
	s15 =	sadd.s32 s20, s15  }
0xe: {  	s16 =	sadd.s32 s20, s16;
	s23 =	sadd.s32 s20, s17;
	s1 =	sadd.s32 s1, s21  }
0xf: {  	s24 =	sadd.s32 s20, s18;
	s12 =	sadd.s32 s6, s0;
	s0 =	sadd.s32 $0x504C00, s0  }
0x10: {  	s6 =	sadd.s32 s26, s2;
	s11 =	sadd.s32 s4, s5;
	s5 =	sshrl.u32 s14, $0x3  }
0x11: {  	s22 =	sshrl.u32 s16, $0x3;
	s25 =	sadd.s32 $0xC000, s1;
	s26 =	sshrl.u32 s24, $0x3  }
0x12: {  	s19 =	smax.u32 s19, $0x1;
	s21 =	sadd.s32 $0x8000, s1;
	s24 =	simm.s32 $0x6C00  }
0x13: {  	s31 =	sadd.s32 $0x17400, s12;
	s12 =	sadd.s32 $0x800, s11;
	s14 =	sadd.s32 s0, s5  }
0x14: {  	s16 =	sadd.s32 s0, s22;
	s5 =	sshrl.u32 s23, $0x3;
	s18 =	sadd.s32 s0, s26  }
0x15: {  	s22 =	simm.s32 $0x2C00;
	s23 =	simm.s32 $0x5;
	[dreg:$0x4] =	wrdreg s31  }
0x16: {  	s26 =	simm.s32 $0x80;
	[dreg:$0x5] =	wrdreg s12;
	s12 =	sshrl.u32 s15, $0x3  }
0x17: {  	s17 =	sadd.s32 s0, s5;
	s31 =	sshrl.u32 s25, $0x3;
	s25 =	simm.s32 $0x1  }
0x18: {  	s15 =	sadd.s32 s0, s12;
	s20 =	sadd.s32 s31, s4;
	s0 =	simm.s32 $0x0  }
.LBB2_1:
0x19: {  	s1 =	rddreg [dreg:$0x3]  }
0x1a: {  	[tilespmem:s22], [sflag:$0x5] =	stream.linear.gather [hbm4b:s1+s3], $0x4000, $0x38;
	[tilespmem:$0x1EC00] =	vst v63  }
0x1b: {  	_ =	swait.ge [sflag:s23], $0x4000  }
0x1c: {  	[sflag:s23] =	ssyncset.done $0x0  }
0x1d: {  	[sflag:s23] =	ssyncadd.s32 $0xFFFFC000  }
0x1e: {  	[spmem:s6] =	stream.linear.scatter [tilespmem:s22], [sflag:$0x5], $0x4000, $0x38;
	[tilespmem:$0x1EC00] =	vst v63  }
0x1f: {  	_ =	swait.ge [sflag:s23], $0x4000  }
0x20: {  	[sflag:s23] =	ssyncset.done $0x0  }
0x21: {  	[sflag:s23] =	ssyncadd.s32 $0xFFFFC000  }
0x22: {  	[spmem:s7] =	stream.linear.scatter [tilespmem:s22], [sflag:$0x5], $0x4000, $0x38;
	[tilespmem:$0x1EC00] =	vst v63  }
0x23: {  	_ =	swait.ge [sflag:s23], $0x4000  }
0x24: {  	[sflag:s23] =	ssyncset.done $0x0  }
0x25: {  	[sflag:s23] =	ssyncadd.s32 $0xFFFFC000  }
0x26: {  	[spmem:s8] =	stream.linear.scatter [tilespmem:s22], [sflag:$0x5], $0x4000, $0x38;
	[tilespmem:$0x1EC00] =	vst v63  }
0x27: {  	_ =	swait.ge [sflag:s23], $0x4000  }
0x28: {  	[sflag:s23] =	ssyncset.done $0x0  }
0x29: {  	[sflag:s23] =	ssyncadd.s32 $0xFFFFC000  }
0x2a: {  	[spmem:s9] =	stream.linear.scatter [tilespmem:s22], [sflag:$0x5], $0x4000, $0x38;
	[tilespmem:$0x1EC00] =	vst v63  }
0x2b: {  	_ =	swait.ge [sflag:s23], $0x4000  }
0x2c: {  	[sflag:s23] =	ssyncset.done $0x0  }
0x2d: {  	[sflag:s23] =	ssyncadd.s32 $0xFFFFC000  }
0x2e: {  	[spmem:s10] =	stream.linear.scatter [tilespmem:s22], [sflag:$0x5], $0x4000, $0x38;
	[tilespmem:$0x1EC00] =	vst v63  }
0x2f: {  	_ =	swait.ge [sflag:s23], $0x4000  }
0x30: {  	[sflag:s23] =	ssyncset.done $0x0  }
0x31: {  	[sflag:s23] =	ssyncadd.s32 $0xFFFFC000  }
0x32: {  	[bflag:$0x0] =	sbarrier.arrive $0xFFFF  }
0x33: {  	s13 =	rddreg [dreg:$0x4]  }
0x34: {  	[tilespmem:s3], [sflag:$0x5] =	stream.linear.gather [hbm4b:s13+s3], $0x2900, $0x38;
	[tilespmem:$0x1EC00] =	vst v63  }
0x35: {  	_ =	swait.ge [sflag:s23], $0x2900  }
0x36: {  	[sflag:s23] =	ssyncset.done $0x0  }
0x37: {  	[sflag:s23] =	ssyncadd.s32 $0xFFFFD700  }
0x38: {  	[tilespmem:s22], [sflag:$0x1] =	stream.linear.gather [hbm4b:s11+s3], $0x4000, $0x38;
	[tilespmem:$0x1EC00] =	vst v63  }
0x39: {  	s5 =	rddreg [dreg:$0x5]  }
0x3a: {  	[tilespmem:s24], [sflag:$0x2] =	stream.linear.gather [hbm4b:s5+s3], $0x4000, $0x38;
	[tilespmem:$0x1EC00] =	vst v63  }
0x3b: {  	_ =	swait.ge [sflag:s25], $0x4000  }
0x3c: {  	[sflag:s25] =	ssyncset.done $0x0  }
0x3d: {  	s12 =	simm.s32 $0x0;
	[sflag:s25] =	ssyncadd.s32 $0xFFFFC000  }
0x3e: {  	[spmem:s2] =	stream.indirect.scatter.add.f32 [tilespmem:s22], [sflag:$0x3], $0x80, s12, s26, $0xb8;
	[tilespmem:$0x1EC00] =	vst v63  }
0x3f: {  	_ =	swait.ge [sflag:s28], $0x4000  }
0x40: {  	s13 =	sshrl.u32 s21, $0x3;
	[sflag:s28] =	ssyncset.done $0x0  }
0x41: {  	s1 =	sadd.s32 s4, s13;
	[sflag:s28] =	ssyncadd.s32 $0xFFFFC000  }
0x42: {  	[tilespmem:s22], [sflag:$0x1] =	stream.linear.gather [hbm4b:s1+s3], $0x4000, $0x38;
	[tilespmem:$0x1EC00] =	vst v63  }
0x43: {  	_ =	swait.ge [sflag:s29], $0x4000  }
0x44: {  	[sflag:s29] =	ssyncset.done $0x0  }
0x45: {  	[sflag:s29] =	ssyncadd.s32 $0xFFFFC000  }
0x46: {  	[spmem:s2] =	stream.indirect.scatter.add.f32 [tilespmem:s24], [sflag:$0x4], $0x80, s26, s26, $0xb8;
	[tilespmem:$0x1EC00] =	vst v63  }
0x47: {  	_ =	swait.ge [sflag:s30], $0x4000  }
0x48: {  	s31 =	simm.s32 $0x1000;
	s5 =	simm.s32 $0x180;
	[sflag:s30] =	ssyncset.done $0x0  }
0x49: {  	s12 =	sadd.s32 $0x0, s20;
	s1 =	sadd.s32 $0x8000, s21;
	[sflag:s30] =	ssyncadd.s32 $0xFFFFC000  }
.LBB2_2:
0x4a: {  	[tilespmem:s24], [sflag:$0x2] =	stream.linear.gather [hbm4b:s12+s3], $0x4000, $0x38;
	[tilespmem:$0x1EC00] =	vst v63  }
0x4b: {  	s12 =	smov.u32 s31  }
0x4c: {  	p0 =	sne.s32 s31, $0x27000;
	s31 =	sadd.s32 $0x1000, s31;
	_ =	swait.ge [sflag:s25], $0x4000  }
0x4d: {  	[sflag:s25] =	ssyncset.done $0x0  }
0x4e: {  	s13 =	sadd.s32 $0xFFFFFF80, s5;
	[sflag:s25] =	ssyncadd.s32 $0xFFFFC000  }
0x4f: {  	[spmem:s2] =	stream.indirect.scatter.add.f32 [tilespmem:s22], [sflag:$0x3], $0x80, s13, s26, $0xb8;
	[tilespmem:$0x1EC00] =	vst v63  }
0x50: {  	_ =	swait.ge [sflag:s28], $0x4000  }
0x51: {  	s13 =	sshrl.u32 s1, $0x3;
	[sflag:s28] =	ssyncset.done $0x0  }
0x52: {  	s13 =	sadd.s32 s4, s13;
	[sflag:s28] =	ssyncadd.s32 $0xFFFFC000  }
0x53: {  	[tilespmem:s22], [sflag:$0x1] =	stream.linear.gather [hbm4b:s13+s3], $0x4000, $0x38;
	[tilespmem:$0x1EC00] =	vst v63  }
0x54: {  	_ =	swait.ge [sflag:s29], $0x4000  }
0x55: {  	[sflag:s29] =	ssyncset.done $0x0  }
.Ltmp0:
0x56: {  	[sflag:s29] =	ssyncadd.s32 $0xFFFFC000;
	(pc) =	sbr.rel @p0 .LBB2_2-.Ltmp0, $4  }
0x57: {  	[spmem:s2] =	stream.indirect.scatter.add.f32 [tilespmem:s24], [sflag:$0x4], $0x80, s5, s26, $0xb8;
	[tilespmem:$0x1EC00] =	vst v63  }
0x58: {  	_ =	swait.ge [sflag:s30], $0x4000  }
0x59: {  	s1 =	sadd.s32 $0x8000, s1;
	[sflag:s30] =	ssyncset.done $0x0  }
0x5a: {  	s12 =	sadd.s32 s12, s20;
	s5 =	sadd.s32 $0x100, s5;
	[sflag:s30] =	ssyncadd.s32 $0xFFFFC000  }
0x5b: {  	[tilespmem:s24], [sflag:$0x2] =	stream.linear.gather [hbm4b:s12+s3], $0x4000, $0x38;
	[tilespmem:$0x1EC00] =	vst v63  }
0x5c: {  	_ =	swait.ge [sflag:s25], $0x4000  }
0x5d: {  	[sflag:s25] =	ssyncset.done $0x0  }
0x5e: {  	s1 =	simm.s32 $0x2800;
	[sflag:s25] =	ssyncadd.s32 $0xFFFFC000  }
0x5f: {  	[spmem:s2] =	stream.indirect.scatter.add.f32 [tilespmem:s22], [sflag:$0x3], $0x80, s1, s26, $0xb8;
	[tilespmem:$0x1EC00] =	vst v63  }
0x60: {  	_ =	swait.ge [sflag:s28], $0x4000  }
0x61: {  	[sflag:s28] =	ssyncset.done $0x0  }
0x62: {  	[sflag:s28] =	ssyncadd.s32 $0xFFFFC000  }
0x63: {  	_ =	swait.ge [sflag:s29], $0x4000  }
0x64: {  	[sflag:s29] =	ssyncset.done $0x0  }
0x65: {  	s31 =	simm.s32 $0x2880;
	[sflag:s29] =	ssyncadd.s32 $0xFFFFC000  }
0x66: {  	[spmem:s2] =	stream.indirect.scatter.add.f32 [tilespmem:s24], [sflag:$0x4], $0x80, s31, s26, $0xb8;
	[tilespmem:$0x1EC00] =	vst v63  }
0x67: {  	_ =	swait.ge [sflag:s30], $0x4000  }
0x68: {  	[sflag:s30] =	ssyncset.done $0x0  }
0x69: {  	[sflag:s30] =	ssyncadd.s32 $0xFFFFC000  }
0x6a: {  	[bflag:$0x0] =	sbarrier.arrive $0xFFFF  }
0x6b: {  	[tilespmem:s22], [sflag:$0x5] =	stream.linear.gather [spmem:s6], $0x4000, $0x38;
	[tilespmem:$0x1EC00] =	vst v63  }
0x6c: {  	_ =	swait.ge [sflag:s23], $0x4000  }
0x6d: {  	[sflag:s23] =	ssyncset.done $0x0  }
0x6e: {  	[sflag:s23] =	ssyncadd.s32 $0xFFFFC000  }
0x6f: {  	[hbm4b:s14+s3] =	stream.linear.scatter [tilespmem:s22], [sflag:$0x5], $0x4000, $0x38;
	[tilespmem:$0x1EC00] =	vst v63  }
0x70: {  	_ =	swait.ge [sflag:s23], $0x4000  }
0x71: {  	[sflag:s23] =	ssyncset.done $0x0  }
0x72: {  	[sflag:s23] =	ssyncadd.s32 $0xFFFFC000  }
0x73: {  	[tilespmem:s22], [sflag:$0x5] =	stream.linear.gather [spmem:s7], $0x4000, $0x38;
	[tilespmem:$0x1EC00] =	vst v63  }
0x74: {  	_ =	swait.ge [sflag:s23], $0x4000  }
0x75: {  	[sflag:s23] =	ssyncset.done $0x0  }
0x76: {  	[sflag:s23] =	ssyncadd.s32 $0xFFFFC000  }
0x77: {  	[hbm4b:s15+s3] =	stream.linear.scatter [tilespmem:s22], [sflag:$0x5], $0x4000, $0x38;
	[tilespmem:$0x1EC00] =	vst v63  }
0x78: {  	_ =	swait.ge [sflag:s23], $0x4000  }
0x79: {  	[sflag:s23] =	ssyncset.done $0x0  }
0x7a: {  	[sflag:s23] =	ssyncadd.s32 $0xFFFFC000  }
0x7b: {  	[tilespmem:s22], [sflag:$0x5] =	stream.linear.gather [spmem:s8], $0x4000, $0x38;
	[tilespmem:$0x1EC00] =	vst v63  }
0x7c: {  	_ =	swait.ge [sflag:s23], $0x4000  }
0x7d: {  	[sflag:s23] =	ssyncset.done $0x0  }
0x7e: {  	[sflag:s23] =	ssyncadd.s32 $0xFFFFC000  }
0x7f: {  	[hbm4b:s16+s3] =	stream.linear.scatter [tilespmem:s22], [sflag:$0x5], $0x4000, $0x38;
	[tilespmem:$0x1EC00] =	vst v63  }
0x80: {  	_ =	swait.ge [sflag:s23], $0x4000  }
0x81: {  	[sflag:s23] =	ssyncset.done $0x0  }
0x82: {  	[sflag:s23] =	ssyncadd.s32 $0xFFFFC000  }
0x83: {  	[tilespmem:s22], [sflag:$0x5] =	stream.linear.gather [spmem:s9], $0x4000, $0x38;
	[tilespmem:$0x1EC00] =	vst v63  }
0x84: {  	_ =	swait.ge [sflag:s23], $0x4000  }
0x85: {  	[sflag:s23] =	ssyncset.done $0x0  }
0x86: {  	[sflag:s23] =	ssyncadd.s32 $0xFFFFC000  }
0x87: {  	[hbm4b:s17+s3] =	stream.linear.scatter [tilespmem:s22], [sflag:$0x5], $0x4000, $0x38;
	[tilespmem:$0x1EC00] =	vst v63  }
0x88: {  	_ =	swait.ge [sflag:s23], $0x4000  }
0x89: {  	[sflag:s23] =	ssyncset.done $0x0  }
0x8a: {  	[sflag:s23] =	ssyncadd.s32 $0xFFFFC000  }
0x8b: {  	[tilespmem:s22], [sflag:$0x5] =	stream.linear.gather [spmem:s10], $0x4000, $0x38;
	[tilespmem:$0x1EC00] =	vst v63  }
0x8c: {  	s0 =	sadd.s32 $0x1, s0;
	_ =	swait.ge [sflag:s23], $0x4000  }
0x8d: {  	p0 =	sne.s32 s0, s19;
	[sflag:s23] =	ssyncset.done $0x0  }
.Ltmp1:
0x8e: {  	[sflag:s23] =	ssyncadd.s32 $0xFFFFC000;
	(pc) =	sbr.rel @p0 .LBB2_1-.Ltmp1, $4  }
0x8f: {  	[hbm4b:s18+s3] =	stream.linear.scatter [tilespmem:s22], [sflag:$0x5], $0x4000, $0x38;
	[tilespmem:$0x1EC00] =	vst v63  }
0x90: {  	_ =	swait.ge [sflag:s23], $0x4000  }
0x91: {  	[sflag:s23] =	ssyncset.done $0x0  }
0x92: {  	[sflag:s23] =	ssyncadd.s32 $0xFFFFC000  }
0x93: {  	_ =	sfence.sel $0x180000  }
0x94: {  	[bflag:$0x0] =	sbarrier.arrive $0xFFFF  }
0x95: {  	_ =	strace $0x90000047  }
0x96: {  	s0 =	stileid.u32;
	[bflag:$0x2] =	sbarrier.arrive $0xFFFF  }
0x97: {  	p0 =	sne.s32 s0, $0x0;
	s0 =	rddreg [dreg:$0x2]  }
0x98: {  	s0 =	sadd.s32 @!p0 $0x100000, s0  }
0x99: {  	[sflag:s0] =	ssyncadd.tile.s32 @!p0 $0x1;
	_ =	shalt  }
.Lfunc_end2:
_tile_overlayer_lowered:
.L_overlay_start_2:
0x9a: {  	(tag) =	ssettag $0x2  }
0x9b: {  	s0 =	rddreg [dreg:$0x0];
	s2 =	stileid.u32  }
0x9c: {  	s1 =	rddreg [dreg:$0x1];
	p0 =	sne.s32 s2, $0x0  }
0x9d: {  	s3 =	rddreg [dreg:$0x2];
	[bflag:$0x3] =	sbarrier.arrive $0xFFFF;
	s2 =	simm.s32 @!p0 $0x1C05  }
0x9e: {  	[timem:s3], [sflag:s2] =	dma.local @!p0 [hbm:s0], s1  }
0x9f: {  	s0 =	simm.s32 @!p0 $0x5  }
0xa0: {  	_ =	swait.ge @!p0 [sflag:s0], s1  }
0xa1: {  	s1 =	ssub.s32 @!p0 $0x0, s1;
	[sflag:s0] =	ssyncset.done @!p0 $0x0  }
0xa2: {  	[sflag:s0] =	ssyncadd.s32 @!p0 s1  }
0xa3: {  	[bflag:$0x3] =	sbarrier.arrive $0xFFFF  }
0xa4: {  	_ =	shalt  }

</sc_bundles>
